<compile_context>
chip_gen: v7x
topology: tpu7x:2x2x1
jax: 0.10.2.dev20260603
libtpu: 0.0.44.dev20260713+nightly
codegen_flags: <defaults>
</compile_context>

<pallas_src>
import functools

import jax
import jax.numpy as jnp
from jax import lax
from jax.experimental import pallas as pl
from jax.experimental.pallas import tpu as pltpu
from jax.experimental.pallas import tpu_sc as plsc


@functools.lru_cache(maxsize=None)
def _make_gather(V, D, batch, hist):
    info = plsc.get_sparse_core_info()
    NC, NS = info.num_cores, info.num_subcores
    NW = NC * NS
    assert batch % NW == 0
    rows_per_w = batch // NW

    mesh = plsc.VectorSubcoreMesh(core_axis_name="c", subcore_axis_name="s")

    assert hist % 2 == 0 and rows_per_w % 16 == 0 and D % 16 == 0

    @functools.partial(
        pl.kernel,
        mesh=mesh,
        out_type=jax.ShapeDtypeStruct((hist, D, batch), jnp.float32),
        compiler_params=pltpu.CompilerParams(
            use_tc_tiling_on_sc=False, needs_layout_passes=False),
        scratch_types=[
            pltpu.VMEM((rows_per_w, hist), jnp.int32),
            pltpu.VMEM((hist, rows_per_w), jnp.int32),
            pltpu.VMEM((2, rows_per_w, D), jnp.float32),
            pltpu.VMEM((2, D, rows_per_w), jnp.float32),
            pltpu.SemaphoreType.DMA,
            pltpu.SemaphoreType.DMA,
            pltpu.SemaphoreType.DMA,
            pltpu.SemaphoreType.DMA,
        ],
    )
    def k(idx_hbm, table_hbm, out_hbm, raw_v, idx_v, rows_v, stage_v,
          sem0, sem1, osem0, osem1):
        cid = lax.axis_index("c")
        sid = lax.axis_index("s")
        wid = sid * NC + cid
        base = wid * rows_per_w
        pltpu.sync_copy(idx_hbm.at[wid], raw_v)
        lanes = lax.iota(jnp.int32, 16)

        def idx_body(h, carry):
            col = jnp.full((16,), 0, jnp.int32) + h
            for kk in range(rows_per_w // 16):
                vals = plsc.load_gather(raw_v, [lanes + kk * 16, col])
                idx_v[h, pl.ds(kk * 16, 16)] = vals
            return carry

        lax.fori_loop(0, hist, idx_body, 0)

        def start(h, buf, sem):
            return pltpu.async_copy(
                table_hbm.at[idx_v.at[h]], rows_v.at[buf], sem)

        def wait(h, buf, sem):
            pltpu.make_async_copy(
                table_hbm.at[idx_v.at[h]], rows_v.at[buf], sem).wait()

        def out_ref(h, st):
            return out_hbm.at[h].at[:, pl.ds(base, rows_per_w)]

        def emit(h, buf, st, osem, first):
            src = rows_v.at[buf]

            @pl.when(jnp.logical_not(first))
            def _():
                pltpu.make_async_copy(
                    stage_v.at[st], out_ref(h, st), osem).wait()

            def d_body(d, carry):
                col = jnp.full((16,), 0, jnp.int32) + d
                for kk in range(rows_per_w // 16):
                    vals = plsc.load_gather(src, [lanes + kk * 16, col])
                    stage_v[st, d, pl.ds(kk * 16, 16)] = vals
                return carry

            lax.fori_loop(0, D, d_body, 0)
            pltpu.async_copy(stage_v.at[st], out_ref(h, st), osem)

        start(0, 0, sem0)

        def h_body(hh, carry):
            h0 = hh * 2
            first = hh == 0
            start(h0 + 1, 1, sem1)
            wait(h0, 0, sem0)
            emit(h0, 0, 0, osem0, first)

            @pl.when(hh + 1 < hist // 2)
            def _():
                start(h0 + 2, 0, sem0)

            wait(h0 + 1, 1, sem1)
            emit(h0 + 1, 1, 1, osem1, first)
            return carry

        lax.fori_loop(0, hist // 2, h_body, 0)
        pltpu.make_async_copy(
            stage_v.at[0], out_ref(hist - 2, 0), osem0).wait()
        pltpu.make_async_copy(
            stage_v.at[1], out_ref(hist - 1, 1), osem1).wait()

    return k, NW, rows_per_w


def kernel(x, table):
    batch, hist = x.shape
    V, D = table.shape
    k, NW, rows_per_w = _make_gather(V, D, batch, hist)
    idx = x.astype(jnp.int32).reshape(NW, rows_per_w, hist)
    return k(idx, table).transpose(2, 0, 1)

# --- scband reference (transcript-rebuilt; emitter-appended) ---
"""Pipeline reference for scband-input-processing-2568390443664 (READ-ONLY COPY).

The authoritative reference and input builder live on the scoring server;
editing this copy changes nothing except your own understanding.
"""

import jax, jax.numpy as jnp
import numpy as np

VOCAB = 1000000
EMBED_DIM = 32
BATCH = 16384
HIST = 50

def setup_inputs(seed: int = 0) -> dict:
    key = jax.random.key(seed)
    k_idx, k_tab = jax.random.split(key)
    x = jax.random.randint(k_idx, (BATCH, HIST), 0, VOCAB, dtype=jnp.int64 if jax.config.jax_enable_x64 else jnp.int32)
    table = jax.random.normal(k_tab, (VOCAB, EMBED_DIM), dtype=jnp.float32)
    return {"x": x, "table": table}

def reference(x, table):
    # nn.Embedding forward: gather rows of the table by index
    return jnp.take(table, x, axis=0)

if __name__ == "__main__":
    import jax
    _d = setup_inputs()
    print(jax.jit(kernel)(*tuple(_d.values())))

</pallas_src>

<mosaic_0001>
#map = affine_map<(d0, d1) -> (0, 0, 0)>
#map1 = affine_map<(d0, d1) -> (0, 0)>
module attributes {stable_mosaic.version = 14 : i64} {
  func.func @k(%arg0: i32, %arg1: i32, %arg2: memref<32x512x50xi32, #tpu.memory_space<hbm>>, %arg3: memref<1000000x32xf32, #tpu.memory_space<hbm>>, %arg4: memref<50x32x16384xf32, #tpu.memory_space<hbm>>, %arg5: memref<512x50xi32, #tpu.memory_space<vmem>>, %arg6: memref<50x512xi32, #tpu.memory_space<vmem>>, %arg7: memref<2x512x32xf32, #tpu.memory_space<vmem>>, %arg8: memref<2x32x512xf32, #tpu.memory_space<vmem>>, %arg9: memref<!tpu.dma_semaphore, #tpu.memory_space<semaphore_mem>>, %arg10: memref<!tpu.dma_semaphore, #tpu.memory_space<semaphore_mem>>, %arg11: memref<!tpu.dma_semaphore, #tpu.memory_space<semaphore_mem>>, %arg12: memref<!tpu.dma_semaphore, #tpu.memory_space<semaphore_mem>>) attributes {dimension_semantics = [#tpu.dimension_semantics<core_parallel>, #tpu.dimension_semantics<subcore_parallel>], iteration_bounds = array<i64: 2, 16>, scalar_prefetch = 0 : i64, scratch_operands = 8 : i64, tpu.core_type = #tpu.core_type<sc_vector_subcore>, window_params = [{transform_indices = #map}, {transform_indices = #map1}, {transform_indices = #map}]} {
    %mul3A = arith.constant 2 : i32
    %mul3A_0 = arith.muli %arg1, %mul3A : i32
    %add3A = arith.addi %mul3A_0, %arg0 : i32
    %mul3A_1 = arith.constant 512 : i32
    %mul3A_2 = arith.muli %add3A, %mul3A_1 : i32
    "tpu.region"() ({
      %run_scoped3A = tpu.sem_alloc : memref<!tpu.dma_semaphore, #tpu.memory_space<semaphore_mem>>
      %dma_start3A_68 = arith.constant 0 : i32
      %dma_start3A_69 = arith.constant 0 : i32
      %dma_start3A_70 = tpu.memref_slice %arg2[%add3A, %dma_start3A_68, %dma_start3A_69] : memref<32x512x50xi32, #tpu.memory_space<hbm>> -> memref<1x512x50xi32, #tpu.memory_space<hbm>>
      %dma_start3A_71 = tpu.memref_squeeze %dma_start3A_70 : memref<1x512x50xi32, #tpu.memory_space<hbm>> -> memref<512x50xi32, #tpu.memory_space<hbm>>
      %dma_start3A_72 = arith.constant 0 : i32
      %dma_start3A_73 = arith.constant 0 : i32
      %dma_start3A_74 = tpu.memref_slice %arg2[%add3A, %dma_start3A_72, %dma_start3A_73] : memref<32x512x50xi32, #tpu.memory_space<hbm>> -> memref<1x512x50xi32, #tpu.memory_space<hbm>>
      %dma_start3A_75 = tpu.memref_squeeze %dma_start3A_74 : memref<1x512x50xi32, #tpu.memory_space<hbm>> -> memref<512x50xi32, #tpu.memory_space<hbm>>
      tpu.enqueue_dma source(%dma_start3A_75 : memref<512x50xi32, #tpu.memory_space<hbm>>) target(%arg5 : memref<512x50xi32, #tpu.memory_space<vmem>>) target_semaphore(%run_scoped3A : memref<!tpu.dma_semaphore, #tpu.memory_space<semaphore_mem>>)
      %dma_wait3A_76 = arith.constant 0 : i32
      %dma_wait3A_77 = arith.constant 0 : i32
      %dma_wait3A_78 = tpu.memref_slice %arg2[%add3A, %dma_wait3A_76, %dma_wait3A_77] : memref<32x512x50xi32, #tpu.memory_space<hbm>> -> memref<1x512x50xi32, #tpu.memory_space<hbm>>
      %dma_wait3A_79 = tpu.memref_squeeze %dma_wait3A_78 : memref<1x512x50xi32, #tpu.memory_space<hbm>> -> memref<512x50xi32, #tpu.memory_space<hbm>>
      %dma_wait3A_80 = arith.constant 0 : i32
      %dma_wait3A_81 = arith.constant 0 : i32
      %dma_wait3A_82 = tpu.memref_slice %arg2[%add3A, %dma_wait3A_80, %dma_wait3A_81] : memref<32x512x50xi32, #tpu.memory_space<hbm>> -> memref<1x512x50xi32, #tpu.memory_space<hbm>>
      %dma_wait3A_83 = tpu.memref_squeeze %dma_wait3A_82 : memref<1x512x50xi32, #tpu.memory_space<hbm>> -> memref<512x50xi32, #tpu.memory_space<hbm>>
      tpu.wait_dma2 semaphore(%run_scoped3A : memref<!tpu.dma_semaphore, #tpu.memory_space<semaphore_mem>>) src(%dma_wait3A_83 : memref<512x50xi32, #tpu.memory_space<hbm>>) dst(%arg5 : memref<512x50xi32, #tpu.memory_space<vmem>>)
      tpu.yield
    }) : () -> ()
    %iota3A = tpu.iota {dimensions = array<i32: 0>} : vector<16xi32>
    %scan3A = arith.constant 0 : i32
    %scan3A_3 = arith.constant 0 : i32
    %scan3A_4 = arith.constant 50 : i32
    %scan3A_5 = arith.addi %scan3A_3, %scan3A_4 : i32
    %scan3A_6 = arith.constant 1 : i32
    scf.for %scan3A_68 = %scan3A_3 to %scan3A_5 step %scan3A_6  : i32 {
      %broadcast_in_dim3A = arith.constant 0 : i32
      %broadcast_in_dim3A_69 = vector.broadcast %broadcast_in_dim3A : i32 to vector<16xi32>
      %add3A_70 = vector.broadcast %scan3A_68 : i32 to vector<16xi32>
      %add3A_71 = arith.addi %broadcast_in_dim3A_69, %add3A_70 : vector<16xi32>
      %add3A_72 = arith.constant 0 : i32
      %add3A_73 = vector.broadcast %add3A_72 : i32 to vector<16xi32>
      %add3A_74 = arith.addi %iota3A, %add3A_73 : vector<16xi32>
      %gather3A = tpu.vector_load_idx %arg5[%add3A_74, %add3A_71] : memref<512x50xi32, #tpu.memory_space<vmem>>[vector<16xi32>, vector<16xi32>], vector<16xi32>,
      %swap3A = arith.index_cast %scan3A_68 : i32 to index
      %swap3A_75 = arith.constant 0 : index
      %swap3A_76 = tpu.vector_load %arg6[%swap3A, %swap3A_75] {strides = array<i32>} : memref<50x512xi32, #tpu.memory_space<vmem>>, vector<16xi32>,
      tpu.vector_store %arg6[%swap3A, %swap3A_75], %gather3A {strides = array<i32>} : memref<50x512xi32, #tpu.memory_space<vmem>>, vector<16xi32>,
      %add3A_77 = arith.constant 16 : i32
      %add3A_78 = vector.broadcast %add3A_77 : i32 to vector<16xi32>
      %add3A_79 = arith.addi %iota3A, %add3A_78 : vector<16xi32>
      %gather3A_80 = tpu.vector_load_idx %arg5[%add3A_79, %add3A_71] : memref<512x50xi32, #tpu.memory_space<vmem>>[vector<16xi32>, vector<16xi32>], vector<16xi32>,
      %swap3A_81 = arith.index_cast %scan3A_68 : i32 to index
      %swap3A_82 = arith.constant 16 : index
      %swap3A_83 = tpu.vector_load %arg6[%swap3A_81, %swap3A_82] {strides = array<i32>} : memref<50x512xi32, #tpu.memory_space<vmem>>, vector<16xi32>,
      tpu.vector_store %arg6[%swap3A_81, %swap3A_82], %gather3A_80 {strides = array<i32>} : memref<50x512xi32, #tpu.memory_space<vmem>>, vector<16xi32>,
      %add3A_84 = arith.constant 32 : i32
      %add3A_85 = vector.broadcast %add3A_84 : i32 to vector<16xi32>
      %add3A_86 = arith.addi %iota3A, %add3A_85 : vector<16xi32>
      %gather3A_87 = tpu.vector_load_idx %arg5[%add3A_86, %add3A_71] : memref<512x50xi32, #tpu.memory_space<vmem>>[vector<16xi32>, vector<16xi32>], vector<16xi32>,
      %swap3A_88 = arith.index_cast %scan3A_68 : i32 to index
      %swap3A_89 = arith.constant 32 : index
      %swap3A_90 = tpu.vector_load %arg6[%swap3A_88, %swap3A_89] {strides = array<i32>} : memref<50x512xi32, #tpu.memory_space<vmem>>, vector<16xi32>,
      tpu.vector_store %arg6[%swap3A_88, %swap3A_89], %gather3A_87 {strides = array<i32>} : memref<50x512xi32, #tpu.memory_space<vmem>>, vector<16xi32>,
      %add3A_91 = arith.constant 48 : i32
      %add3A_92 = vector.broadcast %add3A_91 : i32 to vector<16xi32>
      %add3A_93 = arith.addi %iota3A, %add3A_92 : vector<16xi32>
      %gather3A_94 = tpu.vector_load_idx %arg5[%add3A_93, %add3A_71] : memref<512x50xi32, #tpu.memory_space<vmem>>[vector<16xi32>, vector<16xi32>], vector<16xi32>,
      %swap3A_95 = arith.index_cast %scan3A_68 : i32 to index
      %swap3A_96 = arith.constant 48 : index
      %swap3A_97 = tpu.vector_load %arg6[%swap3A_95, %swap3A_96] {strides = array<i32>} : memref<50x512xi32, #tpu.memory_space<vmem>>, vector<16xi32>,
      tpu.vector_store %arg6[%swap3A_95, %swap3A_96], %gather3A_94 {strides = array<i32>} : memref<50x512xi32, #tpu.memory_space<vmem>>, vector<16xi32>,
      %add3A_98 = arith.constant 64 : i32
      %add3A_99 = vector.broadcast %add3A_98 : i32 to vector<16xi32>
      %add3A_100 = arith.addi %iota3A, %add3A_99 : vector<16xi32>
      %gather3A_101 = tpu.vector_load_idx %arg5[%add3A_100, %add3A_71] : memref<512x50xi32, #tpu.memory_space<vmem>>[vector<16xi32>, vector<16xi32>], vector<16xi32>,
      %swap3A_102 = arith.index_cast %scan3A_68 : i32 to index
      %swap3A_103 = arith.constant 64 : index
      %swap3A_104 = tpu.vector_load %arg6[%swap3A_102, %swap3A_103] {strides = array<i32>} : memref<50x512xi32, #tpu.memory_space<vmem>>, vector<16xi32>,
      tpu.vector_store %arg6[%swap3A_102, %swap3A_103], %gather3A_101 {strides = array<i32>} : memref<50x512xi32, #tpu.memory_space<vmem>>, vector<16xi32>,
      %add3A_105 = arith.constant 80 : i32
      %add3A_106 = vector.broadcast %add3A_105 : i32 to vector<16xi32>
      %add3A_107 = arith.addi %iota3A, %add3A_106 : vector<16xi32>
      %gather3A_108 = tpu.vector_load_idx %arg5[%add3A_107, %add3A_71] : memref<512x50xi32, #tpu.memory_space<vmem>>[vector<16xi32>, vector<16xi32>], vector<16xi32>,
      %swap3A_109 = arith.index_cast %scan3A_68 : i32 to index
      %swap3A_110 = arith.constant 80 : index
      %swap3A_111 = tpu.vector_load %arg6[%swap3A_109, %swap3A_110] {strides = array<i32>} : memref<50x512xi32, #tpu.memory_space<vmem>>, vector<16xi32>,
      tpu.vector_store %arg6[%swap3A_109, %swap3A_110], %gather3A_108 {strides = array<i32>} : memref<50x512xi32, #tpu.memory_space<vmem>>, vector<16xi32>,
      %add3A_112 = arith.constant 96 : i32
      %add3A_113 = vector.broadcast %add3A_112 : i32 to vector<16xi32>
      %add3A_114 = arith.addi %iota3A, %add3A_113 : vector<16xi32>
      %gather3A_115 = tpu.vector_load_idx %arg5[%add3A_114, %add3A_71] : memref<512x50xi32, #tpu.memory_space<vmem>>[vector<16xi32>, vector<16xi32>], vector<16xi32>,
      %swap3A_116 = arith.index_cast %scan3A_68 : i32 to index
      %swap3A_117 = arith.constant 96 : index
      %swap3A_118 = tpu.vector_load %arg6[%swap3A_116, %swap3A_117] {strides = array<i32>} : memref<50x512xi32, #tpu.memory_space<vmem>>, vector<16xi32>,
      tpu.vector_store %arg6[%swap3A_116, %swap3A_117], %gather3A_115 {strides = array<i32>} : memref<50x512xi32, #tpu.memory_space<vmem>>, vector<16xi32>,
      %add3A_119 = arith.constant 112 : i32
      %add3A_120 = vector.broadcast %add3A_119 : i32 to vector<16xi32>
      %add3A_121 = arith.addi %iota3A, %add3A_120 : vector<16xi32>
      %gather3A_122 = tpu.vector_load_idx %arg5[%add3A_121, %add3A_71] : memref<512x50xi32, #tpu.memory_space<vmem>>[vector<16xi32>, vector<16xi32>], vector<16xi32>,
      %swap3A_123 = arith.index_cast %scan3A_68 : i32 to index
      %swap3A_124 = arith.constant 112 : index
      %swap3A_125 = tpu.vector_load %arg6[%swap3A_123, %swap3A_124] {strides = array<i32>} : memref<50x512xi32, #tpu.memory_space<vmem>>, vector<16xi32>,
      tpu.vector_store %arg6[%swap3A_123, %swap3A_124], %gather3A_122 {strides = array<i32>} : memref<50x512xi32, #tpu.memory_space<vmem>>, vector<16xi32>,
      %add3A_126 = arith.constant 128 : i32
      %add3A_127 = vector.broadcast %add3A_126 : i32 to vector<16xi32>
      %add3A_128 = arith.addi %iota3A, %add3A_127 : vector<16xi32>
      %gather3A_129 = tpu.vector_load_idx %arg5[%add3A_128, %add3A_71] : memref<512x50xi32, #tpu.memory_space<vmem>>[vector<16xi32>, vector<16xi32>], vector<16xi32>,
      %swap3A_130 = arith.index_cast %scan3A_68 : i32 to index
      %swap3A_131 = arith.constant 128 : index
      %swap3A_132 = tpu.vector_load %arg6[%swap3A_130, %swap3A_131] {strides = array<i32>} : memref<50x512xi32, #tpu.memory_space<vmem>>, vector<16xi32>,
      tpu.vector_store %arg6[%swap3A_130, %swap3A_131], %gather3A_129 {strides = array<i32>} : memref<50x512xi32, #tpu.memory_space<vmem>>, vector<16xi32>,
      %add3A_133 = arith.constant 144 : i32
      %add3A_134 = vector.broadcast %add3A_133 : i32 to vector<16xi32>
      %add3A_135 = arith.addi %iota3A, %add3A_134 : vector<16xi32>
      %gather3A_136 = tpu.vector_load_idx %arg5[%add3A_135, %add3A_71] : memref<512x50xi32, #tpu.memory_space<vmem>>[vector<16xi32>, vector<16xi32>], vector<16xi32>,
      %swap3A_137 = arith.index_cast %scan3A_68 : i32 to index
      %swap3A_138 = arith.constant 144 : index
      %swap3A_139 = tpu.vector_load %arg6[%swap3A_137, %swap3A_138] {strides = array<i32>} : memref<50x512xi32, #tpu.memory_space<vmem>>, vector<16xi32>,
      tpu.vector_store %arg6[%swap3A_137, %swap3A_138], %gather3A_136 {strides = array<i32>} : memref<50x512xi32, #tpu.memory_space<vmem>>, vector<16xi32>,
      %add3A_140 = arith.constant 160 : i32
      %add3A_141 = vector.broadcast %add3A_140 : i32 to vector<16xi32>
      %add3A_142 = arith.addi %iota3A, %add3A_141 : vector<16xi32>
      %gather3A_143 = tpu.vector_load_idx %arg5[%add3A_142, %add3A_71] : memref<512x50xi32, #tpu.memory_space<vmem>>[vector<16xi32>, vector<16xi32>], vector<16xi32>,
      %swap3A_144 = arith.index_cast %scan3A_68 : i32 to index
      %swap3A_145 = arith.constant 160 : index
      %swap3A_146 = tpu.vector_load %arg6[%swap3A_144, %swap3A_145] {strides = array<i32>} : memref<50x512xi32, #tpu.memory_space<vmem>>, vector<16xi32>,
      tpu.vector_store %arg6[%swap3A_144, %swap3A_145], %gather3A_143 {strides = array<i32>} : memref<50x512xi32, #tpu.memory_space<vmem>>, vector<16xi32>,
      %add3A_147 = arith.constant 176 : i32
      %add3A_148 = vector.broadcast %add3A_147 : i32 to vector<16xi32>
      %add3A_149 = arith.addi %iota3A, %add3A_148 : vector<16xi32>
      %gather3A_150 = tpu.vector_load_idx %arg5[%add3A_149, %add3A_71] : memref<512x50xi32, #tpu.memory_space<vmem>>[vector<16xi32>, vector<16xi32>], vector<16xi32>,
      %swap3A_151 = arith.index_cast %scan3A_68 : i32 to index
      %swap3A_152 = arith.constant 176 : index
      %swap3A_153 = tpu.vector_load %arg6[%swap3A_151, %swap3A_152] {strides = array<i32>} : memref<50x512xi32, #tpu.memory_space<vmem>>, vector<16xi32>,
      tpu.vector_store %arg6[%swap3A_151, %swap3A_152], %gather3A_150 {strides = array<i32>} : memref<50x512xi32, #tpu.memory_space<vmem>>, vector<16xi32>,
      %add3A_154 = arith.constant 192 : i32
      %add3A_155 = vector.broadcast %add3A_154 : i32 to vector<16xi32>
      %add3A_156 = arith.addi %iota3A, %add3A_155 : vector<16xi32>
      %gather3A_157 = tpu.vector_load_idx %arg5[%add3A_156, %add3A_71] : memref<512x50xi32, #tpu.memory_space<vmem>>[vector<16xi32>, vector<16xi32>], vector<16xi32>,
      %swap3A_158 = arith.index_cast %scan3A_68 : i32 to index
      %swap3A_159 = arith.constant 192 : index
      %swap3A_160 = tpu.vector_load %arg6[%swap3A_158, %swap3A_159] {strides = array<i32>} : memref<50x512xi32, #tpu.memory_space<vmem>>, vector<16xi32>,
      tpu.vector_store %arg6[%swap3A_158, %swap3A_159], %gather3A_157 {strides = array<i32>} : memref<50x512xi32, #tpu.memory_space<vmem>>, vector<16xi32>,
      %add3A_161 = arith.constant 208 : i32
      %add3A_162 = vector.broadcast %add3A_161 : i32 to vector<16xi32>
      %add3A_163 = arith.addi %iota3A, %add3A_162 : vector<16xi32>
      %gather3A_164 = tpu.vector_load_idx %arg5[%add3A_163, %add3A_71] : memref<512x50xi32, #tpu.memory_space<vmem>>[vector<16xi32>, vector<16xi32>], vector<16xi32>,
      %swap3A_165 = arith.index_cast %scan3A_68 : i32 to index
      %swap3A_166 = arith.constant 208 : index
      %swap3A_167 = tpu.vector_load %arg6[%swap3A_165, %swap3A_166] {strides = array<i32>} : memref<50x512xi32, #tpu.memory_space<vmem>>, vector<16xi32>,
      tpu.vector_store %arg6[%swap3A_165, %swap3A_166], %gather3A_164 {strides = array<i32>} : memref<50x512xi32, #tpu.memory_space<vmem>>, vector<16xi32>,
      %add3A_168 = arith.constant 224 : i32
      %add3A_169 = vector.broadcast %add3A_168 : i32 to vector<16xi32>
      %add3A_170 = arith.addi %iota3A, %add3A_169 : vector<16xi32>
      %gather3A_171 = tpu.vector_load_idx %arg5[%add3A_170, %add3A_71] : memref<512x50xi32, #tpu.memory_space<vmem>>[vector<16xi32>, vector<16xi32>], vector<16xi32>,
      %swap3A_172 = arith.index_cast %scan3A_68 : i32 to index
      %swap3A_173 = arith.constant 224 : index
      %swap3A_174 = tpu.vector_load %arg6[%swap3A_172, %swap3A_173] {strides = array<i32>} : memref<50x512xi32, #tpu.memory_space<vmem>>, vector<16xi32>,
      tpu.vector_store %arg6[%swap3A_172, %swap3A_173], %gather3A_171 {strides = array<i32>} : memref<50x512xi32, #tpu.memory_space<vmem>>, vector<16xi32>,
      %add3A_175 = arith.constant 240 : i32
      %add3A_176 = vector.broadcast %add3A_175 : i32 to vector<16xi32>
      %add3A_177 = arith.addi %iota3A, %add3A_176 : vector<16xi32>
      %gather3A_178 = tpu.vector_load_idx %arg5[%add3A_177, %add3A_71] : memref<512x50xi32, #tpu.memory_space<vmem>>[vector<16xi32>, vector<16xi32>], vector<16xi32>,
      %swap3A_179 = arith.index_cast %scan3A_68 : i32 to index
      %swap3A_180 = arith.constant 240 : index
      %swap3A_181 = tpu.vector_load %arg6[%swap3A_179, %swap3A_180] {strides = array<i32>} : memref<50x512xi32, #tpu.memory_space<vmem>>, vector<16xi32>,
      tpu.vector_store %arg6[%swap3A_179, %swap3A_180], %gather3A_178 {strides = array<i32>} : memref<50x512xi32, #tpu.memory_space<vmem>>, vector<16xi32>,
      %add3A_182 = arith.constant 256 : i32
      %add3A_183 = vector.broadcast %add3A_182 : i32 to vector<16xi32>
      %add3A_184 = arith.addi %iota3A, %add3A_183 : vector<16xi32>
      %gather3A_185 = tpu.vector_load_idx %arg5[%add3A_184, %add3A_71] : memref<512x50xi32, #tpu.memory_space<vmem>>[vector<16xi32>, vector<16xi32>], vector<16xi32>,
      %swap3A_186 = arith.index_cast %scan3A_68 : i32 to index
      %swap3A_187 = arith.constant 256 : index
      %swap3A_188 = tpu.vector_load %arg6[%swap3A_186, %swap3A_187] {strides = array<i32>} : memref<50x512xi32, #tpu.memory_space<vmem>>, vector<16xi32>,
      tpu.vector_store %arg6[%swap3A_186, %swap3A_187], %gather3A_185 {strides = array<i32>} : memref<50x512xi32, #tpu.memory_space<vmem>>, vector<16xi32>,
      %add3A_189 = arith.constant 272 : i32
      %add3A_190 = vector.broadcast %add3A_189 : i32 to vector<16xi32>
      %add3A_191 = arith.addi %iota3A, %add3A_190 : vector<16xi32>
      %gather3A_192 = tpu.vector_load_idx %arg5[%add3A_191, %add3A_71] : memref<512x50xi32, #tpu.memory_space<vmem>>[vector<16xi32>, vector<16xi32>], vector<16xi32>,
      %swap3A_193 = arith.index_cast %scan3A_68 : i32 to index
      %swap3A_194 = arith.constant 272 : index
      %swap3A_195 = tpu.vector_load %arg6[%swap3A_193, %swap3A_194] {strides = array<i32>} : memref<50x512xi32, #tpu.memory_space<vmem>>, vector<16xi32>,
      tpu.vector_store %arg6[%swap3A_193, %swap3A_194], %gather3A_192 {strides = array<i32>} : memref<50x512xi32, #tpu.memory_space<vmem>>, vector<16xi32>,
      %add3A_196 = arith.constant 288 : i32
      %add3A_197 = vector.broadcast %add3A_196 : i32 to vector<16xi32>
      %add3A_198 = arith.addi %iota3A, %add3A_197 : vector<16xi32>
      %gather3A_199 = tpu.vector_load_idx %arg5[%add3A_198, %add3A_71] : memref<512x50xi32, #tpu.memory_space<vmem>>[vector<16xi32>, vector<16xi32>], vector<16xi32>,
      %swap3A_200 = arith.index_cast %scan3A_68 : i32 to index
      %swap3A_201 = arith.constant 288 : index
      %swap3A_202 = tpu.vector_load %arg6[%swap3A_200, %swap3A_201] {strides = array<i32>} : memref<50x512xi32, #tpu.memory_space<vmem>>, vector<16xi32>,
      tpu.vector_store %arg6[%swap3A_200, %swap3A_201], %gather3A_199 {strides = array<i32>} : memref<50x512xi32, #tpu.memory_space<vmem>>, vector<16xi32>,
      %add3A_203 = arith.constant 304 : i32
      %add3A_204 = vector.broadcast %add3A_203 : i32 to vector<16xi32>
      %add3A_205 = arith.addi %iota3A, %add3A_204 : vector<16xi32>
      %gather3A_206 = tpu.vector_load_idx %arg5[%add3A_205, %add3A_71] : memref<512x50xi32, #tpu.memory_space<vmem>>[vector<16xi32>, vector<16xi32>], vector<16xi32>,
      %swap3A_207 = arith.index_cast %scan3A_68 : i32 to index
      %swap3A_208 = arith.constant 304 : index
      %swap3A_209 = tpu.vector_load %arg6[%swap3A_207, %swap3A_208] {strides = array<i32>} : memref<50x512xi32, #tpu.memory_space<vmem>>, vector<16xi32>,
      tpu.vector_store %arg6[%swap3A_207, %swap3A_208], %gather3A_206 {strides = array<i32>} : memref<50x512xi32, #tpu.memory_space<vmem>>, vector<16xi32>,
      %add3A_210 = arith.constant 320 : i32
      %add3A_211 = vector.broadcast %add3A_210 : i32 to vector<16xi32>
      %add3A_212 = arith.addi %iota3A, %add3A_211 : vector<16xi32>
      %gather3A_213 = tpu.vector_load_idx %arg5[%add3A_212, %add3A_71] : memref<512x50xi32, #tpu.memory_space<vmem>>[vector<16xi32>, vector<16xi32>], vector<16xi32>,
      %swap3A_214 = arith.index_cast %scan3A_68 : i32 to index
      %swap3A_215 = arith.constant 320 : index
      %swap3A_216 = tpu.vector_load %arg6[%swap3A_214, %swap3A_215] {strides = array<i32>} : memref<50x512xi32, #tpu.memory_space<vmem>>, vector<16xi32>,
      tpu.vector_store %arg6[%swap3A_214, %swap3A_215], %gather3A_213 {strides = array<i32>} : memref<50x512xi32, #tpu.memory_space<vmem>>, vector<16xi32>,
      %add3A_217 = arith.constant 336 : i32
      %add3A_218 = vector.broadcast %add3A_217 : i32 to vector<16xi32>
      %add3A_219 = arith.addi %iota3A, %add3A_218 : vector<16xi32>
      %gather3A_220 = tpu.vector_load_idx %arg5[%add3A_219, %add3A_71] : memref<512x50xi32, #tpu.memory_space<vmem>>[vector<16xi32>, vector<16xi32>], vector<16xi32>,
      %swap3A_221 = arith.index_cast %scan3A_68 : i32 to index
      %swap3A_222 = arith.constant 336 : index
      %swap3A_223 = tpu.vector_load %arg6[%swap3A_221, %swap3A_222] {strides = array<i32>} : memref<50x512xi32, #tpu.memory_space<vmem>>, vector<16xi32>,
      tpu.vector_store %arg6[%swap3A_221, %swap3A_222], %gather3A_220 {strides = array<i32>} : memref<50x512xi32, #tpu.memory_space<vmem>>, vector<16xi32>,
      %add3A_224 = arith.constant 352 : i32
      %add3A_225 = vector.broadcast %add3A_224 : i32 to vector<16xi32>
      %add3A_226 = arith.addi %iota3A, %add3A_225 : vector<16xi32>
      %gather3A_227 = tpu.vector_load_idx %arg5[%add3A_226, %add3A_71] : memref<512x50xi32, #tpu.memory_space<vmem>>[vector<16xi32>, vector<16xi32>], vector<16xi32>,
      %swap3A_228 = arith.index_cast %scan3A_68 : i32 to index
      %swap3A_229 = arith.constant 352 : index
      %swap3A_230 = tpu.vector_load %arg6[%swap3A_228, %swap3A_229] {strides = array<i32>} : memref<50x512xi32, #tpu.memory_space<vmem>>, vector<16xi32>,
      tpu.vector_store %arg6[%swap3A_228, %swap3A_229], %gather3A_227 {strides = array<i32>} : memref<50x512xi32, #tpu.memory_space<vmem>>, vector<16xi32>,
      %add3A_231 = arith.constant 368 : i32
      %add3A_232 = vector.broadcast %add3A_231 : i32 to vector<16xi32>
      %add3A_233 = arith.addi %iota3A, %add3A_232 : vector<16xi32>
      %gather3A_234 = tpu.vector_load_idx %arg5[%add3A_233, %add3A_71] : memref<512x50xi32, #tpu.memory_space<vmem>>[vector<16xi32>, vector<16xi32>], vector<16xi32>,
      %swap3A_235 = arith.index_cast %scan3A_68 : i32 to index
      %swap3A_236 = arith.constant 368 : index
      %swap3A_237 = tpu.vector_load %arg6[%swap3A_235, %swap3A_236] {strides = array<i32>} : memref<50x512xi32, #tpu.memory_space<vmem>>, vector<16xi32>,
      tpu.vector_store %arg6[%swap3A_235, %swap3A_236], %gather3A_234 {strides = array<i32>} : memref<50x512xi32, #tpu.memory_space<vmem>>, vector<16xi32>,
      %add3A_238 = arith.constant 384 : i32
      %add3A_239 = vector.broadcast %add3A_238 : i32 to vector<16xi32>
      %add3A_240 = arith.addi %iota3A, %add3A_239 : vector<16xi32>
      %gather3A_241 = tpu.vector_load_idx %arg5[%add3A_240, %add3A_71] : memref<512x50xi32, #tpu.memory_space<vmem>>[vector<16xi32>, vector<16xi32>], vector<16xi32>,
      %swap3A_242 = arith.index_cast %scan3A_68 : i32 to index
      %swap3A_243 = arith.constant 384 : index
      %swap3A_244 = tpu.vector_load %arg6[%swap3A_242, %swap3A_243] {strides = array<i32>} : memref<50x512xi32, #tpu.memory_space<vmem>>, vector<16xi32>,
      tpu.vector_store %arg6[%swap3A_242, %swap3A_243], %gather3A_241 {strides = array<i32>} : memref<50x512xi32, #tpu.memory_space<vmem>>, vector<16xi32>,
      %add3A_245 = arith.constant 400 : i32
      %add3A_246 = vector.broadcast %add3A_245 : i32 to vector<16xi32>
      %add3A_247 = arith.addi %iota3A, %add3A_246 : vector<16xi32>
      %gather3A_248 = tpu.vector_load_idx %arg5[%add3A_247, %add3A_71] : memref<512x50xi32, #tpu.memory_space<vmem>>[vector<16xi32>, vector<16xi32>], vector<16xi32>,
      %swap3A_249 = arith.index_cast %scan3A_68 : i32 to index
      %swap3A_250 = arith.constant 400 : index
      %swap3A_251 = tpu.vector_load %arg6[%swap3A_249, %swap3A_250] {strides = array<i32>} : memref<50x512xi32, #tpu.memory_space<vmem>>, vector<16xi32>,
      tpu.vector_store %arg6[%swap3A_249, %swap3A_250], %gather3A_248 {strides = array<i32>} : memref<50x512xi32, #tpu.memory_space<vmem>>, vector<16xi32>,
      %add3A_252 = arith.constant 416 : i32
      %add3A_253 = vector.broadcast %add3A_252 : i32 to vector<16xi32>
      %add3A_254 = arith.addi %iota3A, %add3A_253 : vector<16xi32>
      %gather3A_255 = tpu.vector_load_idx %arg5[%add3A_254, %add3A_71] : memref<512x50xi32, #tpu.memory_space<vmem>>[vector<16xi32>, vector<16xi32>], vector<16xi32>,
      %swap3A_256 = arith.index_cast %scan3A_68 : i32 to index
      %swap3A_257 = arith.constant 416 : index
      %swap3A_258 = tpu.vector_load %arg6[%swap3A_256, %swap3A_257] {strides = array<i32>} : memref<50x512xi32, #tpu.memory_space<vmem>>, vector<16xi32>,
      tpu.vector_store %arg6[%swap3A_256, %swap3A_257], %gather3A_255 {strides = array<i32>} : memref<50x512xi32, #tpu.memory_space<vmem>>, vector<16xi32>,
      %add3A_259 = arith.constant 432 : i32
      %add3A_260 = vector.broadcast %add3A_259 : i32 to vector<16xi32>
      %add3A_261 = arith.addi %iota3A, %add3A_260 : vector<16xi32>
      %gather3A_262 = tpu.vector_load_idx %arg5[%add3A_261, %add3A_71] : memref<512x50xi32, #tpu.memory_space<vmem>>[vector<16xi32>, vector<16xi32>], vector<16xi32>,
      %swap3A_263 = arith.index_cast %scan3A_68 : i32 to index
      %swap3A_264 = arith.constant 432 : index
      %swap3A_265 = tpu.vector_load %arg6[%swap3A_263, %swap3A_264] {strides = array<i32>} : memref<50x512xi32, #tpu.memory_space<vmem>>, vector<16xi32>,
      tpu.vector_store %arg6[%swap3A_263, %swap3A_264], %gather3A_262 {strides = array<i32>} : memref<50x512xi32, #tpu.memory_space<vmem>>, vector<16xi32>,
      %add3A_266 = arith.constant 448 : i32
      %add3A_267 = vector.broadcast %add3A_266 : i32 to vector<16xi32>
      %add3A_268 = arith.addi %iota3A, %add3A_267 : vector<16xi32>
      %gather3A_269 = tpu.vector_load_idx %arg5[%add3A_268, %add3A_71] : memref<512x50xi32, #tpu.memory_space<vmem>>[vector<16xi32>, vector<16xi32>], vector<16xi32>,
      %swap3A_270 = arith.index_cast %scan3A_68 : i32 to index
      %swap3A_271 = arith.constant 448 : index
      %swap3A_272 = tpu.vector_load %arg6[%swap3A_270, %swap3A_271] {strides = array<i32>} : memref<50x512xi32, #tpu.memory_space<vmem>>, vector<16xi32>,
      tpu.vector_store %arg6[%swap3A_270, %swap3A_271], %gather3A_269 {strides = array<i32>} : memref<50x512xi32, #tpu.memory_space<vmem>>, vector<16xi32>,
      %add3A_273 = arith.constant 464 : i32
      %add3A_274 = vector.broadcast %add3A_273 : i32 to vector<16xi32>
      %add3A_275 = arith.addi %iota3A, %add3A_274 : vector<16xi32>
      %gather3A_276 = tpu.vector_load_idx %arg5[%add3A_275, %add3A_71] : memref<512x50xi32, #tpu.memory_space<vmem>>[vector<16xi32>, vector<16xi32>], vector<16xi32>,
      %swap3A_277 = arith.index_cast %scan3A_68 : i32 to index
      %swap3A_278 = arith.constant 464 : index
      %swap3A_279 = tpu.vector_load %arg6[%swap3A_277, %swap3A_278] {strides = array<i32>} : memref<50x512xi32, #tpu.memory_space<vmem>>, vector<16xi32>,
      tpu.vector_store %arg6[%swap3A_277, %swap3A_278], %gather3A_276 {strides = array<i32>} : memref<50x512xi32, #tpu.memory_space<vmem>>, vector<16xi32>,
      %add3A_280 = arith.constant 480 : i32
      %add3A_281 = vector.broadcast %add3A_280 : i32 to vector<16xi32>
      %add3A_282 = arith.addi %iota3A, %add3A_281 : vector<16xi32>
      %gather3A_283 = tpu.vector_load_idx %arg5[%add3A_282, %add3A_71] : memref<512x50xi32, #tpu.memory_space<vmem>>[vector<16xi32>, vector<16xi32>], vector<16xi32>,
      %swap3A_284 = arith.index_cast %scan3A_68 : i32 to index
      %swap3A_285 = arith.constant 480 : index
      %swap3A_286 = tpu.vector_load %arg6[%swap3A_284, %swap3A_285] {strides = array<i32>} : memref<50x512xi32, #tpu.memory_space<vmem>>, vector<16xi32>,
      tpu.vector_store %arg6[%swap3A_284, %swap3A_285], %gather3A_283 {strides = array<i32>} : memref<50x512xi32, #tpu.memory_space<vmem>>, vector<16xi32>,
      %add3A_287 = arith.constant 496 : i32
      %add3A_288 = vector.broadcast %add3A_287 : i32 to vector<16xi32>
      %add3A_289 = arith.addi %iota3A, %add3A_288 : vector<16xi32>
      %gather3A_290 = tpu.vector_load_idx %arg5[%add3A_289, %add3A_71] : memref<512x50xi32, #tpu.memory_space<vmem>>[vector<16xi32>, vector<16xi32>], vector<16xi32>,
      %swap3A_291 = arith.index_cast %scan3A_68 : i32 to index
      %swap3A_292 = arith.constant 496 : index
      %swap3A_293 = tpu.vector_load %arg6[%swap3A_291, %swap3A_292] {strides = array<i32>} : memref<50x512xi32, #tpu.memory_space<vmem>>, vector<16xi32>,
      tpu.vector_store %arg6[%swap3A_291, %swap3A_292], %gather3A_290 {strides = array<i32>} : memref<50x512xi32, #tpu.memory_space<vmem>>, vector<16xi32>,
    }
    %scan3A_7 = arith.constant 50 : i32
    %dma_start3A = arith.constant 0 : i32
    %dma_start3A_8 = arith.constant 0 : i32
    %dma_start3A_9 = arith.constant 0 : i32
    %dma_start3A_10 = arith.constant 0 : i32
    %dma_start3A_11 = tpu.memref_slice %arg7[%dma_start3A_8, %dma_start3A_9, %dma_start3A_10] : memref<2x512x32xf32, #tpu.memory_space<vmem>> -> memref<1x512x32xf32, #tpu.memory_space<vmem>>
    %dma_start3A_12 = tpu.memref_squeeze %dma_start3A_11 : memref<1x512x32xf32, #tpu.memory_space<vmem>> -> memref<512x32xf32, #tpu.memory_space<vmem>>
    %dma_start3A_13 = arith.constant 0 : i32
    %dma_start3A_14 = tpu.memref_slice %arg6[%dma_start3A, %dma_start3A_13] : memref<50x512xi32, #tpu.memory_space<vmem>> -> memref<1x512xi32, #tpu.memory_space<vmem>>
    %dma_start3A_15 = tpu.memref_squeeze %dma_start3A_14 : memref<1x512xi32, #tpu.memory_space<vmem>> -> memref<512xi32, #tpu.memory_space<vmem>>
    %dma_start3A_16 = arith.constant 0 : i32
    %dma_start3A_17 = arith.constant 0 : i32
    %dma_start3A_18 = tpu.memref_slice %arg3[%dma_start3A_16, %dma_start3A_17] : memref<1000000x32xf32, #tpu.memory_space<hbm>> -> memref<1000000x32xf32, #tpu.memory_space<hbm>>
    tpu.enqueue_indirect_dma source(%dma_start3A_18 : memref<1000000x32xf32, #tpu.memory_space<hbm>>) target(%dma_start3A_12 : memref<512x32xf32, #tpu.memory_space<vmem>>) offsets(%dma_start3A_15 : memref<512xi32, #tpu.memory_space<vmem>>) semaphore(%arg9 : memref<!tpu.dma_semaphore, #tpu.memory_space<semaphore_mem>>)
    %scan3A_19 = arith.constant 0 : i32
    %scan3A_20 = arith.constant 0 : i32
    %scan3A_21 = arith.constant 25 : i32
    %scan3A_22 = arith.addi %scan3A_20, %scan3A_21 : i32
    %scan3A_23 = arith.constant 1 : i32
    scf.for %scan3A_68 = %scan3A_20 to %scan3A_22 step %scan3A_23  : i32 {
      %mul3A_69 = arith.constant 2 : i32
      %mul3A_70 = arith.muli %scan3A_68, %mul3A_69 : i32
      %eq3A = arith.constant 0 : i32
      %eq3A_71 = arith.cmpi eq, %scan3A_68, %eq3A : i32
      %add3A_72 = arith.constant 1 : i32
      %add3A_73 = arith.addi %mul3A_70, %add3A_72 : i32
      %dma_start3A_74 = arith.constant 1 : i32
      %dma_start3A_75 = arith.constant 0 : i32
      %dma_start3A_76 = arith.constant 0 : i32
      %dma_start3A_77 = tpu.memref_slice %arg7[%dma_start3A_74, %dma_start3A_75, %dma_start3A_76] : memref<2x512x32xf32, #tpu.memory_space<vmem>> -> memref<1x512x32xf32, #tpu.memory_space<vmem>>
      %dma_start3A_78 = tpu.memref_squeeze %dma_start3A_77 : memref<1x512x32xf32, #tpu.memory_space<vmem>> -> memref<512x32xf32, #tpu.memory_space<vmem>>
      %dma_start3A_79 = arith.constant 0 : i32
      %dma_start3A_80 = tpu.memref_slice %arg6[%add3A_73, %dma_start3A_79] : memref<50x512xi32, #tpu.memory_space<vmem>> -> memref<1x512xi32, #tpu.memory_space<vmem>>
      %dma_start3A_81 = tpu.memref_squeeze %dma_start3A_80 : memref<1x512xi32, #tpu.memory_space<vmem>> -> memref<512xi32, #tpu.memory_space<vmem>>
      %dma_start3A_82 = arith.constant 0 : i32
      %dma_start3A_83 = arith.constant 0 : i32
      %dma_start3A_84 = tpu.memref_slice %arg3[%dma_start3A_82, %dma_start3A_83] : memref<1000000x32xf32, #tpu.memory_space<hbm>> -> memref<1000000x32xf32, #tpu.memory_space<hbm>>
      tpu.enqueue_indirect_dma source(%dma_start3A_84 : memref<1000000x32xf32, #tpu.memory_space<hbm>>) target(%dma_start3A_78 : memref<512x32xf32, #tpu.memory_space<vmem>>) offsets(%dma_start3A_81 : memref<512xi32, #tpu.memory_space<vmem>>) semaphore(%arg10 : memref<!tpu.dma_semaphore, #tpu.memory_space<semaphore_mem>>)
      %dma_wait3A_85 = arith.constant 0 : i32
      %dma_wait3A_86 = arith.constant 0 : i32
      %dma_wait3A_87 = arith.constant 0 : i32
      %dma_wait3A_88 = tpu.memref_slice %arg7[%dma_wait3A_85, %dma_wait3A_86, %dma_wait3A_87] : memref<2x512x32xf32, #tpu.memory_space<vmem>> -> memref<1x512x32xf32, #tpu.memory_space<vmem>>
      %dma_wait3A_89 = tpu.memref_squeeze %dma_wait3A_88 : memref<1x512x32xf32, #tpu.memory_space<vmem>> -> memref<512x32xf32, #tpu.memory_space<vmem>>
      %dma_wait3A_90 = arith.constant 0 : i32
      %dma_wait3A_91 = tpu.memref_slice %arg6[%mul3A_70, %dma_wait3A_90] : memref<50x512xi32, #tpu.memory_space<vmem>> -> memref<1x512xi32, #tpu.memory_space<vmem>>
      %dma_wait3A_92 = tpu.memref_squeeze %dma_wait3A_91 : memref<1x512xi32, #tpu.memory_space<vmem>> -> memref<512xi32, #tpu.memory_space<vmem>>
      %dma_wait3A_93 = arith.constant 0 : i32
      %dma_wait3A_94 = arith.constant 0 : i32
      %dma_wait3A_95 = tpu.memref_slice %arg3[%dma_wait3A_93, %dma_wait3A_94] : memref<1000000x32xf32, #tpu.memory_space<hbm>> -> memref<1000000x32xf32, #tpu.memory_space<hbm>>
      tpu.wait_indirect_dma semaphore(%arg9 : memref<!tpu.dma_semaphore, #tpu.memory_space<semaphore_mem>>) src(%dma_wait3A_95 : memref<1000000x32xf32, #tpu.memory_space<hbm>>) dst(%dma_wait3A_89 : memref<512x32xf32, #tpu.memory_space<vmem>>)
      %not3A = arith.constant true
      %not3A_96 = arith.xori %eq3A_71, %not3A : i1
      %convert_element_type3A = arith.extui %not3A_96 : i1 to i32
      %cond3A = arith.constant 0 : i32
      %cond3A_97 = arith.cmpi ne, %convert_element_type3A, %cond3A : i32
      scf.if %cond3A_97 {
        %dma_wait3A_180 = arith.constant 0 : i32
        %dma_wait3A_181 = arith.constant 0 : i32
        %dma_wait3A_182 = arith.constant 0 : i32
        %dma_wait3A_183 = tpu.memref_slice %arg8[%dma_wait3A_180, %dma_wait3A_181, %dma_wait3A_182] : memref<2x32x512xf32, #tpu.memory_space<vmem>> -> memref<1x32x512xf32, #tpu.memory_space<vmem>>
        %dma_wait3A_184 = tpu.memref_squeeze %dma_wait3A_183 : memref<1x32x512xf32, #tpu.memory_space<vmem>> -> memref<32x512xf32, #tpu.memory_space<vmem>>
        %dma_wait3A_185 = arith.constant 0 : i32
        %dma_wait3A_186 = arith.constant 0 : i32
        %dma_wait3A_187 = tpu.memref_slice %arg4[%mul3A_70, %dma_wait3A_185, %dma_wait3A_186] : memref<50x32x16384xf32, #tpu.memory_space<hbm>> -> memref<1x32x16384xf32, #tpu.memory_space<hbm>>
        %dma_wait3A_188 = tpu.memref_squeeze %dma_wait3A_187 : memref<1x32x16384xf32, #tpu.memory_space<hbm>> -> memref<32x16384xf32, #tpu.memory_space<hbm>>
        %dma_wait3A_189 = arith.constant 0 : i32
        %dma_wait3A_190 = tpu.memref_slice %dma_wait3A_188[%dma_wait3A_189, %mul3A_2] : memref<32x16384xf32, #tpu.memory_space<hbm>> -> memref<32x512xf32, #tpu.memory_space<hbm>>
        %dma_wait3A_191 = arith.constant 0 : i32
        %dma_wait3A_192 = arith.constant 0 : i32
        %dma_wait3A_193 = tpu.memref_slice %arg4[%mul3A_70, %dma_wait3A_191, %dma_wait3A_192] : memref<50x32x16384xf32, #tpu.memory_space<hbm>> -> memref<1x32x16384xf32, #tpu.memory_space<hbm>>
        %dma_wait3A_194 = tpu.memref_squeeze %dma_wait3A_193 : memref<1x32x16384xf32, #tpu.memory_space<hbm>> -> memref<32x16384xf32, #tpu.memory_space<hbm>>
        %dma_wait3A_195 = arith.constant 0 : i32
        %dma_wait3A_196 = tpu.memref_slice %dma_wait3A_194[%dma_wait3A_195, %mul3A_2] : memref<32x16384xf32, #tpu.memory_space<hbm>> -> memref<32x512xf32, #tpu.memory_space<hbm>>
        %dma_wait3A_197 = arith.constant 0 : i32
        %dma_wait3A_198 = arith.constant 0 : i32
        %dma_wait3A_199 = tpu.memref_slice %arg8[%dma_wait3A_180, %dma_wait3A_197, %dma_wait3A_198] : memref<2x32x512xf32, #tpu.memory_space<vmem>> -> memref<1x32x512xf32, #tpu.memory_space<vmem>>
        %dma_wait3A_200 = tpu.memref_squeeze %dma_wait3A_199 : memref<1x32x512xf32, #tpu.memory_space<vmem>> -> memref<32x512xf32, #tpu.memory_space<vmem>>
        tpu.wait_dma2 semaphore(%arg11 : memref<!tpu.dma_semaphore, #tpu.memory_space<semaphore_mem>>) src(%dma_wait3A_200 : memref<32x512xf32, #tpu.memory_space<vmem>>) dst(%dma_wait3A_196 : memref<32x512xf32, #tpu.memory_space<hbm>>)
      } else {
      }
      %scan3A_98 = arith.constant 0 : i32
      %scan3A_99 = arith.constant 0 : i32
      %scan3A_100 = arith.constant 0 : i32
      %scan3A_101 = arith.constant 32 : i32
      %scan3A_102 = arith.addi %scan3A_100, %scan3A_101 : i32
      %scan3A_103 = arith.constant 1 : i32
      scf.for %scan3A_180 = %scan3A_100 to %scan3A_102 step %scan3A_103  : i32 {
        %broadcast_in_dim3A = arith.constant 0 : i32
        %broadcast_in_dim3A_181 = vector.broadcast %broadcast_in_dim3A : i32 to vector<16xi32>
        %add3A_182 = vector.broadcast %scan3A_180 : i32 to vector<16xi32>
        %add3A_183 = arith.addi %broadcast_in_dim3A_181, %add3A_182 : vector<16xi32>
        %add3A_184 = arith.constant 0 : i32
        %add3A_185 = vector.broadcast %add3A_184 : i32 to vector<16xi32>
        %add3A_186 = arith.addi %iota3A, %add3A_185 : vector<16xi32>
        %gather3A = arith.constant 0 : i32
        %gather3A_187 = arith.constant 0 : i32
        %gather3A_188 = tpu.memref_slice %arg7[%scan3A_99, %gather3A, %gather3A_187] : memref<2x512x32xf32, #tpu.memory_space<vmem>> -> memref<1x512x32xf32, #tpu.memory_space<vmem>>
        %gather3A_189 = tpu.memref_squeeze %gather3A_188 : memref<1x512x32xf32, #tpu.memory_space<vmem>> -> memref<512x32xf32, #tpu.memory_space<vmem>>
        %gather3A_190 = tpu.vector_load_idx %gather3A_189[%add3A_186, %add3A_183] : memref<512x32xf32, #tpu.memory_space<vmem>>[vector<16xi32>, vector<16xi32>], vector<16xf32>,
        %swap3A = arith.constant 0 : i32
        %swap3A_191 = arith.index_cast %swap3A : i32 to index
        %swap3A_192 = arith.index_cast %scan3A_180 : i32 to index
        %swap3A_193 = arith.constant 0 : index
        %swap3A_194 = tpu.vector_load %arg8[%swap3A_191, %swap3A_192, %swap3A_193] {strides = array<i32>} : memref<2x32x512xf32, #tpu.memory_space<vmem>>, vector<16xf32>,
        tpu.vector_store %arg8[%swap3A_191, %swap3A_192, %swap3A_193], %gather3A_190 {strides = array<i32>} : memref<2x32x512xf32, #tpu.memory_space<vmem>>, vector<16xf32>,
        %add3A_195 = arith.constant 16 : i32
        %add3A_196 = vector.broadcast %add3A_195 : i32 to vector<16xi32>
        %add3A_197 = arith.addi %iota3A, %add3A_196 : vector<16xi32>
        %gather3A_198 = arith.constant 0 : i32
        %gather3A_199 = arith.constant 0 : i32
        %gather3A_200 = tpu.memref_slice %arg7[%scan3A_99, %gather3A_198, %gather3A_199] : memref<2x512x32xf32, #tpu.memory_space<vmem>> -> memref<1x512x32xf32, #tpu.memory_space<vmem>>
        %gather3A_201 = tpu.memref_squeeze %gather3A_200 : memref<1x512x32xf32, #tpu.memory_space<vmem>> -> memref<512x32xf32, #tpu.memory_space<vmem>>
        %gather3A_202 = tpu.vector_load_idx %gather3A_201[%add3A_197, %add3A_183] : memref<512x32xf32, #tpu.memory_space<vmem>>[vector<16xi32>, vector<16xi32>], vector<16xf32>,
        %swap3A_203 = arith.constant 0 : i32
        %swap3A_204 = arith.index_cast %swap3A_203 : i32 to index
        %swap3A_205 = arith.index_cast %scan3A_180 : i32 to index
        %swap3A_206 = arith.constant 16 : index
        %swap3A_207 = tpu.vector_load %arg8[%swap3A_204, %swap3A_205, %swap3A_206] {strides = array<i32>} : memref<2x32x512xf32, #tpu.memory_space<vmem>>, vector<16xf32>,
        tpu.vector_store %arg8[%swap3A_204, %swap3A_205, %swap3A_206], %gather3A_202 {strides = array<i32>} : memref<2x32x512xf32, #tpu.memory_space<vmem>>, vector<16xf32>,
        %add3A_208 = arith.constant 32 : i32
        %add3A_209 = vector.broadcast %add3A_208 : i32 to vector<16xi32>
        %add3A_210 = arith.addi %iota3A, %add3A_209 : vector<16xi32>
        %gather3A_211 = arith.constant 0 : i32
        %gather3A_212 = arith.constant 0 : i32
        %gather3A_213 = tpu.memref_slice %arg7[%scan3A_99, %gather3A_211, %gather3A_212] : memref<2x512x32xf32, #tpu.memory_space<vmem>> -> memref<1x512x32xf32, #tpu.memory_space<vmem>>
        %gather3A_214 = tpu.memref_squeeze %gather3A_213 : memref<1x512x32xf32, #tpu.memory_space<vmem>> -> memref<512x32xf32, #tpu.memory_space<vmem>>
        %gather3A_215 = tpu.vector_load_idx %gather3A_214[%add3A_210, %add3A_183] : memref<512x32xf32, #tpu.memory_space<vmem>>[vector<16xi32>, vector<16xi32>], vector<16xf32>,
        %swap3A_216 = arith.constant 0 : i32
        %swap3A_217 = arith.index_cast %swap3A_216 : i32 to index
        %swap3A_218 = arith.index_cast %scan3A_180 : i32 to index
        %swap3A_219 = arith.constant 32 : index
        %swap3A_220 = tpu.vector_load %arg8[%swap3A_217, %swap3A_218, %swap3A_219] {strides = array<i32>} : memref<2x32x512xf32, #tpu.memory_space<vmem>>, vector<16xf32>,
        tpu.vector_store %arg8[%swap3A_217, %swap3A_218, %swap3A_219], %gather3A_215 {strides = array<i32>} : memref<2x32x512xf32, #tpu.memory_space<vmem>>, vector<16xf32>,
        %add3A_221 = arith.constant 48 : i32
        %add3A_222 = vector.broadcast %add3A_221 : i32 to vector<16xi32>
        %add3A_223 = arith.addi %iota3A, %add3A_222 : vector<16xi32>
        %gather3A_224 = arith.constant 0 : i32
        %gather3A_225 = arith.constant 0 : i32
        %gather3A_226 = tpu.memref_slice %arg7[%scan3A_99, %gather3A_224, %gather3A_225] : memref<2x512x32xf32, #tpu.memory_space<vmem>> -> memref<1x512x32xf32, #tpu.memory_space<vmem>>
        %gather3A_227 = tpu.memref_squeeze %gather3A_226 : memref<1x512x32xf32, #tpu.memory_space<vmem>> -> memref<512x32xf32, #tpu.memory_space<vmem>>
        %gather3A_228 = tpu.vector_load_idx %gather3A_227[%add3A_223, %add3A_183] : memref<512x32xf32, #tpu.memory_space<vmem>>[vector<16xi32>, vector<16xi32>], vector<16xf32>,
        %swap3A_229 = arith.constant 0 : i32
        %swap3A_230 = arith.index_cast %swap3A_229 : i32 to index
        %swap3A_231 = arith.index_cast %scan3A_180 : i32 to index
        %swap3A_232 = arith.constant 48 : index
        %swap3A_233 = tpu.vector_load %arg8[%swap3A_230, %swap3A_231, %swap3A_232] {strides = array<i32>} : memref<2x32x512xf32, #tpu.memory_space<vmem>>, vector<16xf32>,
        tpu.vector_store %arg8[%swap3A_230, %swap3A_231, %swap3A_232], %gather3A_228 {strides = array<i32>} : memref<2x32x512xf32, #tpu.memory_space<vmem>>, vector<16xf32>,
        %add3A_234 = arith.constant 64 : i32
        %add3A_235 = vector.broadcast %add3A_234 : i32 to vector<16xi32>
        %add3A_236 = arith.addi %iota3A, %add3A_235 : vector<16xi32>
        %gather3A_237 = arith.constant 0 : i32
        %gather3A_238 = arith.constant 0 : i32
        %gather3A_239 = tpu.memref_slice %arg7[%scan3A_99, %gather3A_237, %gather3A_238] : memref<2x512x32xf32, #tpu.memory_space<vmem>> -> memref<1x512x32xf32, #tpu.memory_space<vmem>>
        %gather3A_240 = tpu.memref_squeeze %gather3A_239 : memref<1x512x32xf32, #tpu.memory_space<vmem>> -> memref<512x32xf32, #tpu.memory_space<vmem>>
        %gather3A_241 = tpu.vector_load_idx %gather3A_240[%add3A_236, %add3A_183] : memref<512x32xf32, #tpu.memory_space<vmem>>[vector<16xi32>, vector<16xi32>], vector<16xf32>,
        %swap3A_242 = arith.constant 0 : i32
        %swap3A_243 = arith.index_cast %swap3A_242 : i32 to index
        %swap3A_244 = arith.index_cast %scan3A_180 : i32 to index
        %swap3A_245 = arith.constant 64 : index
        %swap3A_246 = tpu.vector_load %arg8[%swap3A_243, %swap3A_244, %swap3A_245] {strides = array<i32>} : memref<2x32x512xf32, #tpu.memory_space<vmem>>, vector<16xf32>,
        tpu.vector_store %arg8[%swap3A_243, %swap3A_244, %swap3A_245], %gather3A_241 {strides = array<i32>} : memref<2x32x512xf32, #tpu.memory_space<vmem>>, vector<16xf32>,
        %add3A_247 = arith.constant 80 : i32
        %add3A_248 = vector.broadcast %add3A_247 : i32 to vector<16xi32>
        %add3A_249 = arith.addi %iota3A, %add3A_248 : vector<16xi32>
        %gather3A_250 = arith.constant 0 : i32
        %gather3A_251 = arith.constant 0 : i32
        %gather3A_252 = tpu.memref_slice %arg7[%scan3A_99, %gather3A_250, %gather3A_251] : memref<2x512x32xf32, #tpu.memory_space<vmem>> -> memref<1x512x32xf32, #tpu.memory_space<vmem>>
        %gather3A_253 = tpu.memref_squeeze %gather3A_252 : memref<1x512x32xf32, #tpu.memory_space<vmem>> -> memref<512x32xf32, #tpu.memory_space<vmem>>
        %gather3A_254 = tpu.vector_load_idx %gather3A_253[%add3A_249, %add3A_183] : memref<512x32xf32, #tpu.memory_space<vmem>>[vector<16xi32>, vector<16xi32>], vector<16xf32>,
        %swap3A_255 = arith.constant 0 : i32
        %swap3A_256 = arith.index_cast %swap3A_255 : i32 to index
        %swap3A_257 = arith.index_cast %scan3A_180 : i32 to index
        %swap3A_258 = arith.constant 80 : index
        %swap3A_259 = tpu.vector_load %arg8[%swap3A_256, %swap3A_257, %swap3A_258] {strides = array<i32>} : memref<2x32x512xf32, #tpu.memory_space<vmem>>, vector<16xf32>,
        tpu.vector_store %arg8[%swap3A_256, %swap3A_257, %swap3A_258], %gather3A_254 {strides = array<i32>} : memref<2x32x512xf32, #tpu.memory_space<vmem>>, vector<16xf32>,
        %add3A_260 = arith.constant 96 : i32
        %add3A_261 = vector.broadcast %add3A_260 : i32 to vector<16xi32>
        %add3A_262 = arith.addi %iota3A, %add3A_261 : vector<16xi32>
        %gather3A_263 = arith.constant 0 : i32
        %gather3A_264 = arith.constant 0 : i32
        %gather3A_265 = tpu.memref_slice %arg7[%scan3A_99, %gather3A_263, %gather3A_264] : memref<2x512x32xf32, #tpu.memory_space<vmem>> -> memref<1x512x32xf32, #tpu.memory_space<vmem>>
        %gather3A_266 = tpu.memref_squeeze %gather3A_265 : memref<1x512x32xf32, #tpu.memory_space<vmem>> -> memref<512x32xf32, #tpu.memory_space<vmem>>
        %gather3A_267 = tpu.vector_load_idx %gather3A_266[%add3A_262, %add3A_183] : memref<512x32xf32, #tpu.memory_space<vmem>>[vector<16xi32>, vector<16xi32>], vector<16xf32>,
        %swap3A_268 = arith.constant 0 : i32
        %swap3A_269 = arith.index_cast %swap3A_268 : i32 to index
        %swap3A_270 = arith.index_cast %scan3A_180 : i32 to index
        %swap3A_271 = arith.constant 96 : index
        %swap3A_272 = tpu.vector_load %arg8[%swap3A_269, %swap3A_270, %swap3A_271] {strides = array<i32>} : memref<2x32x512xf32, #tpu.memory_space<vmem>>, vector<16xf32>,
        tpu.vector_store %arg8[%swap3A_269, %swap3A_270, %swap3A_271], %gather3A_267 {strides = array<i32>} : memref<2x32x512xf32, #tpu.memory_space<vmem>>, vector<16xf32>,
        %add3A_273 = arith.constant 112 : i32
        %add3A_274 = vector.broadcast %add3A_273 : i32 to vector<16xi32>
        %add3A_275 = arith.addi %iota3A, %add3A_274 : vector<16xi32>
        %gather3A_276 = arith.constant 0 : i32
        %gather3A_277 = arith.constant 0 : i32
        %gather3A_278 = tpu.memref_slice %arg7[%scan3A_99, %gather3A_276, %gather3A_277] : memref<2x512x32xf32, #tpu.memory_space<vmem>> -> memref<1x512x32xf32, #tpu.memory_space<vmem>>
        %gather3A_279 = tpu.memref_squeeze %gather3A_278 : memref<1x512x32xf32, #tpu.memory_space<vmem>> -> memref<512x32xf32, #tpu.memory_space<vmem>>
        %gather3A_280 = tpu.vector_load_idx %gather3A_279[%add3A_275, %add3A_183] : memref<512x32xf32, #tpu.memory_space<vmem>>[vector<16xi32>, vector<16xi32>], vector<16xf32>,
        %swap3A_281 = arith.constant 0 : i32
        %swap3A_282 = arith.index_cast %swap3A_281 : i32 to index
        %swap3A_283 = arith.index_cast %scan3A_180 : i32 to index
        %swap3A_284 = arith.constant 112 : index
        %swap3A_285 = tpu.vector_load %arg8[%swap3A_282, %swap3A_283, %swap3A_284] {strides = array<i32>} : memref<2x32x512xf32, #tpu.memory_space<vmem>>, vector<16xf32>,
        tpu.vector_store %arg8[%swap3A_282, %swap3A_283, %swap3A_284], %gather3A_280 {strides = array<i32>} : memref<2x32x512xf32, #tpu.memory_space<vmem>>, vector<16xf32>,
        %add3A_286 = arith.constant 128 : i32
        %add3A_287 = vector.broadcast %add3A_286 : i32 to vector<16xi32>
        %add3A_288 = arith.addi %iota3A, %add3A_287 : vector<16xi32>
        %gather3A_289 = arith.constant 0 : i32
        %gather3A_290 = arith.constant 0 : i32
        %gather3A_291 = tpu.memref_slice %arg7[%scan3A_99, %gather3A_289, %gather3A_290] : memref<2x512x32xf32, #tpu.memory_space<vmem>> -> memref<1x512x32xf32, #tpu.memory_space<vmem>>
        %gather3A_292 = tpu.memref_squeeze %gather3A_291 : memref<1x512x32xf32, #tpu.memory_space<vmem>> -> memref<512x32xf32, #tpu.memory_space<vmem>>
        %gather3A_293 = tpu.vector_load_idx %gather3A_292[%add3A_288, %add3A_183] : memref<512x32xf32, #tpu.memory_space<vmem>>[vector<16xi32>, vector<16xi32>], vector<16xf32>,
        %swap3A_294 = arith.constant 0 : i32
        %swap3A_295 = arith.index_cast %swap3A_294 : i32 to index
        %swap3A_296 = arith.index_cast %scan3A_180 : i32 to index
        %swap3A_297 = arith.constant 128 : index
        %swap3A_298 = tpu.vector_load %arg8[%swap3A_295, %swap3A_296, %swap3A_297] {strides = array<i32>} : memref<2x32x512xf32, #tpu.memory_space<vmem>>, vector<16xf32>,
        tpu.vector_store %arg8[%swap3A_295, %swap3A_296, %swap3A_297], %gather3A_293 {strides = array<i32>} : memref<2x32x512xf32, #tpu.memory_space<vmem>>, vector<16xf32>,
        %add3A_299 = arith.constant 144 : i32
        %add3A_300 = vector.broadcast %add3A_299 : i32 to vector<16xi32>
        %add3A_301 = arith.addi %iota3A, %add3A_300 : vector<16xi32>
        %gather3A_302 = arith.constant 0 : i32
        %gather3A_303 = arith.constant 0 : i32
        %gather3A_304 = tpu.memref_slice %arg7[%scan3A_99, %gather3A_302, %gather3A_303] : memref<2x512x32xf32, #tpu.memory_space<vmem>> -> memref<1x512x32xf32, #tpu.memory_space<vmem>>
        %gather3A_305 = tpu.memref_squeeze %gather3A_304 : memref<1x512x32xf32, #tpu.memory_space<vmem>> -> memref<512x32xf32, #tpu.memory_space<vmem>>
        %gather3A_306 = tpu.vector_load_idx %gather3A_305[%add3A_301, %add3A_183] : memref<512x32xf32, #tpu.memory_space<vmem>>[vector<16xi32>, vector<16xi32>], vector<16xf32>,
        %swap3A_307 = arith.constant 0 : i32
        %swap3A_308 = arith.index_cast %swap3A_307 : i32 to index
        %swap3A_309 = arith.index_cast %scan3A_180 : i32 to index
        %swap3A_310 = arith.constant 144 : index
        %swap3A_311 = tpu.vector_load %arg8[%swap3A_308, %swap3A_309, %swap3A_310] {strides = array<i32>} : memref<2x32x512xf32, #tpu.memory_space<vmem>>, vector<16xf32>,
        tpu.vector_store %arg8[%swap3A_308, %swap3A_309, %swap3A_310], %gather3A_306 {strides = array<i32>} : memref<2x32x512xf32, #tpu.memory_space<vmem>>, vector<16xf32>,
        %add3A_312 = arith.constant 160 : i32
        %add3A_313 = vector.broadcast %add3A_312 : i32 to vector<16xi32>
        %add3A_314 = arith.addi %iota3A, %add3A_313 : vector<16xi32>
        %gather3A_315 = arith.constant 0 : i32
        %gather3A_316 = arith.constant 0 : i32
        %gather3A_317 = tpu.memref_slice %arg7[%scan3A_99, %gather3A_315, %gather3A_316] : memref<2x512x32xf32, #tpu.memory_space<vmem>> -> memref<1x512x32xf32, #tpu.memory_space<vmem>>
        %gather3A_318 = tpu.memref_squeeze %gather3A_317 : memref<1x512x32xf32, #tpu.memory_space<vmem>> -> memref<512x32xf32, #tpu.memory_space<vmem>>
        %gather3A_319 = tpu.vector_load_idx %gather3A_318[%add3A_314, %add3A_183] : memref<512x32xf32, #tpu.memory_space<vmem>>[vector<16xi32>, vector<16xi32>], vector<16xf32>,
        %swap3A_320 = arith.constant 0 : i32
        %swap3A_321 = arith.index_cast %swap3A_320 : i32 to index
        %swap3A_322 = arith.index_cast %scan3A_180 : i32 to index
        %swap3A_323 = arith.constant 160 : index
        %swap3A_324 = tpu.vector_load %arg8[%swap3A_321, %swap3A_322, %swap3A_323] {strides = array<i32>} : memref<2x32x512xf32, #tpu.memory_space<vmem>>, vector<16xf32>,
        tpu.vector_store %arg8[%swap3A_321, %swap3A_322, %swap3A_323], %gather3A_319 {strides = array<i32>} : memref<2x32x512xf32, #tpu.memory_space<vmem>>, vector<16xf32>,
        %add3A_325 = arith.constant 176 : i32
        %add3A_326 = vector.broadcast %add3A_325 : i32 to vector<16xi32>
        %add3A_327 = arith.addi %iota3A, %add3A_326 : vector<16xi32>
        %gather3A_328 = arith.constant 0 : i32
        %gather3A_329 = arith.constant 0 : i32
        %gather3A_330 = tpu.memref_slice %arg7[%scan3A_99, %gather3A_328, %gather3A_329] : memref<2x512x32xf32, #tpu.memory_space<vmem>> -> memref<1x512x32xf32, #tpu.memory_space<vmem>>
        %gather3A_331 = tpu.memref_squeeze %gather3A_330 : memref<1x512x32xf32, #tpu.memory_space<vmem>> -> memref<512x32xf32, #tpu.memory_space<vmem>>
        %gather3A_332 = tpu.vector_load_idx %gather3A_331[%add3A_327, %add3A_183] : memref<512x32xf32, #tpu.memory_space<vmem>>[vector<16xi32>, vector<16xi32>], vector<16xf32>,
        %swap3A_333 = arith.constant 0 : i32
        %swap3A_334 = arith.index_cast %swap3A_333 : i32 to index
        %swap3A_335 = arith.index_cast %scan3A_180 : i32 to index
        %swap3A_336 = arith.constant 176 : index
        %swap3A_337 = tpu.vector_load %arg8[%swap3A_334, %swap3A_335, %swap3A_336] {strides = array<i32>} : memref<2x32x512xf32, #tpu.memory_space<vmem>>, vector<16xf32>,
        tpu.vector_store %arg8[%swap3A_334, %swap3A_335, %swap3A_336], %gather3A_332 {strides = array<i32>} : memref<2x32x512xf32, #tpu.memory_space<vmem>>, vector<16xf32>,
        %add3A_338 = arith.constant 192 : i32
        %add3A_339 = vector.broadcast %add3A_338 : i32 to vector<16xi32>
        %add3A_340 = arith.addi %iota3A, %add3A_339 : vector<16xi32>
        %gather3A_341 = arith.constant 0 : i32
        %gather3A_342 = arith.constant 0 : i32
        %gather3A_343 = tpu.memref_slice %arg7[%scan3A_99, %gather3A_341, %gather3A_342] : memref<2x512x32xf32, #tpu.memory_space<vmem>> -> memref<1x512x32xf32, #tpu.memory_space<vmem>>
        %gather3A_344 = tpu.memref_squeeze %gather3A_343 : memref<1x512x32xf32, #tpu.memory_space<vmem>> -> memref<512x32xf32, #tpu.memory_space<vmem>>
        %gather3A_345 = tpu.vector_load_idx %gather3A_344[%add3A_340, %add3A_183] : memref<512x32xf32, #tpu.memory_space<vmem>>[vector<16xi32>, vector<16xi32>], vector<16xf32>,
        %swap3A_346 = arith.constant 0 : i32
        %swap3A_347 = arith.index_cast %swap3A_346 : i32 to index
        %swap3A_348 = arith.index_cast %scan3A_180 : i32 to index
        %swap3A_349 = arith.constant 192 : index
        %swap3A_350 = tpu.vector_load %arg8[%swap3A_347, %swap3A_348, %swap3A_349] {strides = array<i32>} : memref<2x32x512xf32, #tpu.memory_space<vmem>>, vector<16xf32>,
        tpu.vector_store %arg8[%swap3A_347, %swap3A_348, %swap3A_349], %gather3A_345 {strides = array<i32>} : memref<2x32x512xf32, #tpu.memory_space<vmem>>, vector<16xf32>,
        %add3A_351 = arith.constant 208 : i32
        %add3A_352 = vector.broadcast %add3A_351 : i32 to vector<16xi32>
        %add3A_353 = arith.addi %iota3A, %add3A_352 : vector<16xi32>
        %gather3A_354 = arith.constant 0 : i32
        %gather3A_355 = arith.constant 0 : i32
        %gather3A_356 = tpu.memref_slice %arg7[%scan3A_99, %gather3A_354, %gather3A_355] : memref<2x512x32xf32, #tpu.memory_space<vmem>> -> memref<1x512x32xf32, #tpu.memory_space<vmem>>
        %gather3A_357 = tpu.memref_squeeze %gather3A_356 : memref<1x512x32xf32, #tpu.memory_space<vmem>> -> memref<512x32xf32, #tpu.memory_space<vmem>>
        %gather3A_358 = tpu.vector_load_idx %gather3A_357[%add3A_353, %add3A_183] : memref<512x32xf32, #tpu.memory_space<vmem>>[vector<16xi32>, vector<16xi32>], vector<16xf32>,
        %swap3A_359 = arith.constant 0 : i32
        %swap3A_360 = arith.index_cast %swap3A_359 : i32 to index
        %swap3A_361 = arith.index_cast %scan3A_180 : i32 to index
        %swap3A_362 = arith.constant 208 : index
        %swap3A_363 = tpu.vector_load %arg8[%swap3A_360, %swap3A_361, %swap3A_362] {strides = array<i32>} : memref<2x32x512xf32, #tpu.memory_space<vmem>>, vector<16xf32>,
        tpu.vector_store %arg8[%swap3A_360, %swap3A_361, %swap3A_362], %gather3A_358 {strides = array<i32>} : memref<2x32x512xf32, #tpu.memory_space<vmem>>, vector<16xf32>,
        %add3A_364 = arith.constant 224 : i32
        %add3A_365 = vector.broadcast %add3A_364 : i32 to vector<16xi32>
        %add3A_366 = arith.addi %iota3A, %add3A_365 : vector<16xi32>
        %gather3A_367 = arith.constant 0 : i32
        %gather3A_368 = arith.constant 0 : i32
        %gather3A_369 = tpu.memref_slice %arg7[%scan3A_99, %gather3A_367, %gather3A_368] : memref<2x512x32xf32, #tpu.memory_space<vmem>> -> memref<1x512x32xf32, #tpu.memory_space<vmem>>
        %gather3A_370 = tpu.memref_squeeze %gather3A_369 : memref<1x512x32xf32, #tpu.memory_space<vmem>> -> memref<512x32xf32, #tpu.memory_space<vmem>>
        %gather3A_371 = tpu.vector_load_idx %gather3A_370[%add3A_366, %add3A_183] : memref<512x32xf32, #tpu.memory_space<vmem>>[vector<16xi32>, vector<16xi32>], vector<16xf32>,
        %swap3A_372 = arith.constant 0 : i32
        %swap3A_373 = arith.index_cast %swap3A_372 : i32 to index
        %swap3A_374 = arith.index_cast %scan3A_180 : i32 to index
        %swap3A_375 = arith.constant 224 : index
        %swap3A_376 = tpu.vector_load %arg8[%swap3A_373, %swap3A_374, %swap3A_375] {strides = array<i32>} : memref<2x32x512xf32, #tpu.memory_space<vmem>>, vector<16xf32>,
        tpu.vector_store %arg8[%swap3A_373, %swap3A_374, %swap3A_375], %gather3A_371 {strides = array<i32>} : memref<2x32x512xf32, #tpu.memory_space<vmem>>, vector<16xf32>,
        %add3A_377 = arith.constant 240 : i32
        %add3A_378 = vector.broadcast %add3A_377 : i32 to vector<16xi32>
        %add3A_379 = arith.addi %iota3A, %add3A_378 : vector<16xi32>
        %gather3A_380 = arith.constant 0 : i32
        %gather3A_381 = arith.constant 0 : i32
        %gather3A_382 = tpu.memref_slice %arg7[%scan3A_99, %gather3A_380, %gather3A_381] : memref<2x512x32xf32, #tpu.memory_space<vmem>> -> memref<1x512x32xf32, #tpu.memory_space<vmem>>
        %gather3A_383 = tpu.memref_squeeze %gather3A_382 : memref<1x512x32xf32, #tpu.memory_space<vmem>> -> memref<512x32xf32, #tpu.memory_space<vmem>>
        %gather3A_384 = tpu.vector_load_idx %gather3A_383[%add3A_379, %add3A_183] : memref<512x32xf32, #tpu.memory_space<vmem>>[vector<16xi32>, vector<16xi32>], vector<16xf32>,
        %swap3A_385 = arith.constant 0 : i32
        %swap3A_386 = arith.index_cast %swap3A_385 : i32 to index
        %swap3A_387 = arith.index_cast %scan3A_180 : i32 to index
        %swap3A_388 = arith.constant 240 : index
        %swap3A_389 = tpu.vector_load %arg8[%swap3A_386, %swap3A_387, %swap3A_388] {strides = array<i32>} : memref<2x32x512xf32, #tpu.memory_space<vmem>>, vector<16xf32>,
        tpu.vector_store %arg8[%swap3A_386, %swap3A_387, %swap3A_388], %gather3A_384 {strides = array<i32>} : memref<2x32x512xf32, #tpu.memory_space<vmem>>, vector<16xf32>,
        %add3A_390 = arith.constant 256 : i32
        %add3A_391 = vector.broadcast %add3A_390 : i32 to vector<16xi32>
        %add3A_392 = arith.addi %iota3A, %add3A_391 : vector<16xi32>
        %gather3A_393 = arith.constant 0 : i32
        %gather3A_394 = arith.constant 0 : i32
        %gather3A_395 = tpu.memref_slice %arg7[%scan3A_99, %gather3A_393, %gather3A_394] : memref<2x512x32xf32, #tpu.memory_space<vmem>> -> memref<1x512x32xf32, #tpu.memory_space<vmem>>
        %gather3A_396 = tpu.memref_squeeze %gather3A_395 : memref<1x512x32xf32, #tpu.memory_space<vmem>> -> memref<512x32xf32, #tpu.memory_space<vmem>>
        %gather3A_397 = tpu.vector_load_idx %gather3A_396[%add3A_392, %add3A_183] : memref<512x32xf32, #tpu.memory_space<vmem>>[vector<16xi32>, vector<16xi32>], vector<16xf32>,
        %swap3A_398 = arith.constant 0 : i32
        %swap3A_399 = arith.index_cast %swap3A_398 : i32 to index
        %swap3A_400 = arith.index_cast %scan3A_180 : i32 to index
        %swap3A_401 = arith.constant 256 : index
        %swap3A_402 = tpu.vector_load %arg8[%swap3A_399, %swap3A_400, %swap3A_401] {strides = array<i32>} : memref<2x32x512xf32, #tpu.memory_space<vmem>>, vector<16xf32>,
        tpu.vector_store %arg8[%swap3A_399, %swap3A_400, %swap3A_401], %gather3A_397 {strides = array<i32>} : memref<2x32x512xf32, #tpu.memory_space<vmem>>, vector<16xf32>,
        %add3A_403 = arith.constant 272 : i32
        %add3A_404 = vector.broadcast %add3A_403 : i32 to vector<16xi32>
        %add3A_405 = arith.addi %iota3A, %add3A_404 : vector<16xi32>
        %gather3A_406 = arith.constant 0 : i32
        %gather3A_407 = arith.constant 0 : i32
        %gather3A_408 = tpu.memref_slice %arg7[%scan3A_99, %gather3A_406, %gather3A_407] : memref<2x512x32xf32, #tpu.memory_space<vmem>> -> memref<1x512x32xf32, #tpu.memory_space<vmem>>
        %gather3A_409 = tpu.memref_squeeze %gather3A_408 : memref<1x512x32xf32, #tpu.memory_space<vmem>> -> memref<512x32xf32, #tpu.memory_space<vmem>>
        %gather3A_410 = tpu.vector_load_idx %gather3A_409[%add3A_405, %add3A_183] : memref<512x32xf32, #tpu.memory_space<vmem>>[vector<16xi32>, vector<16xi32>], vector<16xf32>,
        %swap3A_411 = arith.constant 0 : i32
        %swap3A_412 = arith.index_cast %swap3A_411 : i32 to index
        %swap3A_413 = arith.index_cast %scan3A_180 : i32 to index
        %swap3A_414 = arith.constant 272 : index
        %swap3A_415 = tpu.vector_load %arg8[%swap3A_412, %swap3A_413, %swap3A_414] {strides = array<i32>} : memref<2x32x512xf32, #tpu.memory_space<vmem>>, vector<16xf32>,
        tpu.vector_store %arg8[%swap3A_412, %swap3A_413, %swap3A_414], %gather3A_410 {strides = array<i32>} : memref<2x32x512xf32, #tpu.memory_space<vmem>>, vector<16xf32>,
        %add3A_416 = arith.constant 288 : i32
        %add3A_417 = vector.broadcast %add3A_416 : i32 to vector<16xi32>
        %add3A_418 = arith.addi %iota3A, %add3A_417 : vector<16xi32>
        %gather3A_419 = arith.constant 0 : i32
        %gather3A_420 = arith.constant 0 : i32
        %gather3A_421 = tpu.memref_slice %arg7[%scan3A_99, %gather3A_419, %gather3A_420] : memref<2x512x32xf32, #tpu.memory_space<vmem>> -> memref<1x512x32xf32, #tpu.memory_space<vmem>>
        %gather3A_422 = tpu.memref_squeeze %gather3A_421 : memref<1x512x32xf32, #tpu.memory_space<vmem>> -> memref<512x32xf32, #tpu.memory_space<vmem>>
        %gather3A_423 = tpu.vector_load_idx %gather3A_422[%add3A_418, %add3A_183] : memref<512x32xf32, #tpu.memory_space<vmem>>[vector<16xi32>, vector<16xi32>], vector<16xf32>,
        %swap3A_424 = arith.constant 0 : i32
        %swap3A_425 = arith.index_cast %swap3A_424 : i32 to index
        %swap3A_426 = arith.index_cast %scan3A_180 : i32 to index
        %swap3A_427 = arith.constant 288 : index
        %swap3A_428 = tpu.vector_load %arg8[%swap3A_425, %swap3A_426, %swap3A_427] {strides = array<i32>} : memref<2x32x512xf32, #tpu.memory_space<vmem>>, vector<16xf32>,
        tpu.vector_store %arg8[%swap3A_425, %swap3A_426, %swap3A_427], %gather3A_423 {strides = array<i32>} : memref<2x32x512xf32, #tpu.memory_space<vmem>>, vector<16xf32>,
        %add3A_429 = arith.constant 304 : i32
        %add3A_430 = vector.broadcast %add3A_429 : i32 to vector<16xi32>
        %add3A_431 = arith.addi %iota3A, %add3A_430 : vector<16xi32>
        %gather3A_432 = arith.constant 0 : i32
        %gather3A_433 = arith.constant 0 : i32
        %gather3A_434 = tpu.memref_slice %arg7[%scan3A_99, %gather3A_432, %gather3A_433] : memref<2x512x32xf32, #tpu.memory_space<vmem>> -> memref<1x512x32xf32, #tpu.memory_space<vmem>>
        %gather3A_435 = tpu.memref_squeeze %gather3A_434 : memref<1x512x32xf32, #tpu.memory_space<vmem>> -> memref<512x32xf32, #tpu.memory_space<vmem>>
        %gather3A_436 = tpu.vector_load_idx %gather3A_435[%add3A_431, %add3A_183] : memref<512x32xf32, #tpu.memory_space<vmem>>[vector<16xi32>, vector<16xi32>], vector<16xf32>,
        %swap3A_437 = arith.constant 0 : i32
        %swap3A_438 = arith.index_cast %swap3A_437 : i32 to index
        %swap3A_439 = arith.index_cast %scan3A_180 : i32 to index
        %swap3A_440 = arith.constant 304 : index
        %swap3A_441 = tpu.vector_load %arg8[%swap3A_438, %swap3A_439, %swap3A_440] {strides = array<i32>} : memref<2x32x512xf32, #tpu.memory_space<vmem>>, vector<16xf32>,
        tpu.vector_store %arg8[%swap3A_438, %swap3A_439, %swap3A_440], %gather3A_436 {strides = array<i32>} : memref<2x32x512xf32, #tpu.memory_space<vmem>>, vector<16xf32>,
        %add3A_442 = arith.constant 320 : i32
        %add3A_443 = vector.broadcast %add3A_442 : i32 to vector<16xi32>
        %add3A_444 = arith.addi %iota3A, %add3A_443 : vector<16xi32>
        %gather3A_445 = arith.constant 0 : i32
        %gather3A_446 = arith.constant 0 : i32
        %gather3A_447 = tpu.memref_slice %arg7[%scan3A_99, %gather3A_445, %gather3A_446] : memref<2x512x32xf32, #tpu.memory_space<vmem>> -> memref<1x512x32xf32, #tpu.memory_space<vmem>>
        %gather3A_448 = tpu.memref_squeeze %gather3A_447 : memref<1x512x32xf32, #tpu.memory_space<vmem>> -> memref<512x32xf32, #tpu.memory_space<vmem>>
        %gather3A_449 = tpu.vector_load_idx %gather3A_448[%add3A_444, %add3A_183] : memref<512x32xf32, #tpu.memory_space<vmem>>[vector<16xi32>, vector<16xi32>], vector<16xf32>,
        %swap3A_450 = arith.constant 0 : i32
        %swap3A_451 = arith.index_cast %swap3A_450 : i32 to index
        %swap3A_452 = arith.index_cast %scan3A_180 : i32 to index
        %swap3A_453 = arith.constant 320 : index
        %swap3A_454 = tpu.vector_load %arg8[%swap3A_451, %swap3A_452, %swap3A_453] {strides = array<i32>} : memref<2x32x512xf32, #tpu.memory_space<vmem>>, vector<16xf32>,
        tpu.vector_store %arg8[%swap3A_451, %swap3A_452, %swap3A_453], %gather3A_449 {strides = array<i32>} : memref<2x32x512xf32, #tpu.memory_space<vmem>>, vector<16xf32>,
        %add3A_455 = arith.constant 336 : i32
        %add3A_456 = vector.broadcast %add3A_455 : i32 to vector<16xi32>
        %add3A_457 = arith.addi %iota3A, %add3A_456 : vector<16xi32>
        %gather3A_458 = arith.constant 0 : i32
        %gather3A_459 = arith.constant 0 : i32
        %gather3A_460 = tpu.memref_slice %arg7[%scan3A_99, %gather3A_458, %gather3A_459] : memref<2x512x32xf32, #tpu.memory_space<vmem>> -> memref<1x512x32xf32, #tpu.memory_space<vmem>>
        %gather3A_461 = tpu.memref_squeeze %gather3A_460 : memref<1x512x32xf32, #tpu.memory_space<vmem>> -> memref<512x32xf32, #tpu.memory_space<vmem>>
        %gather3A_462 = tpu.vector_load_idx %gather3A_461[%add3A_457, %add3A_183] : memref<512x32xf32, #tpu.memory_space<vmem>>[vector<16xi32>, vector<16xi32>], vector<16xf32>,
        %swap3A_463 = arith.constant 0 : i32
        %swap3A_464 = arith.index_cast %swap3A_463 : i32 to index
        %swap3A_465 = arith.index_cast %scan3A_180 : i32 to index
        %swap3A_466 = arith.constant 336 : index
        %swap3A_467 = tpu.vector_load %arg8[%swap3A_464, %swap3A_465, %swap3A_466] {strides = array<i32>} : memref<2x32x512xf32, #tpu.memory_space<vmem>>, vector<16xf32>,
        tpu.vector_store %arg8[%swap3A_464, %swap3A_465, %swap3A_466], %gather3A_462 {strides = array<i32>} : memref<2x32x512xf32, #tpu.memory_space<vmem>>, vector<16xf32>,
        %add3A_468 = arith.constant 352 : i32
        %add3A_469 = vector.broadcast %add3A_468 : i32 to vector<16xi32>
        %add3A_470 = arith.addi %iota3A, %add3A_469 : vector<16xi32>
        %gather3A_471 = arith.constant 0 : i32
        %gather3A_472 = arith.constant 0 : i32
        %gather3A_473 = tpu.memref_slice %arg7[%scan3A_99, %gather3A_471, %gather3A_472] : memref<2x512x32xf32, #tpu.memory_space<vmem>> -> memref<1x512x32xf32, #tpu.memory_space<vmem>>
        %gather3A_474 = tpu.memref_squeeze %gather3A_473 : memref<1x512x32xf32, #tpu.memory_space<vmem>> -> memref<512x32xf32, #tpu.memory_space<vmem>>
        %gather3A_475 = tpu.vector_load_idx %gather3A_474[%add3A_470, %add3A_183] : memref<512x32xf32, #tpu.memory_space<vmem>>[vector<16xi32>, vector<16xi32>], vector<16xf32>,
        %swap3A_476 = arith.constant 0 : i32
        %swap3A_477 = arith.index_cast %swap3A_476 : i32 to index
        %swap3A_478 = arith.index_cast %scan3A_180 : i32 to index
        %swap3A_479 = arith.constant 352 : index
        %swap3A_480 = tpu.vector_load %arg8[%swap3A_477, %swap3A_478, %swap3A_479] {strides = array<i32>} : memref<2x32x512xf32, #tpu.memory_space<vmem>>, vector<16xf32>,
        tpu.vector_store %arg8[%swap3A_477, %swap3A_478, %swap3A_479], %gather3A_475 {strides = array<i32>} : memref<2x32x512xf32, #tpu.memory_space<vmem>>, vector<16xf32>,
        %add3A_481 = arith.constant 368 : i32
        %add3A_482 = vector.broadcast %add3A_481 : i32 to vector<16xi32>
        %add3A_483 = arith.addi %iota3A, %add3A_482 : vector<16xi32>
        %gather3A_484 = arith.constant 0 : i32
        %gather3A_485 = arith.constant 0 : i32
        %gather3A_486 = tpu.memref_slice %arg7[%scan3A_99, %gather3A_484, %gather3A_485] : memref<2x512x32xf32, #tpu.memory_space<vmem>> -> memref<1x512x32xf32, #tpu.memory_space<vmem>>
        %gather3A_487 = tpu.memref_squeeze %gather3A_486 : memref<1x512x32xf32, #tpu.memory_space<vmem>> -> memref<512x32xf32, #tpu.memory_space<vmem>>
        %gather3A_488 = tpu.vector_load_idx %gather3A_487[%add3A_483, %add3A_183] : memref<512x32xf32, #tpu.memory_space<vmem>>[vector<16xi32>, vector<16xi32>], vector<16xf32>,
        %swap3A_489 = arith.constant 0 : i32
        %swap3A_490 = arith.index_cast %swap3A_489 : i32 to index
        %swap3A_491 = arith.index_cast %scan3A_180 : i32 to index
        %swap3A_492 = arith.constant 368 : index
        %swap3A_493 = tpu.vector_load %arg8[%swap3A_490, %swap3A_491, %swap3A_492] {strides = array<i32>} : memref<2x32x512xf32, #tpu.memory_space<vmem>>, vector<16xf32>,
        tpu.vector_store %arg8[%swap3A_490, %swap3A_491, %swap3A_492], %gather3A_488 {strides = array<i32>} : memref<2x32x512xf32, #tpu.memory_space<vmem>>, vector<16xf32>,
        %add3A_494 = arith.constant 384 : i32
        %add3A_495 = vector.broadcast %add3A_494 : i32 to vector<16xi32>
        %add3A_496 = arith.addi %iota3A, %add3A_495 : vector<16xi32>
        %gather3A_497 = arith.constant 0 : i32
        %gather3A_498 = arith.constant 0 : i32
        %gather3A_499 = tpu.memref_slice %arg7[%scan3A_99, %gather3A_497, %gather3A_498] : memref<2x512x32xf32, #tpu.memory_space<vmem>> -> memref<1x512x32xf32, #tpu.memory_space<vmem>>
        %gather3A_500 = tpu.memref_squeeze %gather3A_499 : memref<1x512x32xf32, #tpu.memory_space<vmem>> -> memref<512x32xf32, #tpu.memory_space<vmem>>
        %gather3A_501 = tpu.vector_load_idx %gather3A_500[%add3A_496, %add3A_183] : memref<512x32xf32, #tpu.memory_space<vmem>>[vector<16xi32>, vector<16xi32>], vector<16xf32>,
        %swap3A_502 = arith.constant 0 : i32
        %swap3A_503 = arith.index_cast %swap3A_502 : i32 to index
        %swap3A_504 = arith.index_cast %scan3A_180 : i32 to index
        %swap3A_505 = arith.constant 384 : index
        %swap3A_506 = tpu.vector_load %arg8[%swap3A_503, %swap3A_504, %swap3A_505] {strides = array<i32>} : memref<2x32x512xf32, #tpu.memory_space<vmem>>, vector<16xf32>,
        tpu.vector_store %arg8[%swap3A_503, %swap3A_504, %swap3A_505], %gather3A_501 {strides = array<i32>} : memref<2x32x512xf32, #tpu.memory_space<vmem>>, vector<16xf32>,
        %add3A_507 = arith.constant 400 : i32
        %add3A_508 = vector.broadcast %add3A_507 : i32 to vector<16xi32>
        %add3A_509 = arith.addi %iota3A, %add3A_508 : vector<16xi32>
        %gather3A_510 = arith.constant 0 : i32
        %gather3A_511 = arith.constant 0 : i32
        %gather3A_512 = tpu.memref_slice %arg7[%scan3A_99, %gather3A_510, %gather3A_511] : memref<2x512x32xf32, #tpu.memory_space<vmem>> -> memref<1x512x32xf32, #tpu.memory_space<vmem>>
        %gather3A_513 = tpu.memref_squeeze %gather3A_512 : memref<1x512x32xf32, #tpu.memory_space<vmem>> -> memref<512x32xf32, #tpu.memory_space<vmem>>
        %gather3A_514 = tpu.vector_load_idx %gather3A_513[%add3A_509, %add3A_183] : memref<512x32xf32, #tpu.memory_space<vmem>>[vector<16xi32>, vector<16xi32>], vector<16xf32>,
        %swap3A_515 = arith.constant 0 : i32
        %swap3A_516 = arith.index_cast %swap3A_515 : i32 to index
        %swap3A_517 = arith.index_cast %scan3A_180 : i32 to index
        %swap3A_518 = arith.constant 400 : index
        %swap3A_519 = tpu.vector_load %arg8[%swap3A_516, %swap3A_517, %swap3A_518] {strides = array<i32>} : memref<2x32x512xf32, #tpu.memory_space<vmem>>, vector<16xf32>,
        tpu.vector_store %arg8[%swap3A_516, %swap3A_517, %swap3A_518], %gather3A_514 {strides = array<i32>} : memref<2x32x512xf32, #tpu.memory_space<vmem>>, vector<16xf32>,
        %add3A_520 = arith.constant 416 : i32
        %add3A_521 = vector.broadcast %add3A_520 : i32 to vector<16xi32>
        %add3A_522 = arith.addi %iota3A, %add3A_521 : vector<16xi32>
        %gather3A_523 = arith.constant 0 : i32
        %gather3A_524 = arith.constant 0 : i32
        %gather3A_525 = tpu.memref_slice %arg7[%scan3A_99, %gather3A_523, %gather3A_524] : memref<2x512x32xf32, #tpu.memory_space<vmem>> -> memref<1x512x32xf32, #tpu.memory_space<vmem>>
        %gather3A_526 = tpu.memref_squeeze %gather3A_525 : memref<1x512x32xf32, #tpu.memory_space<vmem>> -> memref<512x32xf32, #tpu.memory_space<vmem>>
        %gather3A_527 = tpu.vector_load_idx %gather3A_526[%add3A_522, %add3A_183] : memref<512x32xf32, #tpu.memory_space<vmem>>[vector<16xi32>, vector<16xi32>], vector<16xf32>,
        %swap3A_528 = arith.constant 0 : i32
        %swap3A_529 = arith.index_cast %swap3A_528 : i32 to index
        %swap3A_530 = arith.index_cast %scan3A_180 : i32 to index
        %swap3A_531 = arith.constant 416 : index
        %swap3A_532 = tpu.vector_load %arg8[%swap3A_529, %swap3A_530, %swap3A_531] {strides = array<i32>} : memref<2x32x512xf32, #tpu.memory_space<vmem>>, vector<16xf32>,
        tpu.vector_store %arg8[%swap3A_529, %swap3A_530, %swap3A_531], %gather3A_527 {strides = array<i32>} : memref<2x32x512xf32, #tpu.memory_space<vmem>>, vector<16xf32>,
        %add3A_533 = arith.constant 432 : i32
        %add3A_534 = vector.broadcast %add3A_533 : i32 to vector<16xi32>
        %add3A_535 = arith.addi %iota3A, %add3A_534 : vector<16xi32>
        %gather3A_536 = arith.constant 0 : i32
        %gather3A_537 = arith.constant 0 : i32
        %gather3A_538 = tpu.memref_slice %arg7[%scan3A_99, %gather3A_536, %gather3A_537] : memref<2x512x32xf32, #tpu.memory_space<vmem>> -> memref<1x512x32xf32, #tpu.memory_space<vmem>>
        %gather3A_539 = tpu.memref_squeeze %gather3A_538 : memref<1x512x32xf32, #tpu.memory_space<vmem>> -> memref<512x32xf32, #tpu.memory_space<vmem>>
        %gather3A_540 = tpu.vector_load_idx %gather3A_539[%add3A_535, %add3A_183] : memref<512x32xf32, #tpu.memory_space<vmem>>[vector<16xi32>, vector<16xi32>], vector<16xf32>,
        %swap3A_541 = arith.constant 0 : i32
        %swap3A_542 = arith.index_cast %swap3A_541 : i32 to index
        %swap3A_543 = arith.index_cast %scan3A_180 : i32 to index
        %swap3A_544 = arith.constant 432 : index
        %swap3A_545 = tpu.vector_load %arg8[%swap3A_542, %swap3A_543, %swap3A_544] {strides = array<i32>} : memref<2x32x512xf32, #tpu.memory_space<vmem>>, vector<16xf32>,
        tpu.vector_store %arg8[%swap3A_542, %swap3A_543, %swap3A_544], %gather3A_540 {strides = array<i32>} : memref<2x32x512xf32, #tpu.memory_space<vmem>>, vector<16xf32>,
        %add3A_546 = arith.constant 448 : i32
        %add3A_547 = vector.broadcast %add3A_546 : i32 to vector<16xi32>
        %add3A_548 = arith.addi %iota3A, %add3A_547 : vector<16xi32>
        %gather3A_549 = arith.constant 0 : i32
        %gather3A_550 = arith.constant 0 : i32
        %gather3A_551 = tpu.memref_slice %arg7[%scan3A_99, %gather3A_549, %gather3A_550] : memref<2x512x32xf32, #tpu.memory_space<vmem>> -> memref<1x512x32xf32, #tpu.memory_space<vmem>>
        %gather3A_552 = tpu.memref_squeeze %gather3A_551 : memref<1x512x32xf32, #tpu.memory_space<vmem>> -> memref<512x32xf32, #tpu.memory_space<vmem>>
        %gather3A_553 = tpu.vector_load_idx %gather3A_552[%add3A_548, %add3A_183] : memref<512x32xf32, #tpu.memory_space<vmem>>[vector<16xi32>, vector<16xi32>], vector<16xf32>,
        %swap3A_554 = arith.constant 0 : i32
        %swap3A_555 = arith.index_cast %swap3A_554 : i32 to index
        %swap3A_556 = arith.index_cast %scan3A_180 : i32 to index
        %swap3A_557 = arith.constant 448 : index
        %swap3A_558 = tpu.vector_load %arg8[%swap3A_555, %swap3A_556, %swap3A_557] {strides = array<i32>} : memref<2x32x512xf32, #tpu.memory_space<vmem>>, vector<16xf32>,
        tpu.vector_store %arg8[%swap3A_555, %swap3A_556, %swap3A_557], %gather3A_553 {strides = array<i32>} : memref<2x32x512xf32, #tpu.memory_space<vmem>>, vector<16xf32>,
        %add3A_559 = arith.constant 464 : i32
        %add3A_560 = vector.broadcast %add3A_559 : i32 to vector<16xi32>
        %add3A_561 = arith.addi %iota3A, %add3A_560 : vector<16xi32>
        %gather3A_562 = arith.constant 0 : i32
        %gather3A_563 = arith.constant 0 : i32
        %gather3A_564 = tpu.memref_slice %arg7[%scan3A_99, %gather3A_562, %gather3A_563] : memref<2x512x32xf32, #tpu.memory_space<vmem>> -> memref<1x512x32xf32, #tpu.memory_space<vmem>>
        %gather3A_565 = tpu.memref_squeeze %gather3A_564 : memref<1x512x32xf32, #tpu.memory_space<vmem>> -> memref<512x32xf32, #tpu.memory_space<vmem>>
        %gather3A_566 = tpu.vector_load_idx %gather3A_565[%add3A_561, %add3A_183] : memref<512x32xf32, #tpu.memory_space<vmem>>[vector<16xi32>, vector<16xi32>], vector<16xf32>,
        %swap3A_567 = arith.constant 0 : i32
        %swap3A_568 = arith.index_cast %swap3A_567 : i32 to index
        %swap3A_569 = arith.index_cast %scan3A_180 : i32 to index
        %swap3A_570 = arith.constant 464 : index
        %swap3A_571 = tpu.vector_load %arg8[%swap3A_568, %swap3A_569, %swap3A_570] {strides = array<i32>} : memref<2x32x512xf32, #tpu.memory_space<vmem>>, vector<16xf32>,
        tpu.vector_store %arg8[%swap3A_568, %swap3A_569, %swap3A_570], %gather3A_566 {strides = array<i32>} : memref<2x32x512xf32, #tpu.memory_space<vmem>>, vector<16xf32>,
        %add3A_572 = arith.constant 480 : i32
        %add3A_573 = vector.broadcast %add3A_572 : i32 to vector<16xi32>
        %add3A_574 = arith.addi %iota3A, %add3A_573 : vector<16xi32>
        %gather3A_575 = arith.constant 0 : i32
        %gather3A_576 = arith.constant 0 : i32
        %gather3A_577 = tpu.memref_slice %arg7[%scan3A_99, %gather3A_575, %gather3A_576] : memref<2x512x32xf32, #tpu.memory_space<vmem>> -> memref<1x512x32xf32, #tpu.memory_space<vmem>>
        %gather3A_578 = tpu.memref_squeeze %gather3A_577 : memref<1x512x32xf32, #tpu.memory_space<vmem>> -> memref<512x32xf32, #tpu.memory_space<vmem>>
        %gather3A_579 = tpu.vector_load_idx %gather3A_578[%add3A_574, %add3A_183] : memref<512x32xf32, #tpu.memory_space<vmem>>[vector<16xi32>, vector<16xi32>], vector<16xf32>,
        %swap3A_580 = arith.constant 0 : i32
        %swap3A_581 = arith.index_cast %swap3A_580 : i32 to index
        %swap3A_582 = arith.index_cast %scan3A_180 : i32 to index
        %swap3A_583 = arith.constant 480 : index
        %swap3A_584 = tpu.vector_load %arg8[%swap3A_581, %swap3A_582, %swap3A_583] {strides = array<i32>} : memref<2x32x512xf32, #tpu.memory_space<vmem>>, vector<16xf32>,
        tpu.vector_store %arg8[%swap3A_581, %swap3A_582, %swap3A_583], %gather3A_579 {strides = array<i32>} : memref<2x32x512xf32, #tpu.memory_space<vmem>>, vector<16xf32>,
        %add3A_585 = arith.constant 496 : i32
        %add3A_586 = vector.broadcast %add3A_585 : i32 to vector<16xi32>
        %add3A_587 = arith.addi %iota3A, %add3A_586 : vector<16xi32>
        %gather3A_588 = arith.constant 0 : i32
        %gather3A_589 = arith.constant 0 : i32
        %gather3A_590 = tpu.memref_slice %arg7[%scan3A_99, %gather3A_588, %gather3A_589] : memref<2x512x32xf32, #tpu.memory_space<vmem>> -> memref<1x512x32xf32, #tpu.memory_space<vmem>>
        %gather3A_591 = tpu.memref_squeeze %gather3A_590 : memref<1x512x32xf32, #tpu.memory_space<vmem>> -> memref<512x32xf32, #tpu.memory_space<vmem>>
        %gather3A_592 = tpu.vector_load_idx %gather3A_591[%add3A_587, %add3A_183] : memref<512x32xf32, #tpu.memory_space<vmem>>[vector<16xi32>, vector<16xi32>], vector<16xf32>,
        %swap3A_593 = arith.constant 0 : i32
        %swap3A_594 = arith.index_cast %swap3A_593 : i32 to index
        %swap3A_595 = arith.index_cast %scan3A_180 : i32 to index
        %swap3A_596 = arith.constant 496 : index
        %swap3A_597 = tpu.vector_load %arg8[%swap3A_594, %swap3A_595, %swap3A_596] {strides = array<i32>} : memref<2x32x512xf32, #tpu.memory_space<vmem>>, vector<16xf32>,
        tpu.vector_store %arg8[%swap3A_594, %swap3A_595, %swap3A_596], %gather3A_592 {strides = array<i32>} : memref<2x32x512xf32, #tpu.memory_space<vmem>>, vector<16xf32>,
      }
      %scan3A_104 = arith.constant 32 : i32
      %dma_start3A_105 = arith.constant 0 : i32
      %dma_start3A_106 = arith.constant 0 : i32
      %dma_start3A_107 = arith.constant 0 : i32
      %dma_start3A_108 = tpu.memref_slice %arg8[%dma_start3A_105, %dma_start3A_106, %dma_start3A_107] : memref<2x32x512xf32, #tpu.memory_space<vmem>> -> memref<1x32x512xf32, #tpu.memory_space<vmem>>
      %dma_start3A_109 = tpu.memref_squeeze %dma_start3A_108 : memref<1x32x512xf32, #tpu.memory_space<vmem>> -> memref<32x512xf32, #tpu.memory_space<vmem>>
      %dma_start3A_110 = arith.constant 0 : i32
      %dma_start3A_111 = arith.constant 0 : i32
      %dma_start3A_112 = tpu.memref_slice %arg4[%mul3A_70, %dma_start3A_110, %dma_start3A_111] : memref<50x32x16384xf32, #tpu.memory_space<hbm>> -> memref<1x32x16384xf32, #tpu.memory_space<hbm>>
      %dma_start3A_113 = tpu.memref_squeeze %dma_start3A_112 : memref<1x32x16384xf32, #tpu.memory_space<hbm>> -> memref<32x16384xf32, #tpu.memory_space<hbm>>
      %dma_start3A_114 = arith.constant 0 : i32
      %dma_start3A_115 = tpu.memref_slice %dma_start3A_113[%dma_start3A_114, %mul3A_2] : memref<32x16384xf32, #tpu.memory_space<hbm>> -> memref<32x512xf32, #tpu.memory_space<hbm>>
      %dma_start3A_116 = arith.constant 0 : i32
      %dma_start3A_117 = arith.constant 0 : i32
      %dma_start3A_118 = tpu.memref_slice %arg4[%mul3A_70, %dma_start3A_116, %dma_start3A_117] : memref<50x32x16384xf32, #tpu.memory_space<hbm>> -> memref<1x32x16384xf32, #tpu.memory_space<hbm>>
      %dma_start3A_119 = tpu.memref_squeeze %dma_start3A_118 : memref<1x32x16384xf32, #tpu.memory_space<hbm>> -> memref<32x16384xf32, #tpu.memory_space<hbm>>
      %dma_start3A_120 = arith.constant 0 : i32
      %dma_start3A_121 = tpu.memref_slice %dma_start3A_119[%dma_start3A_120, %mul3A_2] : memref<32x16384xf32, #tpu.memory_space<hbm>> -> memref<32x512xf32, #tpu.memory_space<hbm>>
      %dma_start3A_122 = arith.constant 0 : i32
      %dma_start3A_123 = arith.constant 0 : i32
      %dma_start3A_124 = tpu.memref_slice %arg8[%dma_start3A_105, %dma_start3A_122, %dma_start3A_123] : memref<2x32x512xf32, #tpu.memory_space<vmem>> -> memref<1x32x512xf32, #tpu.memory_space<vmem>>
      %dma_start3A_125 = tpu.memref_squeeze %dma_start3A_124 : memref<1x32x512xf32, #tpu.memory_space<vmem>> -> memref<32x512xf32, #tpu.memory_space<vmem>>
      tpu.enqueue_dma source(%dma_start3A_125 : memref<32x512xf32, #tpu.memory_space<vmem>>) target(%dma_start3A_121 : memref<32x512xf32, #tpu.memory_space<hbm>>) target_semaphore(%arg11 : memref<!tpu.dma_semaphore, #tpu.memory_space<semaphore_mem>>)
      %add3A_126 = arith.constant 1 : i32
      %add3A_127 = arith.addi %scan3A_68, %add3A_126 : i32
      %lt3A = arith.constant 25 : i32
      %lt3A_128 = arith.cmpi slt, %add3A_127, %lt3A : i32
      %convert_element_type3A_129 = arith.extui %lt3A_128 : i1 to i32
      %cond3A_130 = arith.constant 0 : i32
      %cond3A_131 = arith.cmpi ne, %convert_element_type3A_129, %cond3A_130 : i32
      scf.if %cond3A_131 {
        %add3A_180 = arith.constant 2 : i32
        %add3A_181 = arith.addi %mul3A_70, %add3A_180 : i32
        %dma_start3A_182 = arith.constant 0 : i32
        %dma_start3A_183 = arith.constant 0 : i32
        %dma_start3A_184 = arith.constant 0 : i32
        %dma_start3A_185 = tpu.memref_slice %arg7[%dma_start3A_182, %dma_start3A_183, %dma_start3A_184] : memref<2x512x32xf32, #tpu.memory_space<vmem>> -> memref<1x512x32xf32, #tpu.memory_space<vmem>>
        %dma_start3A_186 = tpu.memref_squeeze %dma_start3A_185 : memref<1x512x32xf32, #tpu.memory_space<vmem>> -> memref<512x32xf32, #tpu.memory_space<vmem>>
        %dma_start3A_187 = arith.constant 0 : i32
        %dma_start3A_188 = tpu.memref_slice %arg6[%add3A_181, %dma_start3A_187] : memref<50x512xi32, #tpu.memory_space<vmem>> -> memref<1x512xi32, #tpu.memory_space<vmem>>
        %dma_start3A_189 = tpu.memref_squeeze %dma_start3A_188 : memref<1x512xi32, #tpu.memory_space<vmem>> -> memref<512xi32, #tpu.memory_space<vmem>>
        %dma_start3A_190 = arith.constant 0 : i32
        %dma_start3A_191 = arith.constant 0 : i32
        %dma_start3A_192 = tpu.memref_slice %arg3[%dma_start3A_190, %dma_start3A_191] : memref<1000000x32xf32, #tpu.memory_space<hbm>> -> memref<1000000x32xf32, #tpu.memory_space<hbm>>
        tpu.enqueue_indirect_dma source(%dma_start3A_192 : memref<1000000x32xf32, #tpu.memory_space<hbm>>) target(%dma_start3A_186 : memref<512x32xf32, #tpu.memory_space<vmem>>) offsets(%dma_start3A_189 : memref<512xi32, #tpu.memory_space<vmem>>) semaphore(%arg9 : memref<!tpu.dma_semaphore, #tpu.memory_space<semaphore_mem>>)
      } else {
      }
      %add3A_132 = arith.constant 1 : i32
      %add3A_133 = arith.addi %mul3A_70, %add3A_132 : i32
      %dma_wait3A_134 = arith.constant 1 : i32
      %dma_wait3A_135 = arith.constant 0 : i32
      %dma_wait3A_136 = arith.constant 0 : i32
      %dma_wait3A_137 = tpu.memref_slice %arg7[%dma_wait3A_134, %dma_wait3A_135, %dma_wait3A_136] : memref<2x512x32xf32, #tpu.memory_space<vmem>> -> memref<1x512x32xf32, #tpu.memory_space<vmem>>
      %dma_wait3A_138 = tpu.memref_squeeze %dma_wait3A_137 : memref<1x512x32xf32, #tpu.memory_space<vmem>> -> memref<512x32xf32, #tpu.memory_space<vmem>>
      %dma_wait3A_139 = arith.constant 0 : i32
      %dma_wait3A_140 = tpu.memref_slice %arg6[%add3A_133, %dma_wait3A_139] : memref<50x512xi32, #tpu.memory_space<vmem>> -> memref<1x512xi32, #tpu.memory_space<vmem>>
      %dma_wait3A_141 = tpu.memref_squeeze %dma_wait3A_140 : memref<1x512xi32, #tpu.memory_space<vmem>> -> memref<512xi32, #tpu.memory_space<vmem>>
      %dma_wait3A_142 = arith.constant 0 : i32
      %dma_wait3A_143 = arith.constant 0 : i32
      %dma_wait3A_144 = tpu.memref_slice %arg3[%dma_wait3A_142, %dma_wait3A_143] : memref<1000000x32xf32, #tpu.memory_space<hbm>> -> memref<1000000x32xf32, #tpu.memory_space<hbm>>
      tpu.wait_indirect_dma semaphore(%arg10 : memref<!tpu.dma_semaphore, #tpu.memory_space<semaphore_mem>>) src(%dma_wait3A_144 : memref<1000000x32xf32, #tpu.memory_space<hbm>>) dst(%dma_wait3A_138 : memref<512x32xf32, #tpu.memory_space<vmem>>)
      %add3A_145 = arith.constant 1 : i32
      %add3A_146 = arith.addi %mul3A_70, %add3A_145 : i32
      %not3A_147 = arith.constant true
      %not3A_148 = arith.xori %eq3A_71, %not3A_147 : i1
      %convert_element_type3A_149 = arith.extui %not3A_148 : i1 to i32
      %cond3A_150 = arith.constant 0 : i32
      %cond3A_151 = arith.cmpi ne, %convert_element_type3A_149, %cond3A_150 : i32
      scf.if %cond3A_151 {
        %dma_wait3A_180 = arith.constant 1 : i32
        %dma_wait3A_181 = arith.constant 0 : i32
        %dma_wait3A_182 = arith.constant 0 : i32
        %dma_wait3A_183 = tpu.memref_slice %arg8[%dma_wait3A_180, %dma_wait3A_181, %dma_wait3A_182] : memref<2x32x512xf32, #tpu.memory_space<vmem>> -> memref<1x32x512xf32, #tpu.memory_space<vmem>>
        %dma_wait3A_184 = tpu.memref_squeeze %dma_wait3A_183 : memref<1x32x512xf32, #tpu.memory_space<vmem>> -> memref<32x512xf32, #tpu.memory_space<vmem>>
        %dma_wait3A_185 = arith.constant 0 : i32
        %dma_wait3A_186 = arith.constant 0 : i32
        %dma_wait3A_187 = tpu.memref_slice %arg4[%add3A_146, %dma_wait3A_185, %dma_wait3A_186] : memref<50x32x16384xf32, #tpu.memory_space<hbm>> -> memref<1x32x16384xf32, #tpu.memory_space<hbm>>
        %dma_wait3A_188 = tpu.memref_squeeze %dma_wait3A_187 : memref<1x32x16384xf32, #tpu.memory_space<hbm>> -> memref<32x16384xf32, #tpu.memory_space<hbm>>
        %dma_wait3A_189 = arith.constant 0 : i32
        %dma_wait3A_190 = tpu.memref_slice %dma_wait3A_188[%dma_wait3A_189, %mul3A_2] : memref<32x16384xf32, #tpu.memory_space<hbm>> -> memref<32x512xf32, #tpu.memory_space<hbm>>
        %dma_wait3A_191 = arith.constant 0 : i32
        %dma_wait3A_192 = arith.constant 0 : i32
        %dma_wait3A_193 = tpu.memref_slice %arg4[%add3A_146, %dma_wait3A_191, %dma_wait3A_192] : memref<50x32x16384xf32, #tpu.memory_space<hbm>> -> memref<1x32x16384xf32, #tpu.memory_space<hbm>>
        %dma_wait3A_194 = tpu.memref_squeeze %dma_wait3A_193 : memref<1x32x16384xf32, #tpu.memory_space<hbm>> -> memref<32x16384xf32, #tpu.memory_space<hbm>>
        %dma_wait3A_195 = arith.constant 0 : i32
        %dma_wait3A_196 = tpu.memref_slice %dma_wait3A_194[%dma_wait3A_195, %mul3A_2] : memref<32x16384xf32, #tpu.memory_space<hbm>> -> memref<32x512xf32, #tpu.memory_space<hbm>>
        %dma_wait3A_197 = arith.constant 0 : i32
        %dma_wait3A_198 = arith.constant 0 : i32
        %dma_wait3A_199 = tpu.memref_slice %arg8[%dma_wait3A_180, %dma_wait3A_197, %dma_wait3A_198] : memref<2x32x512xf32, #tpu.memory_space<vmem>> -> memref<1x32x512xf32, #tpu.memory_space<vmem>>
        %dma_wait3A_200 = tpu.memref_squeeze %dma_wait3A_199 : memref<1x32x512xf32, #tpu.memory_space<vmem>> -> memref<32x512xf32, #tpu.memory_space<vmem>>
        tpu.wait_dma2 semaphore(%arg12 : memref<!tpu.dma_semaphore, #tpu.memory_space<semaphore_mem>>) src(%dma_wait3A_200 : memref<32x512xf32, #tpu.memory_space<vmem>>) dst(%dma_wait3A_196 : memref<32x512xf32, #tpu.memory_space<hbm>>)
      } else {
      }
      %scan3A_152 = arith.constant 0 : i32
      %scan3A_153 = arith.constant 1 : i32
      %scan3A_154 = arith.constant 0 : i32
      %scan3A_155 = arith.constant 32 : i32
      %scan3A_156 = arith.addi %scan3A_154, %scan3A_155 : i32
      %scan3A_157 = arith.constant 1 : i32
      scf.for %scan3A_180 = %scan3A_154 to %scan3A_156 step %scan3A_157  : i32 {
        %broadcast_in_dim3A = arith.constant 0 : i32
        %broadcast_in_dim3A_181 = vector.broadcast %broadcast_in_dim3A : i32 to vector<16xi32>
        %add3A_182 = vector.broadcast %scan3A_180 : i32 to vector<16xi32>
        %add3A_183 = arith.addi %broadcast_in_dim3A_181, %add3A_182 : vector<16xi32>
        %add3A_184 = arith.constant 0 : i32
        %add3A_185 = vector.broadcast %add3A_184 : i32 to vector<16xi32>
        %add3A_186 = arith.addi %iota3A, %add3A_185 : vector<16xi32>
        %gather3A = arith.constant 0 : i32
        %gather3A_187 = arith.constant 0 : i32
        %gather3A_188 = tpu.memref_slice %arg7[%scan3A_153, %gather3A, %gather3A_187] : memref<2x512x32xf32, #tpu.memory_space<vmem>> -> memref<1x512x32xf32, #tpu.memory_space<vmem>>
        %gather3A_189 = tpu.memref_squeeze %gather3A_188 : memref<1x512x32xf32, #tpu.memory_space<vmem>> -> memref<512x32xf32, #tpu.memory_space<vmem>>
        %gather3A_190 = tpu.vector_load_idx %gather3A_189[%add3A_186, %add3A_183] : memref<512x32xf32, #tpu.memory_space<vmem>>[vector<16xi32>, vector<16xi32>], vector<16xf32>,
        %swap3A = arith.constant 1 : i32
        %swap3A_191 = arith.index_cast %swap3A : i32 to index
        %swap3A_192 = arith.index_cast %scan3A_180 : i32 to index
        %swap3A_193 = arith.constant 0 : index
        %swap3A_194 = tpu.vector_load %arg8[%swap3A_191, %swap3A_192, %swap3A_193] {strides = array<i32>} : memref<2x32x512xf32, #tpu.memory_space<vmem>>, vector<16xf32>,
        tpu.vector_store %arg8[%swap3A_191, %swap3A_192, %swap3A_193], %gather3A_190 {strides = array<i32>} : memref<2x32x512xf32, #tpu.memory_space<vmem>>, vector<16xf32>,
        %add3A_195 = arith.constant 16 : i32
        %add3A_196 = vector.broadcast %add3A_195 : i32 to vector<16xi32>
        %add3A_197 = arith.addi %iota3A, %add3A_196 : vector<16xi32>
        %gather3A_198 = arith.constant 0 : i32
        %gather3A_199 = arith.constant 0 : i32
        %gather3A_200 = tpu.memref_slice %arg7[%scan3A_153, %gather3A_198, %gather3A_199] : memref<2x512x32xf32, #tpu.memory_space<vmem>> -> memref<1x512x32xf32, #tpu.memory_space<vmem>>
        %gather3A_201 = tpu.memref_squeeze %gather3A_200 : memref<1x512x32xf32, #tpu.memory_space<vmem>> -> memref<512x32xf32, #tpu.memory_space<vmem>>
        %gather3A_202 = tpu.vector_load_idx %gather3A_201[%add3A_197, %add3A_183] : memref<512x32xf32, #tpu.memory_space<vmem>>[vector<16xi32>, vector<16xi32>], vector<16xf32>,
        %swap3A_203 = arith.constant 1 : i32
        %swap3A_204 = arith.index_cast %swap3A_203 : i32 to index
        %swap3A_205 = arith.index_cast %scan3A_180 : i32 to index
        %swap3A_206 = arith.constant 16 : index
        %swap3A_207 = tpu.vector_load %arg8[%swap3A_204, %swap3A_205, %swap3A_206] {strides = array<i32>} : memref<2x32x512xf32, #tpu.memory_space<vmem>>, vector<16xf32>,
        tpu.vector_store %arg8[%swap3A_204, %swap3A_205, %swap3A_206], %gather3A_202 {strides = array<i32>} : memref<2x32x512xf32, #tpu.memory_space<vmem>>, vector<16xf32>,
        %add3A_208 = arith.constant 32 : i32
        %add3A_209 = vector.broadcast %add3A_208 : i32 to vector<16xi32>
        %add3A_210 = arith.addi %iota3A, %add3A_209 : vector<16xi32>
        %gather3A_211 = arith.constant 0 : i32
        %gather3A_212 = arith.constant 0 : i32
        %gather3A_213 = tpu.memref_slice %arg7[%scan3A_153, %gather3A_211, %gather3A_212] : memref<2x512x32xf32, #tpu.memory_space<vmem>> -> memref<1x512x32xf32, #tpu.memory_space<vmem>>
        %gather3A_214 = tpu.memref_squeeze %gather3A_213 : memref<1x512x32xf32, #tpu.memory_space<vmem>> -> memref<512x32xf32, #tpu.memory_space<vmem>>
        %gather3A_215 = tpu.vector_load_idx %gather3A_214[%add3A_210, %add3A_183] : memref<512x32xf32, #tpu.memory_space<vmem>>[vector<16xi32>, vector<16xi32>], vector<16xf32>,
        %swap3A_216 = arith.constant 1 : i32
        %swap3A_217 = arith.index_cast %swap3A_216 : i32 to index
        %swap3A_218 = arith.index_cast %scan3A_180 : i32 to index
        %swap3A_219 = arith.constant 32 : index
        %swap3A_220 = tpu.vector_load %arg8[%swap3A_217, %swap3A_218, %swap3A_219] {strides = array<i32>} : memref<2x32x512xf32, #tpu.memory_space<vmem>>, vector<16xf32>,
        tpu.vector_store %arg8[%swap3A_217, %swap3A_218, %swap3A_219], %gather3A_215 {strides = array<i32>} : memref<2x32x512xf32, #tpu.memory_space<vmem>>, vector<16xf32>,
        %add3A_221 = arith.constant 48 : i32
        %add3A_222 = vector.broadcast %add3A_221 : i32 to vector<16xi32>
        %add3A_223 = arith.addi %iota3A, %add3A_222 : vector<16xi32>
        %gather3A_224 = arith.constant 0 : i32
        %gather3A_225 = arith.constant 0 : i32
        %gather3A_226 = tpu.memref_slice %arg7[%scan3A_153, %gather3A_224, %gather3A_225] : memref<2x512x32xf32, #tpu.memory_space<vmem>> -> memref<1x512x32xf32, #tpu.memory_space<vmem>>
        %gather3A_227 = tpu.memref_squeeze %gather3A_226 : memref<1x512x32xf32, #tpu.memory_space<vmem>> -> memref<512x32xf32, #tpu.memory_space<vmem>>
        %gather3A_228 = tpu.vector_load_idx %gather3A_227[%add3A_223, %add3A_183] : memref<512x32xf32, #tpu.memory_space<vmem>>[vector<16xi32>, vector<16xi32>], vector<16xf32>,
        %swap3A_229 = arith.constant 1 : i32
        %swap3A_230 = arith.index_cast %swap3A_229 : i32 to index
        %swap3A_231 = arith.index_cast %scan3A_180 : i32 to index
        %swap3A_232 = arith.constant 48 : index
        %swap3A_233 = tpu.vector_load %arg8[%swap3A_230, %swap3A_231, %swap3A_232] {strides = array<i32>} : memref<2x32x512xf32, #tpu.memory_space<vmem>>, vector<16xf32>,
        tpu.vector_store %arg8[%swap3A_230, %swap3A_231, %swap3A_232], %gather3A_228 {strides = array<i32>} : memref<2x32x512xf32, #tpu.memory_space<vmem>>, vector<16xf32>,
        %add3A_234 = arith.constant 64 : i32
        %add3A_235 = vector.broadcast %add3A_234 : i32 to vector<16xi32>
        %add3A_236 = arith.addi %iota3A, %add3A_235 : vector<16xi32>
        %gather3A_237 = arith.constant 0 : i32
        %gather3A_238 = arith.constant 0 : i32
        %gather3A_239 = tpu.memref_slice %arg7[%scan3A_153, %gather3A_237, %gather3A_238] : memref<2x512x32xf32, #tpu.memory_space<vmem>> -> memref<1x512x32xf32, #tpu.memory_space<vmem>>
        %gather3A_240 = tpu.memref_squeeze %gather3A_239 : memref<1x512x32xf32, #tpu.memory_space<vmem>> -> memref<512x32xf32, #tpu.memory_space<vmem>>
        %gather3A_241 = tpu.vector_load_idx %gather3A_240[%add3A_236, %add3A_183] : memref<512x32xf32, #tpu.memory_space<vmem>>[vector<16xi32>, vector<16xi32>], vector<16xf32>,
        %swap3A_242 = arith.constant 1 : i32
        %swap3A_243 = arith.index_cast %swap3A_242 : i32 to index
        %swap3A_244 = arith.index_cast %scan3A_180 : i32 to index
        %swap3A_245 = arith.constant 64 : index
        %swap3A_246 = tpu.vector_load %arg8[%swap3A_243, %swap3A_244, %swap3A_245] {strides = array<i32>} : memref<2x32x512xf32, #tpu.memory_space<vmem>>, vector<16xf32>,
        tpu.vector_store %arg8[%swap3A_243, %swap3A_244, %swap3A_245], %gather3A_241 {strides = array<i32>} : memref<2x32x512xf32, #tpu.memory_space<vmem>>, vector<16xf32>,
        %add3A_247 = arith.constant 80 : i32
        %add3A_248 = vector.broadcast %add3A_247 : i32 to vector<16xi32>
        %add3A_249 = arith.addi %iota3A, %add3A_248 : vector<16xi32>
        %gather3A_250 = arith.constant 0 : i32
        %gather3A_251 = arith.constant 0 : i32
        %gather3A_252 = tpu.memref_slice %arg7[%scan3A_153, %gather3A_250, %gather3A_251] : memref<2x512x32xf32, #tpu.memory_space<vmem>> -> memref<1x512x32xf32, #tpu.memory_space<vmem>>
        %gather3A_253 = tpu.memref_squeeze %gather3A_252 : memref<1x512x32xf32, #tpu.memory_space<vmem>> -> memref<512x32xf32, #tpu.memory_space<vmem>>
        %gather3A_254 = tpu.vector_load_idx %gather3A_253[%add3A_249, %add3A_183] : memref<512x32xf32, #tpu.memory_space<vmem>>[vector<16xi32>, vector<16xi32>], vector<16xf32>,
        %swap3A_255 = arith.constant 1 : i32
        %swap3A_256 = arith.index_cast %swap3A_255 : i32 to index
        %swap3A_257 = arith.index_cast %scan3A_180 : i32 to index
        %swap3A_258 = arith.constant 80 : index
        %swap3A_259 = tpu.vector_load %arg8[%swap3A_256, %swap3A_257, %swap3A_258] {strides = array<i32>} : memref<2x32x512xf32, #tpu.memory_space<vmem>>, vector<16xf32>,
        tpu.vector_store %arg8[%swap3A_256, %swap3A_257, %swap3A_258], %gather3A_254 {strides = array<i32>} : memref<2x32x512xf32, #tpu.memory_space<vmem>>, vector<16xf32>,
        %add3A_260 = arith.constant 96 : i32
        %add3A_261 = vector.broadcast %add3A_260 : i32 to vector<16xi32>
        %add3A_262 = arith.addi %iota3A, %add3A_261 : vector<16xi32>
        %gather3A_263 = arith.constant 0 : i32
        %gather3A_264 = arith.constant 0 : i32
        %gather3A_265 = tpu.memref_slice %arg7[%scan3A_153, %gather3A_263, %gather3A_264] : memref<2x512x32xf32, #tpu.memory_space<vmem>> -> memref<1x512x32xf32, #tpu.memory_space<vmem>>
        %gather3A_266 = tpu.memref_squeeze %gather3A_265 : memref<1x512x32xf32, #tpu.memory_space<vmem>> -> memref<512x32xf32, #tpu.memory_space<vmem>>
        %gather3A_267 = tpu.vector_load_idx %gather3A_266[%add3A_262, %add3A_183] : memref<512x32xf32, #tpu.memory_space<vmem>>[vector<16xi32>, vector<16xi32>], vector<16xf32>,
        %swap3A_268 = arith.constant 1 : i32
        %swap3A_269 = arith.index_cast %swap3A_268 : i32 to index
        %swap3A_270 = arith.index_cast %scan3A_180 : i32 to index
        %swap3A_271 = arith.constant 96 : index
        %swap3A_272 = tpu.vector_load %arg8[%swap3A_269, %swap3A_270, %swap3A_271] {strides = array<i32>} : memref<2x32x512xf32, #tpu.memory_space<vmem>>, vector<16xf32>,
        tpu.vector_store %arg8[%swap3A_269, %swap3A_270, %swap3A_271], %gather3A_267 {strides = array<i32>} : memref<2x32x512xf32, #tpu.memory_space<vmem>>, vector<16xf32>,
        %add3A_273 = arith.constant 112 : i32
        %add3A_274 = vector.broadcast %add3A_273 : i32 to vector<16xi32>
        %add3A_275 = arith.addi %iota3A, %add3A_274 : vector<16xi32>
        %gather3A_276 = arith.constant 0 : i32
        %gather3A_277 = arith.constant 0 : i32
        %gather3A_278 = tpu.memref_slice %arg7[%scan3A_153, %gather3A_276, %gather3A_277] : memref<2x512x32xf32, #tpu.memory_space<vmem>> -> memref<1x512x32xf32, #tpu.memory_space<vmem>>
        %gather3A_279 = tpu.memref_squeeze %gather3A_278 : memref<1x512x32xf32, #tpu.memory_space<vmem>> -> memref<512x32xf32, #tpu.memory_space<vmem>>
        %gather3A_280 = tpu.vector_load_idx %gather3A_279[%add3A_275, %add3A_183] : memref<512x32xf32, #tpu.memory_space<vmem>>[vector<16xi32>, vector<16xi32>], vector<16xf32>,
        %swap3A_281 = arith.constant 1 : i32
        %swap3A_282 = arith.index_cast %swap3A_281 : i32 to index
        %swap3A_283 = arith.index_cast %scan3A_180 : i32 to index
        %swap3A_284 = arith.constant 112 : index
        %swap3A_285 = tpu.vector_load %arg8[%swap3A_282, %swap3A_283, %swap3A_284] {strides = array<i32>} : memref<2x32x512xf32, #tpu.memory_space<vmem>>, vector<16xf32>,
        tpu.vector_store %arg8[%swap3A_282, %swap3A_283, %swap3A_284], %gather3A_280 {strides = array<i32>} : memref<2x32x512xf32, #tpu.memory_space<vmem>>, vector<16xf32>,
        %add3A_286 = arith.constant 128 : i32
        %add3A_287 = vector.broadcast %add3A_286 : i32 to vector<16xi32>
        %add3A_288 = arith.addi %iota3A, %add3A_287 : vector<16xi32>
        %gather3A_289 = arith.constant 0 : i32
        %gather3A_290 = arith.constant 0 : i32
        %gather3A_291 = tpu.memref_slice %arg7[%scan3A_153, %gather3A_289, %gather3A_290] : memref<2x512x32xf32, #tpu.memory_space<vmem>> -> memref<1x512x32xf32, #tpu.memory_space<vmem>>
        %gather3A_292 = tpu.memref_squeeze %gather3A_291 : memref<1x512x32xf32, #tpu.memory_space<vmem>> -> memref<512x32xf32, #tpu.memory_space<vmem>>
        %gather3A_293 = tpu.vector_load_idx %gather3A_292[%add3A_288, %add3A_183] : memref<512x32xf32, #tpu.memory_space<vmem>>[vector<16xi32>, vector<16xi32>], vector<16xf32>,
        %swap3A_294 = arith.constant 1 : i32
        %swap3A_295 = arith.index_cast %swap3A_294 : i32 to index
        %swap3A_296 = arith.index_cast %scan3A_180 : i32 to index
        %swap3A_297 = arith.constant 128 : index
        %swap3A_298 = tpu.vector_load %arg8[%swap3A_295, %swap3A_296, %swap3A_297] {strides = array<i32>} : memref<2x32x512xf32, #tpu.memory_space<vmem>>, vector<16xf32>,
        tpu.vector_store %arg8[%swap3A_295, %swap3A_296, %swap3A_297], %gather3A_293 {strides = array<i32>} : memref<2x32x512xf32, #tpu.memory_space<vmem>>, vector<16xf32>,
        %add3A_299 = arith.constant 144 : i32
        %add3A_300 = vector.broadcast %add3A_299 : i32 to vector<16xi32>
        %add3A_301 = arith.addi %iota3A, %add3A_300 : vector<16xi32>
        %gather3A_302 = arith.constant 0 : i32
        %gather3A_303 = arith.constant 0 : i32
        %gather3A_304 = tpu.memref_slice %arg7[%scan3A_153, %gather3A_302, %gather3A_303] : memref<2x512x32xf32, #tpu.memory_space<vmem>> -> memref<1x512x32xf32, #tpu.memory_space<vmem>>
        %gather3A_305 = tpu.memref_squeeze %gather3A_304 : memref<1x512x32xf32, #tpu.memory_space<vmem>> -> memref<512x32xf32, #tpu.memory_space<vmem>>
        %gather3A_306 = tpu.vector_load_idx %gather3A_305[%add3A_301, %add3A_183] : memref<512x32xf32, #tpu.memory_space<vmem>>[vector<16xi32>, vector<16xi32>], vector<16xf32>,
        %swap3A_307 = arith.constant 1 : i32
        %swap3A_308 = arith.index_cast %swap3A_307 : i32 to index
        %swap3A_309 = arith.index_cast %scan3A_180 : i32 to index
        %swap3A_310 = arith.constant 144 : index
        %swap3A_311 = tpu.vector_load %arg8[%swap3A_308, %swap3A_309, %swap3A_310] {strides = array<i32>} : memref<2x32x512xf32, #tpu.memory_space<vmem>>, vector<16xf32>,
        tpu.vector_store %arg8[%swap3A_308, %swap3A_309, %swap3A_310], %gather3A_306 {strides = array<i32>} : memref<2x32x512xf32, #tpu.memory_space<vmem>>, vector<16xf32>,
        %add3A_312 = arith.constant 160 : i32
        %add3A_313 = vector.broadcast %add3A_312 : i32 to vector<16xi32>
        %add3A_314 = arith.addi %iota3A, %add3A_313 : vector<16xi32>
        %gather3A_315 = arith.constant 0 : i32
        %gather3A_316 = arith.constant 0 : i32
        %gather3A_317 = tpu.memref_slice %arg7[%scan3A_153, %gather3A_315, %gather3A_316] : memref<2x512x32xf32, #tpu.memory_space<vmem>> -> memref<1x512x32xf32, #tpu.memory_space<vmem>>
        %gather3A_318 = tpu.memref_squeeze %gather3A_317 : memref<1x512x32xf32, #tpu.memory_space<vmem>> -> memref<512x32xf32, #tpu.memory_space<vmem>>
        %gather3A_319 = tpu.vector_load_idx %gather3A_318[%add3A_314, %add3A_183] : memref<512x32xf32, #tpu.memory_space<vmem>>[vector<16xi32>, vector<16xi32>], vector<16xf32>,
        %swap3A_320 = arith.constant 1 : i32
        %swap3A_321 = arith.index_cast %swap3A_320 : i32 to index
        %swap3A_322 = arith.index_cast %scan3A_180 : i32 to index
        %swap3A_323 = arith.constant 160 : index
        %swap3A_324 = tpu.vector_load %arg8[%swap3A_321, %swap3A_322, %swap3A_323] {strides = array<i32>} : memref<2x32x512xf32, #tpu.memory_space<vmem>>, vector<16xf32>,
        tpu.vector_store %arg8[%swap3A_321, %swap3A_322, %swap3A_323], %gather3A_319 {strides = array<i32>} : memref<2x32x512xf32, #tpu.memory_space<vmem>>, vector<16xf32>,
        %add3A_325 = arith.constant 176 : i32
        %add3A_326 = vector.broadcast %add3A_325 : i32 to vector<16xi32>
        %add3A_327 = arith.addi %iota3A, %add3A_326 : vector<16xi32>
        %gather3A_328 = arith.constant 0 : i32
        %gather3A_329 = arith.constant 0 : i32
        %gather3A_330 = tpu.memref_slice %arg7[%scan3A_153, %gather3A_328, %gather3A_329] : memref<2x512x32xf32, #tpu.memory_space<vmem>> -> memref<1x512x32xf32, #tpu.memory_space<vmem>>
        %gather3A_331 = tpu.memref_squeeze %gather3A_330 : memref<1x512x32xf32, #tpu.memory_space<vmem>> -> memref<512x32xf32, #tpu.memory_space<vmem>>
        %gather3A_332 = tpu.vector_load_idx %gather3A_331[%add3A_327, %add3A_183] : memref<512x32xf32, #tpu.memory_space<vmem>>[vector<16xi32>, vector<16xi32>], vector<16xf32>,
        %swap3A_333 = arith.constant 1 : i32
        %swap3A_334 = arith.index_cast %swap3A_333 : i32 to index
        %swap3A_335 = arith.index_cast %scan3A_180 : i32 to index
        %swap3A_336 = arith.constant 176 : index
        %swap3A_337 = tpu.vector_load %arg8[%swap3A_334, %swap3A_335, %swap3A_336] {strides = array<i32>} : memref<2x32x512xf32, #tpu.memory_space<vmem>>, vector<16xf32>,
        tpu.vector_store %arg8[%swap3A_334, %swap3A_335, %swap3A_336], %gather3A_332 {strides = array<i32>} : memref<2x32x512xf32, #tpu.memory_space<vmem>>, vector<16xf32>,
        %add3A_338 = arith.constant 192 : i32
        %add3A_339 = vector.broadcast %add3A_338 : i32 to vector<16xi32>
        %add3A_340 = arith.addi %iota3A, %add3A_339 : vector<16xi32>
        %gather3A_341 = arith.constant 0 : i32
        %gather3A_342 = arith.constant 0 : i32
        %gather3A_343 = tpu.memref_slice %arg7[%scan3A_153, %gather3A_341, %gather3A_342] : memref<2x512x32xf32, #tpu.memory_space<vmem>> -> memref<1x512x32xf32, #tpu.memory_space<vmem>>
        %gather3A_344 = tpu.memref_squeeze %gather3A_343 : memref<1x512x32xf32, #tpu.memory_space<vmem>> -> memref<512x32xf32, #tpu.memory_space<vmem>>
        %gather3A_345 = tpu.vector_load_idx %gather3A_344[%add3A_340, %add3A_183] : memref<512x32xf32, #tpu.memory_space<vmem>>[vector<16xi32>, vector<16xi32>], vector<16xf32>,
        %swap3A_346 = arith.constant 1 : i32
        %swap3A_347 = arith.index_cast %swap3A_346 : i32 to index
        %swap3A_348 = arith.index_cast %scan3A_180 : i32 to index
        %swap3A_349 = arith.constant 192 : index
        %swap3A_350 = tpu.vector_load %arg8[%swap3A_347, %swap3A_348, %swap3A_349] {strides = array<i32>} : memref<2x32x512xf32, #tpu.memory_space<vmem>>, vector<16xf32>,
        tpu.vector_store %arg8[%swap3A_347, %swap3A_348, %swap3A_349], %gather3A_345 {strides = array<i32>} : memref<2x32x512xf32, #tpu.memory_space<vmem>>, vector<16xf32>,
        %add3A_351 = arith.constant 208 : i32
        %add3A_352 = vector.broadcast %add3A_351 : i32 to vector<16xi32>
        %add3A_353 = arith.addi %iota3A, %add3A_352 : vector<16xi32>
        %gather3A_354 = arith.constant 0 : i32
        %gather3A_355 = arith.constant 0 : i32
        %gather3A_356 = tpu.memref_slice %arg7[%scan3A_153, %gather3A_354, %gather3A_355] : memref<2x512x32xf32, #tpu.memory_space<vmem>> -> memref<1x512x32xf32, #tpu.memory_space<vmem>>
        %gather3A_357 = tpu.memref_squeeze %gather3A_356 : memref<1x512x32xf32, #tpu.memory_space<vmem>> -> memref<512x32xf32, #tpu.memory_space<vmem>>
        %gather3A_358 = tpu.vector_load_idx %gather3A_357[%add3A_353, %add3A_183] : memref<512x32xf32, #tpu.memory_space<vmem>>[vector<16xi32>, vector<16xi32>], vector<16xf32>,
        %swap3A_359 = arith.constant 1 : i32
        %swap3A_360 = arith.index_cast %swap3A_359 : i32 to index
        %swap3A_361 = arith.index_cast %scan3A_180 : i32 to index
        %swap3A_362 = arith.constant 208 : index
        %swap3A_363 = tpu.vector_load %arg8[%swap3A_360, %swap3A_361, %swap3A_362] {strides = array<i32>} : memref<2x32x512xf32, #tpu.memory_space<vmem>>, vector<16xf32>,
        tpu.vector_store %arg8[%swap3A_360, %swap3A_361, %swap3A_362], %gather3A_358 {strides = array<i32>} : memref<2x32x512xf32, #tpu.memory_space<vmem>>, vector<16xf32>,
        %add3A_364 = arith.constant 224 : i32
        %add3A_365 = vector.broadcast %add3A_364 : i32 to vector<16xi32>
        %add3A_366 = arith.addi %iota3A, %add3A_365 : vector<16xi32>
        %gather3A_367 = arith.constant 0 : i32
        %gather3A_368 = arith.constant 0 : i32
        %gather3A_369 = tpu.memref_slice %arg7[%scan3A_153, %gather3A_367, %gather3A_368] : memref<2x512x32xf32, #tpu.memory_space<vmem>> -> memref<1x512x32xf32, #tpu.memory_space<vmem>>
        %gather3A_370 = tpu.memref_squeeze %gather3A_369 : memref<1x512x32xf32, #tpu.memory_space<vmem>> -> memref<512x32xf32, #tpu.memory_space<vmem>>
        %gather3A_371 = tpu.vector_load_idx %gather3A_370[%add3A_366, %add3A_183] : memref<512x32xf32, #tpu.memory_space<vmem>>[vector<16xi32>, vector<16xi32>], vector<16xf32>,
        %swap3A_372 = arith.constant 1 : i32
        %swap3A_373 = arith.index_cast %swap3A_372 : i32 to index
        %swap3A_374 = arith.index_cast %scan3A_180 : i32 to index
        %swap3A_375 = arith.constant 224 : index
        %swap3A_376 = tpu.vector_load %arg8[%swap3A_373, %swap3A_374, %swap3A_375] {strides = array<i32>} : memref<2x32x512xf32, #tpu.memory_space<vmem>>, vector<16xf32>,
        tpu.vector_store %arg8[%swap3A_373, %swap3A_374, %swap3A_375], %gather3A_371 {strides = array<i32>} : memref<2x32x512xf32, #tpu.memory_space<vmem>>, vector<16xf32>,
        %add3A_377 = arith.constant 240 : i32
        %add3A_378 = vector.broadcast %add3A_377 : i32 to vector<16xi32>
        %add3A_379 = arith.addi %iota3A, %add3A_378 : vector<16xi32>
        %gather3A_380 = arith.constant 0 : i32
        %gather3A_381 = arith.constant 0 : i32
        %gather3A_382 = tpu.memref_slice %arg7[%scan3A_153, %gather3A_380, %gather3A_381] : memref<2x512x32xf32, #tpu.memory_space<vmem>> -> memref<1x512x32xf32, #tpu.memory_space<vmem>>
        %gather3A_383 = tpu.memref_squeeze %gather3A_382 : memref<1x512x32xf32, #tpu.memory_space<vmem>> -> memref<512x32xf32, #tpu.memory_space<vmem>>
        %gather3A_384 = tpu.vector_load_idx %gather3A_383[%add3A_379, %add3A_183] : memref<512x32xf32, #tpu.memory_space<vmem>>[vector<16xi32>, vector<16xi32>], vector<16xf32>,
        %swap3A_385 = arith.constant 1 : i32
        %swap3A_386 = arith.index_cast %swap3A_385 : i32 to index
        %swap3A_387 = arith.index_cast %scan3A_180 : i32 to index
        %swap3A_388 = arith.constant 240 : index
        %swap3A_389 = tpu.vector_load %arg8[%swap3A_386, %swap3A_387, %swap3A_388] {strides = array<i32>} : memref<2x32x512xf32, #tpu.memory_space<vmem>>, vector<16xf32>,
        tpu.vector_store %arg8[%swap3A_386, %swap3A_387, %swap3A_388], %gather3A_384 {strides = array<i32>} : memref<2x32x512xf32, #tpu.memory_space<vmem>>, vector<16xf32>,
        %add3A_390 = arith.constant 256 : i32
        %add3A_391 = vector.broadcast %add3A_390 : i32 to vector<16xi32>
        %add3A_392 = arith.addi %iota3A, %add3A_391 : vector<16xi32>
        %gather3A_393 = arith.constant 0 : i32
        %gather3A_394 = arith.constant 0 : i32
        %gather3A_395 = tpu.memref_slice %arg7[%scan3A_153, %gather3A_393, %gather3A_394] : memref<2x512x32xf32, #tpu.memory_space<vmem>> -> memref<1x512x32xf32, #tpu.memory_space<vmem>>
        %gather3A_396 = tpu.memref_squeeze %gather3A_395 : memref<1x512x32xf32, #tpu.memory_space<vmem>> -> memref<512x32xf32, #tpu.memory_space<vmem>>
        %gather3A_397 = tpu.vector_load_idx %gather3A_396[%add3A_392, %add3A_183] : memref<512x32xf32, #tpu.memory_space<vmem>>[vector<16xi32>, vector<16xi32>], vector<16xf32>,
        %swap3A_398 = arith.constant 1 : i32
        %swap3A_399 = arith.index_cast %swap3A_398 : i32 to index
        %swap3A_400 = arith.index_cast %scan3A_180 : i32 to index
        %swap3A_401 = arith.constant 256 : index
        %swap3A_402 = tpu.vector_load %arg8[%swap3A_399, %swap3A_400, %swap3A_401] {strides = array<i32>} : memref<2x32x512xf32, #tpu.memory_space<vmem>>, vector<16xf32>,
        tpu.vector_store %arg8[%swap3A_399, %swap3A_400, %swap3A_401], %gather3A_397 {strides = array<i32>} : memref<2x32x512xf32, #tpu.memory_space<vmem>>, vector<16xf32>,
        %add3A_403 = arith.constant 272 : i32
        %add3A_404 = vector.broadcast %add3A_403 : i32 to vector<16xi32>
        %add3A_405 = arith.addi %iota3A, %add3A_404 : vector<16xi32>
        %gather3A_406 = arith.constant 0 : i32
        %gather3A_407 = arith.constant 0 : i32
        %gather3A_408 = tpu.memref_slice %arg7[%scan3A_153, %gather3A_406, %gather3A_407] : memref<2x512x32xf32, #tpu.memory_space<vmem>> -> memref<1x512x32xf32, #tpu.memory_space<vmem>>
        %gather3A_409 = tpu.memref_squeeze %gather3A_408 : memref<1x512x32xf32, #tpu.memory_space<vmem>> -> memref<512x32xf32, #tpu.memory_space<vmem>>
        %gather3A_410 = tpu.vector_load_idx %gather3A_409[%add3A_405, %add3A_183] : memref<512x32xf32, #tpu.memory_space<vmem>>[vector<16xi32>, vector<16xi32>], vector<16xf32>,
        %swap3A_411 = arith.constant 1 : i32
        %swap3A_412 = arith.index_cast %swap3A_411 : i32 to index
        %swap3A_413 = arith.index_cast %scan3A_180 : i32 to index
        %swap3A_414 = arith.constant 272 : index
        %swap3A_415 = tpu.vector_load %arg8[%swap3A_412, %swap3A_413, %swap3A_414] {strides = array<i32>} : memref<2x32x512xf32, #tpu.memory_space<vmem>>, vector<16xf32>,
        tpu.vector_store %arg8[%swap3A_412, %swap3A_413, %swap3A_414], %gather3A_410 {strides = array<i32>} : memref<2x32x512xf32, #tpu.memory_space<vmem>>, vector<16xf32>,
        %add3A_416 = arith.constant 288 : i32
        %add3A_417 = vector.broadcast %add3A_416 : i32 to vector<16xi32>
        %add3A_418 = arith.addi %iota3A, %add3A_417 : vector<16xi32>
        %gather3A_419 = arith.constant 0 : i32
        %gather3A_420 = arith.constant 0 : i32
        %gather3A_421 = tpu.memref_slice %arg7[%scan3A_153, %gather3A_419, %gather3A_420] : memref<2x512x32xf32, #tpu.memory_space<vmem>> -> memref<1x512x32xf32, #tpu.memory_space<vmem>>
        %gather3A_422 = tpu.memref_squeeze %gather3A_421 : memref<1x512x32xf32, #tpu.memory_space<vmem>> -> memref<512x32xf32, #tpu.memory_space<vmem>>
        %gather3A_423 = tpu.vector_load_idx %gather3A_422[%add3A_418, %add3A_183] : memref<512x32xf32, #tpu.memory_space<vmem>>[vector<16xi32>, vector<16xi32>], vector<16xf32>,
        %swap3A_424 = arith.constant 1 : i32
        %swap3A_425 = arith.index_cast %swap3A_424 : i32 to index
        %swap3A_426 = arith.index_cast %scan3A_180 : i32 to index
        %swap3A_427 = arith.constant 288 : index
        %swap3A_428 = tpu.vector_load %arg8[%swap3A_425, %swap3A_426, %swap3A_427] {strides = array<i32>} : memref<2x32x512xf32, #tpu.memory_space<vmem>>, vector<16xf32>,
        tpu.vector_store %arg8[%swap3A_425, %swap3A_426, %swap3A_427], %gather3A_423 {strides = array<i32>} : memref<2x32x512xf32, #tpu.memory_space<vmem>>, vector<16xf32>,
        %add3A_429 = arith.constant 304 : i32
        %add3A_430 = vector.broadcast %add3A_429 : i32 to vector<16xi32>
        %add3A_431 = arith.addi %iota3A, %add3A_430 : vector<16xi32>
        %gather3A_432 = arith.constant 0 : i32
        %gather3A_433 = arith.constant 0 : i32
        %gather3A_434 = tpu.memref_slice %arg7[%scan3A_153, %gather3A_432, %gather3A_433] : memref<2x512x32xf32, #tpu.memory_space<vmem>> -> memref<1x512x32xf32, #tpu.memory_space<vmem>>
        %gather3A_435 = tpu.memref_squeeze %gather3A_434 : memref<1x512x32xf32, #tpu.memory_space<vmem>> -> memref<512x32xf32, #tpu.memory_space<vmem>>
        %gather3A_436 = tpu.vector_load_idx %gather3A_435[%add3A_431, %add3A_183] : memref<512x32xf32, #tpu.memory_space<vmem>>[vector<16xi32>, vector<16xi32>], vector<16xf32>,
        %swap3A_437 = arith.constant 1 : i32
        %swap3A_438 = arith.index_cast %swap3A_437 : i32 to index
        %swap3A_439 = arith.index_cast %scan3A_180 : i32 to index
        %swap3A_440 = arith.constant 304 : index
        %swap3A_441 = tpu.vector_load %arg8[%swap3A_438, %swap3A_439, %swap3A_440] {strides = array<i32>} : memref<2x32x512xf32, #tpu.memory_space<vmem>>, vector<16xf32>,
        tpu.vector_store %arg8[%swap3A_438, %swap3A_439, %swap3A_440], %gather3A_436 {strides = array<i32>} : memref<2x32x512xf32, #tpu.memory_space<vmem>>, vector<16xf32>,
        %add3A_442 = arith.constant 320 : i32
        %add3A_443 = vector.broadcast %add3A_442 : i32 to vector<16xi32>
        %add3A_444 = arith.addi %iota3A, %add3A_443 : vector<16xi32>
        %gather3A_445 = arith.constant 0 : i32
        %gather3A_446 = arith.constant 0 : i32
        %gather3A_447 = tpu.memref_slice %arg7[%scan3A_153, %gather3A_445, %gather3A_446] : memref<2x512x32xf32, #tpu.memory_space<vmem>> -> memref<1x512x32xf32, #tpu.memory_space<vmem>>
        %gather3A_448 = tpu.memref_squeeze %gather3A_447 : memref<1x512x32xf32, #tpu.memory_space<vmem>> -> memref<512x32xf32, #tpu.memory_space<vmem>>
        %gather3A_449 = tpu.vector_load_idx %gather3A_448[%add3A_444, %add3A_183] : memref<512x32xf32, #tpu.memory_space<vmem>>[vector<16xi32>, vector<16xi32>], vector<16xf32>,
        %swap3A_450 = arith.constant 1 : i32
        %swap3A_451 = arith.index_cast %swap3A_450 : i32 to index
        %swap3A_452 = arith.index_cast %scan3A_180 : i32 to index
        %swap3A_453 = arith.constant 320 : index
        %swap3A_454 = tpu.vector_load %arg8[%swap3A_451, %swap3A_452, %swap3A_453] {strides = array<i32>} : memref<2x32x512xf32, #tpu.memory_space<vmem>>, vector<16xf32>,
        tpu.vector_store %arg8[%swap3A_451, %swap3A_452, %swap3A_453], %gather3A_449 {strides = array<i32>} : memref<2x32x512xf32, #tpu.memory_space<vmem>>, vector<16xf32>,
        %add3A_455 = arith.constant 336 : i32
        %add3A_456 = vector.broadcast %add3A_455 : i32 to vector<16xi32>
        %add3A_457 = arith.addi %iota3A, %add3A_456 : vector<16xi32>
        %gather3A_458 = arith.constant 0 : i32
        %gather3A_459 = arith.constant 0 : i32
        %gather3A_460 = tpu.memref_slice %arg7[%scan3A_153, %gather3A_458, %gather3A_459] : memref<2x512x32xf32, #tpu.memory_space<vmem>> -> memref<1x512x32xf32, #tpu.memory_space<vmem>>
        %gather3A_461 = tpu.memref_squeeze %gather3A_460 : memref<1x512x32xf32, #tpu.memory_space<vmem>> -> memref<512x32xf32, #tpu.memory_space<vmem>>
        %gather3A_462 = tpu.vector_load_idx %gather3A_461[%add3A_457, %add3A_183] : memref<512x32xf32, #tpu.memory_space<vmem>>[vector<16xi32>, vector<16xi32>], vector<16xf32>,
        %swap3A_463 = arith.constant 1 : i32
        %swap3A_464 = arith.index_cast %swap3A_463 : i32 to index
        %swap3A_465 = arith.index_cast %scan3A_180 : i32 to index
        %swap3A_466 = arith.constant 336 : index
        %swap3A_467 = tpu.vector_load %arg8[%swap3A_464, %swap3A_465, %swap3A_466] {strides = array<i32>} : memref<2x32x512xf32, #tpu.memory_space<vmem>>, vector<16xf32>,
        tpu.vector_store %arg8[%swap3A_464, %swap3A_465, %swap3A_466], %gather3A_462 {strides = array<i32>} : memref<2x32x512xf32, #tpu.memory_space<vmem>>, vector<16xf32>,
        %add3A_468 = arith.constant 352 : i32
        %add3A_469 = vector.broadcast %add3A_468 : i32 to vector<16xi32>
        %add3A_470 = arith.addi %iota3A, %add3A_469 : vector<16xi32>
        %gather3A_471 = arith.constant 0 : i32
        %gather3A_472 = arith.constant 0 : i32
        %gather3A_473 = tpu.memref_slice %arg7[%scan3A_153, %gather3A_471, %gather3A_472] : memref<2x512x32xf32, #tpu.memory_space<vmem>> -> memref<1x512x32xf32, #tpu.memory_space<vmem>>
        %gather3A_474 = tpu.memref_squeeze %gather3A_473 : memref<1x512x32xf32, #tpu.memory_space<vmem>> -> memref<512x32xf32, #tpu.memory_space<vmem>>
        %gather3A_475 = tpu.vector_load_idx %gather3A_474[%add3A_470, %add3A_183] : memref<512x32xf32, #tpu.memory_space<vmem>>[vector<16xi32>, vector<16xi32>], vector<16xf32>,
        %swap3A_476 = arith.constant 1 : i32
        %swap3A_477 = arith.index_cast %swap3A_476 : i32 to index
        %swap3A_478 = arith.index_cast %scan3A_180 : i32 to index
        %swap3A_479 = arith.constant 352 : index
        %swap3A_480 = tpu.vector_load %arg8[%swap3A_477, %swap3A_478, %swap3A_479] {strides = array<i32>} : memref<2x32x512xf32, #tpu.memory_space<vmem>>, vector<16xf32>,
        tpu.vector_store %arg8[%swap3A_477, %swap3A_478, %swap3A_479], %gather3A_475 {strides = array<i32>} : memref<2x32x512xf32, #tpu.memory_space<vmem>>, vector<16xf32>,
        %add3A_481 = arith.constant 368 : i32
        %add3A_482 = vector.broadcast %add3A_481 : i32 to vector<16xi32>
        %add3A_483 = arith.addi %iota3A, %add3A_482 : vector<16xi32>
        %gather3A_484 = arith.constant 0 : i32
        %gather3A_485 = arith.constant 0 : i32
        %gather3A_486 = tpu.memref_slice %arg7[%scan3A_153, %gather3A_484, %gather3A_485] : memref<2x512x32xf32, #tpu.memory_space<vmem>> -> memref<1x512x32xf32, #tpu.memory_space<vmem>>
        %gather3A_487 = tpu.memref_squeeze %gather3A_486 : memref<1x512x32xf32, #tpu.memory_space<vmem>> -> memref<512x32xf32, #tpu.memory_space<vmem>>
        %gather3A_488 = tpu.vector_load_idx %gather3A_487[%add3A_483, %add3A_183] : memref<512x32xf32, #tpu.memory_space<vmem>>[vector<16xi32>, vector<16xi32>], vector<16xf32>,
        %swap3A_489 = arith.constant 1 : i32
        %swap3A_490 = arith.index_cast %swap3A_489 : i32 to index
        %swap3A_491 = arith.index_cast %scan3A_180 : i32 to index
        %swap3A_492 = arith.constant 368 : index
        %swap3A_493 = tpu.vector_load %arg8[%swap3A_490, %swap3A_491, %swap3A_492] {strides = array<i32>} : memref<2x32x512xf32, #tpu.memory_space<vmem>>, vector<16xf32>,
        tpu.vector_store %arg8[%swap3A_490, %swap3A_491, %swap3A_492], %gather3A_488 {strides = array<i32>} : memref<2x32x512xf32, #tpu.memory_space<vmem>>, vector<16xf32>,
        %add3A_494 = arith.constant 384 : i32
        %add3A_495 = vector.broadcast %add3A_494 : i32 to vector<16xi32>
        %add3A_496 = arith.addi %iota3A, %add3A_495 : vector<16xi32>
        %gather3A_497 = arith.constant 0 : i32
        %gather3A_498 = arith.constant 0 : i32
        %gather3A_499 = tpu.memref_slice %arg7[%scan3A_153, %gather3A_497, %gather3A_498] : memref<2x512x32xf32, #tpu.memory_space<vmem>> -> memref<1x512x32xf32, #tpu.memory_space<vmem>>
        %gather3A_500 = tpu.memref_squeeze %gather3A_499 : memref<1x512x32xf32, #tpu.memory_space<vmem>> -> memref<512x32xf32, #tpu.memory_space<vmem>>
        %gather3A_501 = tpu.vector_load_idx %gather3A_500[%add3A_496, %add3A_183] : memref<512x32xf32, #tpu.memory_space<vmem>>[vector<16xi32>, vector<16xi32>], vector<16xf32>,
        %swap3A_502 = arith.constant 1 : i32
        %swap3A_503 = arith.index_cast %swap3A_502 : i32 to index
        %swap3A_504 = arith.index_cast %scan3A_180 : i32 to index
        %swap3A_505 = arith.constant 384 : index
        %swap3A_506 = tpu.vector_load %arg8[%swap3A_503, %swap3A_504, %swap3A_505] {strides = array<i32>} : memref<2x32x512xf32, #tpu.memory_space<vmem>>, vector<16xf32>,
        tpu.vector_store %arg8[%swap3A_503, %swap3A_504, %swap3A_505], %gather3A_501 {strides = array<i32>} : memref<2x32x512xf32, #tpu.memory_space<vmem>>, vector<16xf32>,
        %add3A_507 = arith.constant 400 : i32
        %add3A_508 = vector.broadcast %add3A_507 : i32 to vector<16xi32>
        %add3A_509 = arith.addi %iota3A, %add3A_508 : vector<16xi32>
        %gather3A_510 = arith.constant 0 : i32
        %gather3A_511 = arith.constant 0 : i32
        %gather3A_512 = tpu.memref_slice %arg7[%scan3A_153, %gather3A_510, %gather3A_511] : memref<2x512x32xf32, #tpu.memory_space<vmem>> -> memref<1x512x32xf32, #tpu.memory_space<vmem>>
        %gather3A_513 = tpu.memref_squeeze %gather3A_512 : memref<1x512x32xf32, #tpu.memory_space<vmem>> -> memref<512x32xf32, #tpu.memory_space<vmem>>
        %gather3A_514 = tpu.vector_load_idx %gather3A_513[%add3A_509, %add3A_183] : memref<512x32xf32, #tpu.memory_space<vmem>>[vector<16xi32>, vector<16xi32>], vector<16xf32>,
        %swap3A_515 = arith.constant 1 : i32
        %swap3A_516 = arith.index_cast %swap3A_515 : i32 to index
        %swap3A_517 = arith.index_cast %scan3A_180 : i32 to index
        %swap3A_518 = arith.constant 400 : index
        %swap3A_519 = tpu.vector_load %arg8[%swap3A_516, %swap3A_517, %swap3A_518] {strides = array<i32>} : memref<2x32x512xf32, #tpu.memory_space<vmem>>, vector<16xf32>,
        tpu.vector_store %arg8[%swap3A_516, %swap3A_517, %swap3A_518], %gather3A_514 {strides = array<i32>} : memref<2x32x512xf32, #tpu.memory_space<vmem>>, vector<16xf32>,
        %add3A_520 = arith.constant 416 : i32
        %add3A_521 = vector.broadcast %add3A_520 : i32 to vector<16xi32>
        %add3A_522 = arith.addi %iota3A, %add3A_521 : vector<16xi32>
        %gather3A_523 = arith.constant 0 : i32
        %gather3A_524 = arith.constant 0 : i32
        %gather3A_525 = tpu.memref_slice %arg7[%scan3A_153, %gather3A_523, %gather3A_524] : memref<2x512x32xf32, #tpu.memory_space<vmem>> -> memref<1x512x32xf32, #tpu.memory_space<vmem>>
        %gather3A_526 = tpu.memref_squeeze %gather3A_525 : memref<1x512x32xf32, #tpu.memory_space<vmem>> -> memref<512x32xf32, #tpu.memory_space<vmem>>
        %gather3A_527 = tpu.vector_load_idx %gather3A_526[%add3A_522, %add3A_183] : memref<512x32xf32, #tpu.memory_space<vmem>>[vector<16xi32>, vector<16xi32>], vector<16xf32>,
        %swap3A_528 = arith.constant 1 : i32
        %swap3A_529 = arith.index_cast %swap3A_528 : i32 to index
        %swap3A_530 = arith.index_cast %scan3A_180 : i32 to index
        %swap3A_531 = arith.constant 416 : index
        %swap3A_532 = tpu.vector_load %arg8[%swap3A_529, %swap3A_530, %swap3A_531] {strides = array<i32>} : memref<2x32x512xf32, #tpu.memory_space<vmem>>, vector<16xf32>,
        tpu.vector_store %arg8[%swap3A_529, %swap3A_530, %swap3A_531], %gather3A_527 {strides = array<i32>} : memref<2x32x512xf32, #tpu.memory_space<vmem>>, vector<16xf32>,
        %add3A_533 = arith.constant 432 : i32
        %add3A_534 = vector.broadcast %add3A_533 : i32 to vector<16xi32>
        %add3A_535 = arith.addi %iota3A, %add3A_534 : vector<16xi32>
        %gather3A_536 = arith.constant 0 : i32
        %gather3A_537 = arith.constant 0 : i32
        %gather3A_538 = tpu.memref_slice %arg7[%scan3A_153, %gather3A_536, %gather3A_537] : memref<2x512x32xf32, #tpu.memory_space<vmem>> -> memref<1x512x32xf32, #tpu.memory_space<vmem>>
        %gather3A_539 = tpu.memref_squeeze %gather3A_538 : memref<1x512x32xf32, #tpu.memory_space<vmem>> -> memref<512x32xf32, #tpu.memory_space<vmem>>
        %gather3A_540 = tpu.vector_load_idx %gather3A_539[%add3A_535, %add3A_183] : memref<512x32xf32, #tpu.memory_space<vmem>>[vector<16xi32>, vector<16xi32>], vector<16xf32>,
        %swap3A_541 = arith.constant 1 : i32
        %swap3A_542 = arith.index_cast %swap3A_541 : i32 to index
        %swap3A_543 = arith.index_cast %scan3A_180 : i32 to index
        %swap3A_544 = arith.constant 432 : index
        %swap3A_545 = tpu.vector_load %arg8[%swap3A_542, %swap3A_543, %swap3A_544] {strides = array<i32>} : memref<2x32x512xf32, #tpu.memory_space<vmem>>, vector<16xf32>,
        tpu.vector_store %arg8[%swap3A_542, %swap3A_543, %swap3A_544], %gather3A_540 {strides = array<i32>} : memref<2x32x512xf32, #tpu.memory_space<vmem>>, vector<16xf32>,
        %add3A_546 = arith.constant 448 : i32
        %add3A_547 = vector.broadcast %add3A_546 : i32 to vector<16xi32>
        %add3A_548 = arith.addi %iota3A, %add3A_547 : vector<16xi32>
        %gather3A_549 = arith.constant 0 : i32
        %gather3A_550 = arith.constant 0 : i32
        %gather3A_551 = tpu.memref_slice %arg7[%scan3A_153, %gather3A_549, %gather3A_550] : memref<2x512x32xf32, #tpu.memory_space<vmem>> -> memref<1x512x32xf32, #tpu.memory_space<vmem>>
        %gather3A_552 = tpu.memref_squeeze %gather3A_551 : memref<1x512x32xf32, #tpu.memory_space<vmem>> -> memref<512x32xf32, #tpu.memory_space<vmem>>
        %gather3A_553 = tpu.vector_load_idx %gather3A_552[%add3A_548, %add3A_183] : memref<512x32xf32, #tpu.memory_space<vmem>>[vector<16xi32>, vector<16xi32>], vector<16xf32>,
        %swap3A_554 = arith.constant 1 : i32
        %swap3A_555 = arith.index_cast %swap3A_554 : i32 to index
        %swap3A_556 = arith.index_cast %scan3A_180 : i32 to index
        %swap3A_557 = arith.constant 448 : index
        %swap3A_558 = tpu.vector_load %arg8[%swap3A_555, %swap3A_556, %swap3A_557] {strides = array<i32>} : memref<2x32x512xf32, #tpu.memory_space<vmem>>, vector<16xf32>,
        tpu.vector_store %arg8[%swap3A_555, %swap3A_556, %swap3A_557], %gather3A_553 {strides = array<i32>} : memref<2x32x512xf32, #tpu.memory_space<vmem>>, vector<16xf32>,
        %add3A_559 = arith.constant 464 : i32
        %add3A_560 = vector.broadcast %add3A_559 : i32 to vector<16xi32>
        %add3A_561 = arith.addi %iota3A, %add3A_560 : vector<16xi32>
        %gather3A_562 = arith.constant 0 : i32
        %gather3A_563 = arith.constant 0 : i32
        %gather3A_564 = tpu.memref_slice %arg7[%scan3A_153, %gather3A_562, %gather3A_563] : memref<2x512x32xf32, #tpu.memory_space<vmem>> -> memref<1x512x32xf32, #tpu.memory_space<vmem>>
        %gather3A_565 = tpu.memref_squeeze %gather3A_564 : memref<1x512x32xf32, #tpu.memory_space<vmem>> -> memref<512x32xf32, #tpu.memory_space<vmem>>
        %gather3A_566 = tpu.vector_load_idx %gather3A_565[%add3A_561, %add3A_183] : memref<512x32xf32, #tpu.memory_space<vmem>>[vector<16xi32>, vector<16xi32>], vector<16xf32>,
        %swap3A_567 = arith.constant 1 : i32
        %swap3A_568 = arith.index_cast %swap3A_567 : i32 to index
        %swap3A_569 = arith.index_cast %scan3A_180 : i32 to index
        %swap3A_570 = arith.constant 464 : index
        %swap3A_571 = tpu.vector_load %arg8[%swap3A_568, %swap3A_569, %swap3A_570] {strides = array<i32>} : memref<2x32x512xf32, #tpu.memory_space<vmem>>, vector<16xf32>,
        tpu.vector_store %arg8[%swap3A_568, %swap3A_569, %swap3A_570], %gather3A_566 {strides = array<i32>} : memref<2x32x512xf32, #tpu.memory_space<vmem>>, vector<16xf32>,
        %add3A_572 = arith.constant 480 : i32
        %add3A_573 = vector.broadcast %add3A_572 : i32 to vector<16xi32>
        %add3A_574 = arith.addi %iota3A, %add3A_573 : vector<16xi32>
        %gather3A_575 = arith.constant 0 : i32
        %gather3A_576 = arith.constant 0 : i32
        %gather3A_577 = tpu.memref_slice %arg7[%scan3A_153, %gather3A_575, %gather3A_576] : memref<2x512x32xf32, #tpu.memory_space<vmem>> -> memref<1x512x32xf32, #tpu.memory_space<vmem>>
        %gather3A_578 = tpu.memref_squeeze %gather3A_577 : memref<1x512x32xf32, #tpu.memory_space<vmem>> -> memref<512x32xf32, #tpu.memory_space<vmem>>
        %gather3A_579 = tpu.vector_load_idx %gather3A_578[%add3A_574, %add3A_183] : memref<512x32xf32, #tpu.memory_space<vmem>>[vector<16xi32>, vector<16xi32>], vector<16xf32>,
        %swap3A_580 = arith.constant 1 : i32
        %swap3A_581 = arith.index_cast %swap3A_580 : i32 to index
        %swap3A_582 = arith.index_cast %scan3A_180 : i32 to index
        %swap3A_583 = arith.constant 480 : index
        %swap3A_584 = tpu.vector_load %arg8[%swap3A_581, %swap3A_582, %swap3A_583] {strides = array<i32>} : memref<2x32x512xf32, #tpu.memory_space<vmem>>, vector<16xf32>,
        tpu.vector_store %arg8[%swap3A_581, %swap3A_582, %swap3A_583], %gather3A_579 {strides = array<i32>} : memref<2x32x512xf32, #tpu.memory_space<vmem>>, vector<16xf32>,
        %add3A_585 = arith.constant 496 : i32
        %add3A_586 = vector.broadcast %add3A_585 : i32 to vector<16xi32>
        %add3A_587 = arith.addi %iota3A, %add3A_586 : vector<16xi32>
        %gather3A_588 = arith.constant 0 : i32
        %gather3A_589 = arith.constant 0 : i32
        %gather3A_590 = tpu.memref_slice %arg7[%scan3A_153, %gather3A_588, %gather3A_589] : memref<2x512x32xf32, #tpu.memory_space<vmem>> -> memref<1x512x32xf32, #tpu.memory_space<vmem>>
        %gather3A_591 = tpu.memref_squeeze %gather3A_590 : memref<1x512x32xf32, #tpu.memory_space<vmem>> -> memref<512x32xf32, #tpu.memory_space<vmem>>
        %gather3A_592 = tpu.vector_load_idx %gather3A_591[%add3A_587, %add3A_183] : memref<512x32xf32, #tpu.memory_space<vmem>>[vector<16xi32>, vector<16xi32>], vector<16xf32>,
        %swap3A_593 = arith.constant 1 : i32
        %swap3A_594 = arith.index_cast %swap3A_593 : i32 to index
        %swap3A_595 = arith.index_cast %scan3A_180 : i32 to index
        %swap3A_596 = arith.constant 496 : index
        %swap3A_597 = tpu.vector_load %arg8[%swap3A_594, %swap3A_595, %swap3A_596] {strides = array<i32>} : memref<2x32x512xf32, #tpu.memory_space<vmem>>, vector<16xf32>,
        tpu.vector_store %arg8[%swap3A_594, %swap3A_595, %swap3A_596], %gather3A_592 {strides = array<i32>} : memref<2x32x512xf32, #tpu.memory_space<vmem>>, vector<16xf32>,
      }
      %scan3A_158 = arith.constant 32 : i32
      %dma_start3A_159 = arith.constant 1 : i32
      %dma_start3A_160 = arith.constant 0 : i32
      %dma_start3A_161 = arith.constant 0 : i32
      %dma_start3A_162 = tpu.memref_slice %arg8[%dma_start3A_159, %dma_start3A_160, %dma_start3A_161] : memref<2x32x512xf32, #tpu.memory_space<vmem>> -> memref<1x32x512xf32, #tpu.memory_space<vmem>>
      %dma_start3A_163 = tpu.memref_squeeze %dma_start3A_162 : memref<1x32x512xf32, #tpu.memory_space<vmem>> -> memref<32x512xf32, #tpu.memory_space<vmem>>
      %dma_start3A_164 = arith.constant 0 : i32
      %dma_start3A_165 = arith.constant 0 : i32
      %dma_start3A_166 = tpu.memref_slice %arg4[%add3A_146, %dma_start3A_164, %dma_start3A_165] : memref<50x32x16384xf32, #tpu.memory_space<hbm>> -> memref<1x32x16384xf32, #tpu.memory_space<hbm>>
      %dma_start3A_167 = tpu.memref_squeeze %dma_start3A_166 : memref<1x32x16384xf32, #tpu.memory_space<hbm>> -> memref<32x16384xf32, #tpu.memory_space<hbm>>
      %dma_start3A_168 = arith.constant 0 : i32
      %dma_start3A_169 = tpu.memref_slice %dma_start3A_167[%dma_start3A_168, %mul3A_2] : memref<32x16384xf32, #tpu.memory_space<hbm>> -> memref<32x512xf32, #tpu.memory_space<hbm>>
      %dma_start3A_170 = arith.constant 0 : i32
      %dma_start3A_171 = arith.constant 0 : i32
      %dma_start3A_172 = tpu.memref_slice %arg4[%add3A_146, %dma_start3A_170, %dma_start3A_171] : memref<50x32x16384xf32, #tpu.memory_space<hbm>> -> memref<1x32x16384xf32, #tpu.memory_space<hbm>>
      %dma_start3A_173 = tpu.memref_squeeze %dma_start3A_172 : memref<1x32x16384xf32, #tpu.memory_space<hbm>> -> memref<32x16384xf32, #tpu.memory_space<hbm>>
      %dma_start3A_174 = arith.constant 0 : i32
      %dma_start3A_175 = tpu.memref_slice %dma_start3A_173[%dma_start3A_174, %mul3A_2] : memref<32x16384xf32, #tpu.memory_space<hbm>> -> memref<32x512xf32, #tpu.memory_space<hbm>>
      %dma_start3A_176 = arith.constant 0 : i32
      %dma_start3A_177 = arith.constant 0 : i32
      %dma_start3A_178 = tpu.memref_slice %arg8[%dma_start3A_159, %dma_start3A_176, %dma_start3A_177] : memref<2x32x512xf32, #tpu.memory_space<vmem>> -> memref<1x32x512xf32, #tpu.memory_space<vmem>>
      %dma_start3A_179 = tpu.memref_squeeze %dma_start3A_178 : memref<1x32x512xf32, #tpu.memory_space<vmem>> -> memref<32x512xf32, #tpu.memory_space<vmem>>
      tpu.enqueue_dma source(%dma_start3A_179 : memref<32x512xf32, #tpu.memory_space<vmem>>) target(%dma_start3A_175 : memref<32x512xf32, #tpu.memory_space<hbm>>) target_semaphore(%arg12 : memref<!tpu.dma_semaphore, #tpu.memory_space<semaphore_mem>>)
    }
    %scan3A_24 = arith.constant 25 : i32
    %dma_wait3A = arith.constant 0 : i32
    %dma_wait3A_25 = arith.constant 48 : i32
    %dma_wait3A_26 = arith.constant 0 : i32
    %dma_wait3A_27 = arith.constant 0 : i32
    %dma_wait3A_28 = tpu.memref_slice %arg8[%dma_wait3A, %dma_wait3A_26, %dma_wait3A_27] : memref<2x32x512xf32, #tpu.memory_space<vmem>> -> memref<1x32x512xf32, #tpu.memory_space<vmem>>
    %dma_wait3A_29 = tpu.memref_squeeze %dma_wait3A_28 : memref<1x32x512xf32, #tpu.memory_space<vmem>> -> memref<32x512xf32, #tpu.memory_space<vmem>>
    %dma_wait3A_30 = arith.constant 0 : i32
    %dma_wait3A_31 = arith.constant 0 : i32
    %dma_wait3A_32 = tpu.memref_slice %arg4[%dma_wait3A_25, %dma_wait3A_30, %dma_wait3A_31] : memref<50x32x16384xf32, #tpu.memory_space<hbm>> -> memref<1x32x16384xf32, #tpu.memory_space<hbm>>
    %dma_wait3A_33 = tpu.memref_squeeze %dma_wait3A_32 : memref<1x32x16384xf32, #tpu.memory_space<hbm>> -> memref<32x16384xf32, #tpu.memory_space<hbm>>
    %dma_wait3A_34 = arith.constant 0 : i32
    %dma_wait3A_35 = tpu.memref_slice %dma_wait3A_33[%dma_wait3A_34, %mul3A_2] : memref<32x16384xf32, #tpu.memory_space<hbm>> -> memref<32x512xf32, #tpu.memory_space<hbm>>
    %dma_wait3A_36 = arith.constant 0 : i32
    %dma_wait3A_37 = arith.constant 0 : i32
    %dma_wait3A_38 = tpu.memref_slice %arg4[%dma_wait3A_25, %dma_wait3A_36, %dma_wait3A_37] : memref<50x32x16384xf32, #tpu.memory_space<hbm>> -> memref<1x32x16384xf32, #tpu.memory_space<hbm>>
    %dma_wait3A_39 = tpu.memref_squeeze %dma_wait3A_38 : memref<1x32x16384xf32, #tpu.memory_space<hbm>> -> memref<32x16384xf32, #tpu.memory_space<hbm>>
    %dma_wait3A_40 = arith.constant 0 : i32
    %dma_wait3A_41 = tpu.memref_slice %dma_wait3A_39[%dma_wait3A_40, %mul3A_2] : memref<32x16384xf32, #tpu.memory_space<hbm>> -> memref<32x512xf32, #tpu.memory_space<hbm>>
    %dma_wait3A_42 = arith.constant 0 : i32
    %dma_wait3A_43 = arith.constant 0 : i32
    %dma_wait3A_44 = tpu.memref_slice %arg8[%dma_wait3A, %dma_wait3A_42, %dma_wait3A_43] : memref<2x32x512xf32, #tpu.memory_space<vmem>> -> memref<1x32x512xf32, #tpu.memory_space<vmem>>
    %dma_wait3A_45 = tpu.memref_squeeze %dma_wait3A_44 : memref<1x32x512xf32, #tpu.memory_space<vmem>> -> memref<32x512xf32, #tpu.memory_space<vmem>>
    tpu.wait_dma2 semaphore(%arg11 : memref<!tpu.dma_semaphore, #tpu.memory_space<semaphore_mem>>) src(%dma_wait3A_45 : memref<32x512xf32, #tpu.memory_space<vmem>>) dst(%dma_wait3A_41 : memref<32x512xf32, #tpu.memory_space<hbm>>)
    %dma_wait3A_46 = arith.constant 1 : i32
    %dma_wait3A_47 = arith.constant 49 : i32
    %dma_wait3A_48 = arith.constant 0 : i32
    %dma_wait3A_49 = arith.constant 0 : i32
    %dma_wait3A_50 = tpu.memref_slice %arg8[%dma_wait3A_46, %dma_wait3A_48, %dma_wait3A_49] : memref<2x32x512xf32, #tpu.memory_space<vmem>> -> memref<1x32x512xf32, #tpu.memory_space<vmem>>
    %dma_wait3A_51 = tpu.memref_squeeze %dma_wait3A_50 : memref<1x32x512xf32, #tpu.memory_space<vmem>> -> memref<32x512xf32, #tpu.memory_space<vmem>>
    %dma_wait3A_52 = arith.constant 0 : i32
    %dma_wait3A_53 = arith.constant 0 : i32
    %dma_wait3A_54 = tpu.memref_slice %arg4[%dma_wait3A_47, %dma_wait3A_52, %dma_wait3A_53] : memref<50x32x16384xf32, #tpu.memory_space<hbm>> -> memref<1x32x16384xf32, #tpu.memory_space<hbm>>
    %dma_wait3A_55 = tpu.memref_squeeze %dma_wait3A_54 : memref<1x32x16384xf32, #tpu.memory_space<hbm>> -> memref<32x16384xf32, #tpu.memory_space<hbm>>
    %dma_wait3A_56 = arith.constant 0 : i32
    %dma_wait3A_57 = tpu.memref_slice %dma_wait3A_55[%dma_wait3A_56, %mul3A_2] : memref<32x16384xf32, #tpu.memory_space<hbm>> -> memref<32x512xf32, #tpu.memory_space<hbm>>
    %dma_wait3A_58 = arith.constant 0 : i32
    %dma_wait3A_59 = arith.constant 0 : i32
    %dma_wait3A_60 = tpu.memref_slice %arg4[%dma_wait3A_47, %dma_wait3A_58, %dma_wait3A_59] : memref<50x32x16384xf32, #tpu.memory_space<hbm>> -> memref<1x32x16384xf32, #tpu.memory_space<hbm>>
    %dma_wait3A_61 = tpu.memref_squeeze %dma_wait3A_60 : memref<1x32x16384xf32, #tpu.memory_space<hbm>> -> memref<32x16384xf32, #tpu.memory_space<hbm>>
    %dma_wait3A_62 = arith.constant 0 : i32
    %dma_wait3A_63 = tpu.memref_slice %dma_wait3A_61[%dma_wait3A_62, %mul3A_2] : memref<32x16384xf32, #tpu.memory_space<hbm>> -> memref<32x512xf32, #tpu.memory_space<hbm>>
    %dma_wait3A_64 = arith.constant 0 : i32
    %dma_wait3A_65 = arith.constant 0 : i32
    %dma_wait3A_66 = tpu.memref_slice %arg8[%dma_wait3A_46, %dma_wait3A_64, %dma_wait3A_65] : memref<2x32x512xf32, #tpu.memory_space<vmem>> -> memref<1x32x512xf32, #tpu.memory_space<vmem>>
    %dma_wait3A_67 = tpu.memref_squeeze %dma_wait3A_66 : memref<1x32x512xf32, #tpu.memory_space<vmem>> -> memref<32x512xf32, #tpu.memory_space<vmem>>
    tpu.wait_dma2 semaphore(%arg12 : memref<!tpu.dma_semaphore, #tpu.memory_space<semaphore_mem>>) src(%dma_wait3A_67 : memref<32x512xf32, #tpu.memory_space<vmem>>) dst(%dma_wait3A_63 : memref<32x512xf32, #tpu.memory_space<hbm>>)
    return
  }
}

</mosaic_0001>

<sc_bundles>
// kernel: kernel.3.cloned.1.call-start
scs
__scs_entry_jumppad:
0x0: {  	(pc) =	sbr.rel $0x88, $3  }
0x1: {  	(tag) =	ssettag $0x0;
	lr =	simm.s32 $0x1  }
0x2: {  	[smem:$0x3F9F] =	sst lr;
	_ =	strace $0xD0000000  }
0x3: {  	_ = 	snop  }
0x4: {  	_ = 	snop  }
0x5: {  	_ = 	snop  }
0x6: {  	_ = 	snop  }
0x7: {  	_ = 	snop  }
__scs_overlays_trampoline_lowered:
0x8: {  	[smem:$0x3FAE] =	sst s0  }
0x9: {  	[smem:$0x3FAF] =	sst s1  }
0xa: {  	[smem:$0x3FB0] =	sst s2  }
0xb: {  	[smem:$0x3FB1] =	sst s3  }
0xc: {  	[smem:$0x3FB2] =	sst s4  }
0xd: {  	[smem:$0x3FB3] =	sst s5  }
0xe: {  	[smem:$0x3FB4] =	sst s6  }
0xf: {  	[smem:$0x3FB5] =	sst s7  }
0x10: {  	[smem:$0x3FB6] =	sst s8  }
0x11: {  	[smem:$0x3FB7] =	sst s9;
	s0 =	simm.s32 @!p0 $0x0  }
0x12: {  	s1 =	sld [smem:$0x3F9D];
	s0 =	simm.s32 @p0 $0x1  }
0x13: {  	[smem:$0x3FB8] =	sst s0;
	s0 =	simm.s32 @!p1 $0x0  }
0x14: {  	s2 =	sld [smem:$0x3F9C];
	s0 =	simm.s32 @p1 $0x1  }
0x15: {  	[smem:$0x3FB9] =	sst s0;
	s0 =	simm.s32 @!p2 $0x0  }
0x16: {  	s3 =	sld [smem:$0x3FDB];
	s0 =	simm.s32 @p2 $0x1  }
0x17: {  	s4 =	simm.s32 $0x1BF5;
	[smem:$0x3FBB] =	sst s0  }
0x18: {  	s0 =	sld [smem:$0x3F9E];
	_ =	swait.ge [sflag:s4], $0x0  }
0x19: {  	s7 =	sld [smem:$0x3F9F]  }
0x1a: {  	s8 =	sadd.s32 $0xFFFFE003, lr  }
0x1b: {  	s9 =	sadd.s32 $0xFFFFFEF7, lr;
	s5 =	simm.s32 $0xFFFFFFFF;
	p2 =	slt.u32 s8, $0xFFFFF086  }
0x1c: {  	p1 =	slt.u32 s9, $0xF7A;
	s5 =	simm.s32 @!p2 $0x0  }
0x1d: {  	s5 =	simm.s32 @p1 $0x1;
	p0 =	seq.s32 s7, s2  }
0x1e: {  	s7 =	smul.u32 @!p0 $0xF7A, s2;
	p2 =	seq.s32 @!p0 s5, $0x0  }
0x1f: {  	s9 =	smul.u32 $0xF7A, s1;
	s8 =	simm.s32 @!p0 $0x1BF5;
	p2 =	por !p2, p0  }
0x20: {  	[sflag:s8] =	ssyncset.s32 @!p0 $0xFFFFF086;
	s6 =	sadd.s32 @!p0 s3, s7;
	s7 =	simm.s32 @!p0 $0x108  }
0x21: {  	s3 =	sadd.s32 s3, s9;
	s6 =	sadd.s32 @!p0 $0x88, s6;
	s7 =	simm.s32 @p2 $0x1082  }
0x22: {  	[simem:s7], [sflag:s8] =	dma.local @!p0 [hbm:s6], $0xF7A  }
0x23: {  	s9 =	sor.u32 $0xD0000000, s2;
	s6 =	simm.s32 $0x108;
	_ =	swait.ge @!p0 [sflag:s8], $0x0  }
0x24: {  	s3 =	sadd.s32 $0x88, s3;
	s6 =	simm.s32 @!p1 $0x1082;
	[sflag:s4] =	ssyncset.s32 $0xFFFFF086  }
0x25: {  	[simem:s6], [sflag:s4] =	dma.local [hbm:s3], $0xF7A  }
0x26: {  	[smem:$0x3F9F] =	sst s1;
	(tag) =	ssettag s2;
	_ =	strace s9  }
0x27: {  	s1 =	sld [smem:$0x3FAF]  }
0x28: {  	s2 =	sld [smem:$0x3FB0]  }
0x29: {  	s4 =	sld [smem:$0x3FB2]  }
0x2a: {  	p0 =	seq.s32 s5, $0x0;
	s5 =	sld [smem:$0x3FB3]  }
0x2b: {  	s6 =	sld [smem:$0x3FB4]  }
0x2c: {  	s7 =	sld [smem:$0x3FB5]  }
0x2d: {  	s3 =	simm.s32 $0x108;
	s8 =	sld [smem:$0x3FB6]  }
0x2e: {  	s3 =	simm.s32 @!p0 $0x1082;
	s9 =	sld [smem:$0x3FB7]  }
0x2f: {  	lr =	sadd.s32 s0, s3;
	s0 =	sld [smem:$0x3FAE]  }
0x30: {  	s3 =	sld [smem:$0x3FB1]  }
0x31: {  	[smem:$0x3FBA] =	sst s10  }
0x32: {  	s10 =	sld [smem:$0x3FB8];
	_ =	sdelay $0x3  }
0x33: {  	p0 =	seq.s32 s10, $0x1;
	s10 =	sld [smem:$0x3FBA];
	_ =	sdelay $0x3  }
0x34: {  	[smem:$0x3FBA] =	sst s10  }
0x35: {  	s10 =	sld [smem:$0x3FB9];
	_ =	sdelay $0x3  }
0x36: {  	p1 =	seq.s32 s10, $0x1;
	s10 =	sld [smem:$0x3FBA];
	_ =	sdelay $0x3  }
0x37: {  	[smem:$0x3FBA] =	sst s10  }
0x38: {  	s10 =	sld [smem:$0x3FBB]  }
0x39: {  	_ = 	snop;
	(pc) =	sbr.ind lr, $3  }
0x3a: {  	_ = 	snop  }
0x3b: {  	_ = 	snop  }
0x3c: {  	p2 =	seq.s32 s10, $0x1;
	s10 =	sld [smem:$0x3FBA]  }
0x3d: {  	_ =	shalt  }
0x3e: {  	_ =	shalt  }
0x3f: {  	_ =	shalt  }
0x40: {  	_ =	shalt  }
0x41: {  	_ =	shalt  }
0x42: {  	_ =	shalt  }
0x43: {  	_ =	shalt  }
0x44: {  	_ =	shalt  }
0x45: {  	_ =	shalt  }
0x46: {  	_ =	shalt  }
0x47: {  	_ =	shalt  }
0x48: {  	_ =	shalt  }
0x49: {  	_ =	shalt  }
0x4a: {  	_ =	shalt  }
0x4b: {  	_ =	shalt  }
0x4c: {  	_ =	shalt  }
0x4d: {  	_ =	shalt  }
0x4e: {  	_ =	shalt  }
0x4f: {  	_ =	shalt  }
0x50: {  	_ =	shalt  }
0x51: {  	_ =	shalt  }
0x52: {  	_ =	shalt  }
0x53: {  	_ =	shalt  }
0x54: {  	_ =	shalt  }
0x55: {  	_ =	shalt  }
0x56: {  	_ =	shalt  }
0x57: {  	_ =	shalt  }
0x58: {  	_ =	shalt  }
0x59: {  	_ =	shalt  }
0x5a: {  	_ =	shalt  }
0x5b: {  	_ =	shalt  }
0x5c: {  	_ =	shalt  }
0x5d: {  	_ =	shalt  }
0x5e: {  	_ =	shalt  }
0x5f: {  	_ =	shalt  }
0x60: {  	_ =	shalt  }
0x61: {  	_ =	shalt  }
0x62: {  	_ =	shalt  }
0x63: {  	_ =	shalt  }
0x64: {  	_ =	shalt  }
0x65: {  	_ =	shalt  }
0x66: {  	_ =	shalt  }
0x67: {  	_ =	shalt  }
0x68: {  	_ =	shalt  }
0x69: {  	_ =	shalt  }
0x6a: {  	_ =	shalt  }
0x6b: {  	_ =	shalt  }
0x6c: {  	_ =	shalt  }
0x6d: {  	_ =	shalt  }
0x6e: {  	_ =	shalt  }
0x6f: {  	_ =	shalt  }
0x70: {  	_ =	shalt  }
0x71: {  	_ =	shalt  }
0x72: {  	_ =	shalt  }
0x73: {  	_ =	shalt  }
0x74: {  	_ =	shalt  }
0x75: {  	_ =	shalt  }
0x76: {  	_ =	shalt  }
0x77: {  	_ =	shalt  }
0x78: {  	_ =	shalt  }
0x79: {  	_ =	shalt  }
0x7a: {  	_ =	shalt  }
0x7b: {  	_ =	shalt  }
0x7c: {  	_ =	shalt  }
0x7d: {  	_ =	shalt  }
0x7e: {  	_ =	shalt  }
0x7f: {  	_ =	shalt  }
0x80: {  	_ =	shalt  }
0x81: {  	_ =	shalt  }
0x82: {  	_ =	shalt  }
0x83: {  	_ =	shalt  }
0x84: {  	_ =	shalt  }
0x85: {  	_ =	shalt  }
0x86: {  	_ =	shalt  }
0x87: {  	_ =	shalt  }
.Lfunc_end0:
.L_simem_size_0:
called_computation_lowered:
.L_overlay_start_0:
0x88: {  	s2 =	sld [smem:$0x3FD9]  }
0x89: {  	s3 =	sld [smem:$0x3FFE];
	_ =	sdelay $0x1  }
0x8a: {  	s1 =	srdreg.scid  }
0x8b: {  	s0 =	sand.u32 $0x1, s1  }
0x8c: {  	s17 =	sshll.u32 s0, $0xA;
	s2 =	sadd.s32 s3, s2  }
0x8d: {  	s2 =	sadd.s32 s2, s17  }
0x8e: {  	[smem:$0x3FC6] =	sst s2  }
0x8f: {  	_ = 	snop  }
0x90: {  	s2 =	sld [smem:$0x3FD0];
	(tm) =	ssettm $0x1  }
0x91: {  	s18 =	sld [smem:$0x3FFB];
	_ =	sdelay $0x3  }
0x92: {  	_ =	strace s18  }
0x93: {  	s3 =	sld [smem:$0x3FFC];
	_ =	sdelay $0x3  }
0x94: {  	_ =	strace s3  }
0x95: {  	s3 =	sld [smem:$0x3FFD];
	_ =	sdelay $0x3  }
0x96: {  	_ =	strace s3  }
0x97: {  	_ =	strace $0x8FFFFFFF  }
0x98: {  	s19 =	sld [smem:$0x3FDB];
	_ =	sdelay $0x1  }
0x99: {  	s4 =	simm.s32 $_scs_section_size  }
0x9a: {  	s5 =	simm.s32 $_size__tile_overlayer_lowered;
	s6 =	simm.s32 $_tile_overlayer_lowered  }
0x9b: {  	s22 =	simm.s32 $0x1BFF;
	s21 =	sshll.u32 s6, $0x1;
	s3 =	sadd.s32 s4, s19  }
0x9c: {  	s7 =	simm.s32 $0x0;
	s20 =	sshll.u32 s5, $0x1;
	s5 =	sadd.s32 s21, s3  }
0x9d: {  	[timem:s7], [sflag:s22] =	dma.local [hbm:s5], s20  }
0x9e: {  	_ =	swait.ge [sflag:s22], s20  }
0x9f: {  	s4 =	ssub.s32 $0x0, s20;
	[sflag:s22] =	ssyncset.done $0x0  }
0xa0: {  	[sflag:s22] =	ssyncadd.s32 s4;
	_ =	sdelay $0x1  }
0xa1: {  	s23 =	simm.s32 $0x1B8B  }
0xa2: {  	_ =	swait.ge [sflag:s23], $0x1  }
0xa3: {  	[sflag:s23] =	ssyncset.done $0x0  }
0xa4: {  	s25 =	simm.s32 $0x1B8E;
	s24 =	sld [smem:$0x3FFE];
	[sflag:s23] =	ssyncadd.s32 $0xFFFFFFFF  }
0xa5: {  	s26 =	simm.s32 $execute0_lowered;
	[smem:$0x3FD2] =	sst s25  }
0xa6: {  	s5 =	sshll.u32 s26, $0x1;
	_ =	strace $0x80000046;
	[dreg:$0x1] =	wrdreg $0xFFFFFFFF  }
0xa7: {  	s28 =	simm.s32 $_size_execute0_lowered;
	s3 =	sadd.s32 s3, s5;
	[dreg:$0x0] =	wrdreg $0x0  }
0xa8: {  	s5 =	sshll.u32 s28, $0x1;
	[dreg:$0x2] =	wrdreg s3  }
0xa9: {  	[dreg:$0x3] =	wrdreg s5  }
0xaa: {  	[dreg:$0x4] =	wrdreg $0xC0  }
0xab: {  	_ =	task [dreg:s7], $0x5FFFF  }
0xac: {  	[dreg:$0x1] =	wrdreg $0xFFFFFFFF  }
0xad: {  	[dreg:$0x0] =	wrdreg $0x60  }
0xae: {  	[dreg:$0x2] =	wrdreg s2  }
0xaf: {  	[dreg:$0x3] =	wrdreg s24  }
0xb0: {  	[dreg:$0x4] =	wrdreg $0x9  }
0xb1: {  	_ =	task.clear_ibuf [dreg:s7], $0x5FFFF;
	_ =	strace $0x90000046  }
0xb2: {  	s29 =	simm.s32 $0x9;
	_ =	strace $0x80000048  }
0xb3: {  	_ =	swait.ge [sflag:s29], $0x1  }
0xb4: {  	[sflag:s29] =	ssyncadd.s32 $0xFFFFFFFF  }
0xb5: {  	_ =	strace $0x90000048  }
0xb6: {  	_ =	sfence  }
0xb7: {  	s30 =	sld [smem:$0x0];
	_ =	sdelay $0x2  }
0xb8: {  	s31 =	sshll.u32 s1, $0xD;
	s1 =	sshrl.u32 s1, $0x2  }
0xb9: {  	s3 =	sand.u32 $0x4000, s31;
	s1 =	sadd.s32 s1, s30  }
0xba: {  	s0 =	sor.u32 s3, s0;
	s1 =	sshll.u32 s1, $0x11  }
0xbb: {  	s0 =	sor.u32 s1, s0  }
0xbc: {  	s0 =	sadd.s32 $0x8F2B, s0  }
0xbd: {  	[sflag:s0] =	ssyncadd.remote.s32 $0x1  }
0xbe: {  	_ =	sfence.sel $0xFFFF  }
0xbf: {  	[dreg:$0x0] =	wrdreg $0xFFFFFFFF;
	(pc) =	sbr.abs _section_cstart, $3  }
0xc0: {  	[dreg:$0x1] =	wrdreg $0xFFFFFFFF  }
0xc1: {  	_ =	task.clear_ibuf [dreg:s7], $0x2FFFF;
	_ =	strace $0x9FFFFFFF  }
0xc2: {  	(tm) =	ssettm $0x7FFFFFFF  }
0xc3: {  	_ =	shalt  }
tec
execute0_lowered:
.L_overlay_start_1:
0x0: {  	(tag) =	ssettag $0x1  }
0x1: {  	v0 =	vlaneseq.u32  }
0x2: {  	v3 =	vmul.u32 $0x38, v0;
	_ =	sdelay $0x1  }
0x3: {  	v27 =	vmul.u32 $0x20, v0;
	v4 =	vadd.s32 $0x380, v3;
	v1 =	vadd.s32 $0x700, v3  }
0x4: {  	v5 =	vadd.s32 $0xA80, v3;
	v7 =	vadd.s32 $0x1180, v3;
	v9 =	vadd.s32 $0x1880, v3  }
0x5: {  	v11 =	vadd.s32 $0x1F80, v3;
	v13 =	vadd.s32 $0x2680, v3;
	v0 =	vadd.s32 $0x6200, v3;
	[tilespmem:$0x1FED0] =	vst v1  }
0x6: {  	v15 =	vadd.s32 $0x2D80, v3;
	v17 =	vadd.s32 $0x3480, v3;
	v1 =	vadd.s32 $0xE00, v3;
	[tilespmem:$0x1FFA0] =	vst v0  }
0x7: {  	v19 =	vadd.s32 $0x3B80, v3;
	v21 =	vadd.s32 $0x4280, v3;
	v0 =	vadd.s32 $0x6900, v3;
	[tilespmem:$0x1FEE0] =	vst v1  }
0x8: {  	v23 =	vadd.s32 $0x4980, v3;
	v25 =	vadd.s32 $0x5080, v3;
	v1 =	vadd.s32 $0x1500, v3;
	[tilespmem:$0x1FFB0] =	vst v0  }
0x9: {  	v28 =	vadd.s32 $0x5780, v3;
	v32 =	vadd.s32 $0x5E80, v3;
	[tilespmem:$0x1FEF0] =	vst v1;
	v1 =	vor.u32 $0x1C00, v3  }
0xa: {  	v8 =	vadd.s32 $0x6580, v3;
	v6 =	vadd.s32 $0x6C80, v3;
	[tilespmem:$0x1FF00] =	vst v1;
	v1 =	vadd.s32 $0x2300, v3  }
0xb: {  	s5 =	rddreg [dreg:$0x0];
	v33 =	vor.u32 $0x200, v27;
	v34 =	vor.u32 $0x400, v27;
	[tilespmem:$0x1FF10] =	vst v1;
	v1 =	vadd.s32 $0x2A00, v3  }
0xc: {  	s4 =	rddreg [dreg:$0x1];
	v35 =	vor.u32 $0x600, v27;
	v36 =	vor.u32 $0x800, v27;
	[tilespmem:$0x1FF20] =	vst v1;
	v1 =	vadd.s32 $0x3100, v3  }
0xd: {  	s0 =	rddreg [dreg:$0x2];
	v37 =	vor.u32 $0xA00, v27;
	v38 =	vor.u32 $0xC00, v27;
	[tilespmem:$0x1FF30] =	vst v1;
	v1 =	vor.u32 $0x3800, v3  }
0xe: {  	s3 =	srdreg.scid;
	s1 =	stileid.u32;
	s10 =	simm.s32 $0x7000;
	v39 =	vor.u32 $0xE00, v27;
	v40 =	vor.u32 $0x1000, v27;
	[tilespmem:$0x1FF40] =	vst v1;
	v1 =	vadd.s32 $0x3F00, v3  }
0xf: {  	s2 =	simm.s32 $0x0;
	s11 =	simm.s32 $0xD400;
	s12 =	simm.s32 $0x11400;
	v41 =	vor.u32 $0x1200, v27;
	v42 =	vor.u32 $0x1400, v27;
	[tilespmem:$0x1FF50] =	vst v1;
	v1 =	vadd.s32 $0x4600, v3  }
0x10: {  	s13 =	simm.s32 $0x1;
	s14 =	simm.s32 $0x4000;
	s15 =	simm.s32 $0x15400;
	v43 =	vor.u32 $0x1600, v27;
	v44 =	vor.u32 $0x1800, v27;
	[tilespmem:$0x1FF60] =	vst v1;
	v1 =	vadd.s32 $0x4D00, v3  }
0x11: {  	s16 =	simm.s32 $0x2;
	s17 =	simm.s32 $0x4;
	s18 =	simm.s32 $0x19400;
	v45 =	vor.u32 $0x1A00, v27;
	v46 =	vor.u32 $0x1C00, v27;
	[tilespmem:$0x1FF70] =	vst v1;
	v1 =	vor.u32 $0x5400, v3  }
0x12: {  	s3 =	sand.u32 $0x1, s3;
	s6 =	sshll.u32 s1, $0x1;
	[smem:$0x7FF] =	sst s2;
	v47 =	vor.u32 $0x1E00, v27;
	v48 =	vor.u32 $0x2000, v27;
	[tilespmem:$0x1FF80] =	vst v1;
	v1 =	vadd.s32 $0x5B00, v3  }
0x13: {  	s6 =	sor.u32 s3, s6;
	s7 =	ssub.s32 $0x2, s3;
	s3 =	sadd.s32 $0xF42A00, s4;
	v49 =	vor.u32 $0x2200, v27;
	v50 =	vor.u32 $0x2400, v27;
	v51 =	vor.u32 $0x2600, v27;
	[tilespmem:$0x1FF90] =	vst v1  }
0x14: {  	s19 =	simm.s32 $0x3;
	s20 =	simm.s32 $0x0;
	v52 =	vor.u32 $0x2800, v27;
	v53 =	vor.u32 $0x2A00, v27;
	v54 =	vor.u32 $0x2C00, v27;
	_ =	strace $0x80000047;
	[tilespmem:$0x1FFC0] =	vst v3  }
0x15: {  	s4 =	sadd.s32 $0x600, s4;
	s8 =	smul.u32 $0xE00, s6;
	s9 =	sshrl.u32 s7, $0x1;
	v55 =	vor.u32 $0x2E00, v27;
	v56 =	vor.u32 $0x3000, v27;
	v57 =	vor.u32 $0x3200, v27;
	[tilespmem:$0x1FFD0] =	vst v4  }
0x16: {  	s6 =	sshll.u32 s6, $0x6;
	v58 =	vor.u32 $0x3400, v27;
	v59 =	vor.u32 $0x3600, v27;
	v60 =	vor.u32 $0x3800, v27;
	s7 =	ssub.s32 s7, s9;
	s9 =	simm.s32 $0x200;
	[tilespmem:$0x1FFE0] =	vst v6  }
0x17: {  	v61 =	vor.u32 $0x3A00, v27;
	v62 =	vor.u32 $0x3C00, v27;
	v63 =	vor.u32 $0x3E00, v27;
	s5 =	sadd.s32 s5, s8;
	s7 =	smax.u32 s7, $0x1;
	s8 =	simm.s32 $0x5;
	[tilespmem:$0x1FFF0] =	vst v8  }
.LBB2_1:
0x18: {  	v0 =	vmov s2  }
0x19: {  	v0 =	vand.u32 $0x3F, v0  }
0x1a: {  	v1 =	vadd.s32 v3, v0  }
0x1b: {  	[tilespmem:s2], [sflag:$0x5] =	stream.linear.gather [hbm4b:s5+s2], $0x7000, $0x38;
	[tilespmem:$0x1D400] =	vst v63  }
0x1c: {  	_ =	swait.ge [sflag:s8], $0x7000  }
0x1d: {  	[sflag:s8] =	ssyncset.done $0x0  }
0x1e: {  	[sflag:s8] =	ssyncadd.s32 $0xFFFF9000  }
0x1f: {  	v1 =	vld.idx.msk [tilespmem:v1+s2+$0x0], $0xffff  }
0x20: {  	v2 =	vadd.s32 v4, v0  }
0x21: {  	v10 =	vmov v5;
	v5 =	vld [tilespmem:$0x1FED0];
	_ =	sdelay $0x1  }
0x22: {  	s21 =	simm.s32 $0x7100  }
0x23: {  	[tilespmem:s21+$0xFFFFFF00] =	vst v1  }
0x24: {  	v1 =	vld.idx.msk [tilespmem:v2+s2+$0x0], $0xffff  }
0x25: {  	v2 =	vadd.s32 v5, v0;
	_ =	sdelay $0x3  }
0x26: {  	[tilespmem:s21+$0xFFFFFF10] =	vst v1  }
0x27: {  	v1 =	vld.idx.msk [tilespmem:v2+s2+$0x0], $0xffff  }
0x28: {  	v2 =	vadd.s32 v10, v0  }
0x29: {  	v12 =	vmov v7;
	v7 =	vld [tilespmem:$0x1FEE0];
	_ =	sdelay $0x2  }
0x2a: {  	[tilespmem:s21+$0xFFFFFF20] =	vst v1  }
0x2b: {  	v1 =	vld.idx.msk [tilespmem:v2+s2+$0x0], $0xffff  }
0x2c: {  	v2 =	vadd.s32 v7, v0;
	_ =	sdelay $0x3  }
0x2d: {  	[tilespmem:s21+$0xFFFFFF30] =	vst v1  }
0x2e: {  	v1 =	vld.idx.msk [tilespmem:v2+s2+$0x0], $0xffff  }
0x2f: {  	v2 =	vadd.s32 v12, v0  }
0x30: {  	v14 =	vmov v9;
	v9 =	vld [tilespmem:$0x1FEF0];
	_ =	sdelay $0x2  }
0x31: {  	[tilespmem:s21+$0xFFFFFF40] =	vst v1  }
0x32: {  	v1 =	vld.idx.msk [tilespmem:v2+s2+$0x0], $0xffff  }
0x33: {  	v2 =	vadd.s32 v9, v0;
	_ =	sdelay $0x3  }
0x34: {  	[tilespmem:s21+$0xFFFFFF50] =	vst v1  }
0x35: {  	v1 =	vld.idx.msk [tilespmem:v2+s2+$0x0], $0xffff  }
0x36: {  	v2 =	vadd.s32 v14, v0  }
0x37: {  	v16 =	vmov v11;
	v11 =	vld [tilespmem:$0x1FF00];
	_ =	sdelay $0x2  }
0x38: {  	[tilespmem:s21+$0xFFFFFF60] =	vst v1  }
0x39: {  	v1 =	vld.idx.msk [tilespmem:v2+s2+$0x0], $0xffff  }
0x3a: {  	v2 =	vadd.s32 v11, v0;
	_ =	sdelay $0x3  }
0x3b: {  	[tilespmem:s21+$0xFFFFFF70] =	vst v1  }
0x3c: {  	v1 =	vld.idx.msk [tilespmem:v2+s2+$0x0], $0xffff  }
0x3d: {  	v2 =	vadd.s32 v16, v0  }
0x3e: {  	v18 =	vmov v13;
	v13 =	vld [tilespmem:$0x1FF10];
	_ =	sdelay $0x2  }
0x3f: {  	[tilespmem:s21+$0xFFFFFF80] =	vst v1  }
0x40: {  	v1 =	vld.idx.msk [tilespmem:v2+s2+$0x0], $0xffff  }
0x41: {  	v2 =	vadd.s32 v13, v0;
	_ =	sdelay $0x3  }
0x42: {  	[tilespmem:s21+$0xFFFFFF90] =	vst v1  }
0x43: {  	v1 =	vld.idx.msk [tilespmem:v2+s2+$0x0], $0xffff  }
0x44: {  	v2 =	vadd.s32 v18, v0  }
0x45: {  	v20 =	vmov v15;
	v15 =	vld [tilespmem:$0x1FF20];
	_ =	sdelay $0x2  }
0x46: {  	[tilespmem:s21+$0xFFFFFFA0] =	vst v1  }
0x47: {  	v1 =	vld.idx.msk [tilespmem:v2+s2+$0x0], $0xffff  }
0x48: {  	v2 =	vadd.s32 v15, v0;
	_ =	sdelay $0x3  }
0x49: {  	[tilespmem:s21+$0xFFFFFFB0] =	vst v1  }
0x4a: {  	v1 =	vld.idx.msk [tilespmem:v2+s2+$0x0], $0xffff  }
0x4b: {  	v2 =	vadd.s32 v20, v0  }
0x4c: {  	v22 =	vmov v17;
	v17 =	vld [tilespmem:$0x1FF30];
	_ =	sdelay $0x2  }
0x4d: {  	[tilespmem:s21+$0xFFFFFFC0] =	vst v1  }
0x4e: {  	v1 =	vld.idx.msk [tilespmem:v2+s2+$0x0], $0xffff  }
0x4f: {  	v2 =	vadd.s32 v17, v0;
	_ =	sdelay $0x3  }
0x50: {  	[tilespmem:s21+$0xFFFFFFD0] =	vst v1  }
0x51: {  	v1 =	vld.idx.msk [tilespmem:v2+s2+$0x0], $0xffff  }
0x52: {  	v2 =	vadd.s32 v22, v0  }
0x53: {  	v24 =	vmov v19;
	v19 =	vld [tilespmem:$0x1FF40];
	_ =	sdelay $0x2  }
0x54: {  	[tilespmem:s21+$0xFFFFFFE0] =	vst v1  }
0x55: {  	v1 =	vld.idx.msk [tilespmem:v2+s2+$0x0], $0xffff  }
0x56: {  	v2 =	vadd.s32 v19, v0;
	_ =	sdelay $0x3  }
0x57: {  	[tilespmem:s21+$0xFFFFFFF0] =	vst v1  }
0x58: {  	v1 =	vld.idx.msk [tilespmem:v2+s2+$0x0], $0xffff  }
0x59: {  	v2 =	vadd.s32 v24, v0  }
0x5a: {  	v26 =	vmov v21;
	v21 =	vld [tilespmem:$0x1FF50];
	_ =	sdelay $0x2  }
0x5b: {  	[tilespmem:s21+$0x0] =	vst v1  }
0x5c: {  	v1 =	vld.idx.msk [tilespmem:v2+s2+$0x0], $0xffff  }
0x5d: {  	v2 =	vadd.s32 v21, v0;
	_ =	sdelay $0x3  }
0x5e: {  	[tilespmem:s21+$0x10] =	vst v1  }
0x5f: {  	v1 =	vld.idx.msk [tilespmem:v2+s2+$0x0], $0xffff  }
0x60: {  	v2 =	vadd.s32 v26, v0  }
0x61: {  	v29 =	vmov v23;
	v23 =	vld [tilespmem:$0x1FF60];
	_ =	sdelay $0x2  }
0x62: {  	[tilespmem:s21+$0x20] =	vst v1  }
0x63: {  	v1 =	vld.idx.msk [tilespmem:v2+s2+$0x0], $0xffff  }
0x64: {  	v2 =	vadd.s32 v23, v0;
	_ =	sdelay $0x3  }
0x65: {  	[tilespmem:s21+$0x30] =	vst v1  }
0x66: {  	v1 =	vld.idx.msk [tilespmem:v2+s2+$0x0], $0xffff  }
0x67: {  	v2 =	vadd.s32 v29, v0  }
0x68: {  	v31 =	vmov v25;
	v25 =	vld [tilespmem:$0x1FF70];
	_ =	sdelay $0x2  }
0x69: {  	[tilespmem:s21+$0x40] =	vst v1  }
0x6a: {  	v1 =	vld.idx.msk [tilespmem:v2+s2+$0x0], $0xffff  }
0x6b: {  	v2 =	vadd.s32 v25, v0;
	_ =	sdelay $0x3  }
0x6c: {  	[tilespmem:s21+$0x50] =	vst v1  }
0x6d: {  	v1 =	vld.idx.msk [tilespmem:v2+s2+$0x0], $0xffff  }
0x6e: {  	v2 =	vadd.s32 v31, v0  }
0x6f: {  	v8 =	vmov v28;
	v28 =	vld [tilespmem:$0x1FF80];
	_ =	sdelay $0x2  }
0x70: {  	[tilespmem:s21+$0x60] =	vst v1  }
0x71: {  	v1 =	vld.idx.msk [tilespmem:v2+s2+$0x0], $0xffff  }
0x72: {  	v2 =	vadd.s32 v28, v0;
	_ =	sdelay $0x3  }
0x73: {  	[tilespmem:s21+$0x70] =	vst v1  }
0x74: {  	v1 =	vld.idx.msk [tilespmem:v2+s2+$0x0], $0xffff  }
0x75: {  	v2 =	vadd.s32 v8, v0  }
0x76: {  	v30 =	vld [tilespmem:$0x1FF90];
	_ =	sdelay $0x2  }
0x77: {  	[tilespmem:s21+$0x80] =	vst v1  }
0x78: {  	v1 =	vld.idx.msk [tilespmem:v2+s2+$0x0], $0xffff  }
0x79: {  	v2 =	vadd.s32 v30, v0;
	_ =	sdelay $0x3  }
0x7a: {  	[tilespmem:s21+$0x90] =	vst v1  }
0x7b: {  	v1 =	vld.idx.msk [tilespmem:v2+s2+$0x0], $0xffff  }
0x7c: {  	v2 =	vadd.s32 v32, v0;
	_ =	sdelay $0x3  }
0x7d: {  	[tilespmem:s21+$0xA0] =	vst v1  }
0x7e: {  	v3 =	vld.idx.msk [tilespmem:v2+s2+$0x0], $0xffff  }
0x7f: {  	v2 =	vld [tilespmem:$0x1FFA0];
	_ =	sdelay $0x4  }
0x80: {  	v2 =	vadd.s32 v2, v0  }
0x81: {  	v1 =	vld [tilespmem:$0x1FFF0];
	_ =	sdelay $0x1  }
0x82: {  	v6 =	vmov v10;
	v10 =	vmov v12;
	v12 =	vmov v14  }
0x83: {  	v14 =	vmovc v16;
	v16 =	vmovc v18;
	v18 =	vmov v20;
	v20 =	vmov v22;
	v22 =	vmov v24;
	[tilespmem:s21+$0xB0] =	vst v3  }
0x84: {  	v24 =	vmovc v26;
	v26 =	vmovc v29;
	v29 =	vmov v31;
	v31 =	vmov v8;
	v8 =	vmov v32;
	v32 =	vld.idx.msk [tilespmem:v2+s2+$0x0], $0xffff  }
0x85: {  	v2 =	vadd.s32 v1, v0;
	_ =	sdelay $0x3  }
0x86: {  	[tilespmem:s21+$0xC0] =	vst v32  }
0x87: {  	v32 =	vld.idx.msk [tilespmem:v2+s2+$0x0], $0xffff  }
0x88: {  	v2 =	vld [tilespmem:$0x1FFB0];
	_ =	sdelay $0x4  }
0x89: {  	v2 =	vadd.s32 v2, v0  }
0x8a: {  	v3 =	vmov v1;
	v1 =	vld [tilespmem:$0x1FFE0];
	_ =	sdelay $0x2  }
0x8b: {  	[tilespmem:s21+$0xD0] =	vst v32  }
0x8c: {  	v2 =	vld.idx.msk [tilespmem:v2+s2+$0x0], $0xffff  }
0x8d: {  	v0 =	vadd.s32 v1, v0;
	_ =	sdelay $0x3  }
0x8e: {  	s22 =	simm.s32 $0x1;
	[tilespmem:s21+$0xE0] =	vst v2  }
0x8f: {  	v32 =	vmov v1;
	v1 =	vmov s22;
	s22 =	simm.s32 $0x2;
	v0 =	vld.idx.msk [tilespmem:v0+s2+$0x0], $0xffff  }
.LBB2_2:
0x90: {  	v2 =	vld [tilespmem:$0x1FFC0];
	_ =	sdelay $0x3  }
0x91: {  	v1 =	vand.u32 $0x3F, v1  }
0x92: {  	v2 =	vadd.s32 v2, v1;
	_ =	sdelay $0x3  }
0x93: {  	[tilespmem:s21+$0xF0] =	vst v0  }
0x94: {  	v0 =	vld.idx.msk [tilespmem:v2+s2+$0x0], $0xffff  }
0x95: {  	v2 =	vadd.s32 v4, v1;
	_ =	sdelay $0x2  }
0x96: {  	s21 =	sadd.s32 $0x200, s21  }
0x97: {  	[tilespmem:s21+$0xFFFFFF00] =	vst v0  }
0x98: {  	v0 =	vld.idx.msk [tilespmem:v2+s2+$0x0], $0xffff  }
0x99: {  	v2 =	vadd.s32 v5, v1;
	_ =	sdelay $0x3  }
0x9a: {  	[tilespmem:s21+$0xFFFFFF10] =	vst v0  }
0x9b: {  	v0 =	vld.idx.msk [tilespmem:v2+s2+$0x0], $0xffff  }
0x9c: {  	v2 =	vadd.s32 v6, v1;
	_ =	sdelay $0x3  }
0x9d: {  	[tilespmem:s21+$0xFFFFFF20] =	vst v0  }
0x9e: {  	v0 =	vld.idx.msk [tilespmem:v2+s2+$0x0], $0xffff  }
0x9f: {  	v2 =	vadd.s32 v7, v1;
	_ =	sdelay $0x3  }
0xa0: {  	[tilespmem:s21+$0xFFFFFF30] =	vst v0  }
0xa1: {  	v0 =	vld.idx.msk [tilespmem:v2+s2+$0x0], $0xffff  }
0xa2: {  	v2 =	vadd.s32 v10, v1;
	_ =	sdelay $0x3  }
0xa3: {  	[tilespmem:s21+$0xFFFFFF40] =	vst v0  }
0xa4: {  	v0 =	vld.idx.msk [tilespmem:v2+s2+$0x0], $0xffff  }
0xa5: {  	v2 =	vadd.s32 v9, v1;
	_ =	sdelay $0x3  }
0xa6: {  	[tilespmem:s21+$0xFFFFFF50] =	vst v0  }
0xa7: {  	v0 =	vld.idx.msk [tilespmem:v2+s2+$0x0], $0xffff  }
0xa8: {  	v2 =	vadd.s32 v12, v1;
	_ =	sdelay $0x3  }
0xa9: {  	[tilespmem:s21+$0xFFFFFF60] =	vst v0  }
0xaa: {  	v0 =	vld.idx.msk [tilespmem:v2+s2+$0x0], $0xffff  }
0xab: {  	v2 =	vadd.s32 v11, v1;
	_ =	sdelay $0x3  }
0xac: {  	[tilespmem:s21+$0xFFFFFF70] =	vst v0  }
0xad: {  	v0 =	vld.idx.msk [tilespmem:v2+s2+$0x0], $0xffff  }
0xae: {  	v2 =	vadd.s32 v14, v1;
	_ =	sdelay $0x3  }
0xaf: {  	[tilespmem:s21+$0xFFFFFF80] =	vst v0  }
0xb0: {  	v0 =	vld.idx.msk [tilespmem:v2+s2+$0x0], $0xffff  }
0xb1: {  	v2 =	vadd.s32 v13, v1;
	_ =	sdelay $0x3  }
0xb2: {  	[tilespmem:s21+$0xFFFFFF90] =	vst v0  }
0xb3: {  	v0 =	vld.idx.msk [tilespmem:v2+s2+$0x0], $0xffff  }
0xb4: {  	v2 =	vadd.s32 v16, v1;
	_ =	sdelay $0x3  }
0xb5: {  	[tilespmem:s21+$0xFFFFFFA0] =	vst v0  }
0xb6: {  	v0 =	vld.idx.msk [tilespmem:v2+s2+$0x0], $0xffff  }
0xb7: {  	v2 =	vadd.s32 v15, v1;
	_ =	sdelay $0x3  }
0xb8: {  	[tilespmem:s21+$0xFFFFFFB0] =	vst v0  }
0xb9: {  	v0 =	vld.idx.msk [tilespmem:v2+s2+$0x0], $0xffff  }
0xba: {  	v2 =	vadd.s32 v18, v1;
	_ =	sdelay $0x3  }
0xbb: {  	[tilespmem:s21+$0xFFFFFFC0] =	vst v0  }
0xbc: {  	v0 =	vld.idx.msk [tilespmem:v2+s2+$0x0], $0xffff  }
0xbd: {  	v2 =	vadd.s32 v17, v1;
	_ =	sdelay $0x3  }
0xbe: {  	[tilespmem:s21+$0xFFFFFFD0] =	vst v0  }
0xbf: {  	v0 =	vld.idx.msk [tilespmem:v2+s2+$0x0], $0xffff  }
0xc0: {  	v2 =	vadd.s32 v20, v1;
	_ =	sdelay $0x3  }
0xc1: {  	[tilespmem:s21+$0xFFFFFFE0] =	vst v0  }
0xc2: {  	v0 =	vld.idx.msk [tilespmem:v2+s2+$0x0], $0xffff  }
0xc3: {  	v2 =	vadd.s32 v19, v1;
	_ =	sdelay $0x3  }
0xc4: {  	[tilespmem:s21+$0xFFFFFFF0] =	vst v0  }
0xc5: {  	v0 =	vld.idx.msk [tilespmem:v2+s2+$0x0], $0xffff  }
0xc6: {  	v2 =	vadd.s32 v22, v1;
	_ =	sdelay $0x3  }
0xc7: {  	[tilespmem:s21+$0x0] =	vst v0  }
0xc8: {  	v0 =	vld.idx.msk [tilespmem:v2+s2+$0x0], $0xffff  }
0xc9: {  	v2 =	vadd.s32 v21, v1;
	_ =	sdelay $0x3  }
0xca: {  	[tilespmem:s21+$0x10] =	vst v0  }
0xcb: {  	v0 =	vld.idx.msk [tilespmem:v2+s2+$0x0], $0xffff  }
0xcc: {  	v2 =	vadd.s32 v24, v1;
	_ =	sdelay $0x3  }
0xcd: {  	[tilespmem:s21+$0x20] =	vst v0  }
0xce: {  	v0 =	vld.idx.msk [tilespmem:v2+s2+$0x0], $0xffff  }
0xcf: {  	v2 =	vadd.s32 v23, v1;
	_ =	sdelay $0x3  }
0xd0: {  	[tilespmem:s21+$0x30] =	vst v0  }
0xd1: {  	v0 =	vld.idx.msk [tilespmem:v2+s2+$0x0], $0xffff  }
0xd2: {  	v2 =	vadd.s32 v26, v1;
	_ =	sdelay $0x3  }
0xd3: {  	[tilespmem:s21+$0x40] =	vst v0  }
0xd4: {  	v0 =	vld.idx.msk [tilespmem:v2+s2+$0x0], $0xffff  }
0xd5: {  	v2 =	vadd.s32 v25, v1;
	_ =	sdelay $0x3  }
0xd6: {  	[tilespmem:s21+$0x50] =	vst v0  }
0xd7: {  	v0 =	vld.idx.msk [tilespmem:v2+s2+$0x0], $0xffff  }
0xd8: {  	v2 =	vadd.s32 v29, v1;
	_ =	sdelay $0x3  }
0xd9: {  	[tilespmem:s21+$0x60] =	vst v0  }
0xda: {  	v0 =	vld.idx.msk [tilespmem:v2+s2+$0x0], $0xffff  }
0xdb: {  	v2 =	vadd.s32 v28, v1;
	_ =	sdelay $0x3  }
0xdc: {  	[tilespmem:s21+$0x70] =	vst v0  }
0xdd: {  	v0 =	vld.idx.msk [tilespmem:v2+s2+$0x0], $0xffff  }
0xde: {  	v2 =	vadd.s32 v31, v1;
	_ =	sdelay $0x3  }
0xdf: {  	[tilespmem:s21+$0x80] =	vst v0  }
0xe0: {  	v0 =	vld.idx.msk [tilespmem:v2+s2+$0x0], $0xffff  }
0xe1: {  	v2 =	vadd.s32 v30, v1;
	_ =	sdelay $0x3  }
0xe2: {  	[tilespmem:s21+$0x90] =	vst v0  }
0xe3: {  	v0 =	vld.idx.msk [tilespmem:v2+s2+$0x0], $0xffff  }
0xe4: {  	v2 =	vadd.s32 v8, v1;
	_ =	sdelay $0x3  }
0xe5: {  	[tilespmem:s21+$0xA0] =	vst v0  }
0xe6: {  	v0 =	vld.idx.msk [tilespmem:v2+s2+$0x0], $0xffff  }
0xe7: {  	v2 =	vld [tilespmem:$0x1FFA0];
	_ =	sdelay $0x4  }
0xe8: {  	v2 =	vadd.s32 v2, v1;
	_ =	sdelay $0x3  }
0xe9: {  	[tilespmem:s21+$0xB0] =	vst v0  }
0xea: {  	v0 =	vld.idx.msk [tilespmem:v2+s2+$0x0], $0xffff  }
0xeb: {  	v2 =	vadd.s32 v3, v1;
	_ =	sdelay $0x3  }
0xec: {  	[tilespmem:s21+$0xC0] =	vst v0  }
0xed: {  	v0 =	vld.idx.msk [tilespmem:v2+s2+$0x0], $0xffff  }
0xee: {  	v2 =	vld [tilespmem:$0x1FFB0];
	_ =	sdelay $0x4  }
0xef: {  	v2 =	vadd.s32 v2, v1;
	_ =	sdelay $0x3  }
0xf0: {  	[tilespmem:s21+$0xD0] =	vst v0  }
0xf1: {  	v0 =	vld.idx.msk [tilespmem:v2+s2+$0x0], $0xffff  }
0xf2: {  	p0 =	sne.s32 s22, $0x31;
	v2 =	vadd.s32 v32, v1  }
.Ltmp0:
0xf3: {  	_ = 	snop;
	(pc) =	sbr.rel @p0 .LBB2_2-.Ltmp0, $3  }
0xf4: {  	_ =	sdelay $0x1  }
0xf5: {  	[tilespmem:s21+$0xE0] =	vst v0  }
0xf6: {  	v1 =	vmov s22;
	s22 =	sadd.s32 $0x1, s22;
	v0 =	vld.idx.msk [tilespmem:v2+s2+$0x0], $0xffff  }
0xf7: {  	v2 =	vld [tilespmem:$0x1FFC0];
	_ =	sdelay $0x3  }
0xf8: {  	v1 =	vand.u32 $0x3F, v1  }
0xf9: {  	v2 =	vadd.s32 v2, v1;
	_ =	sdelay $0x3  }
0xfa: {  	[tilespmem:s21+$0xF0] =	vst v0  }
0xfb: {  	v0 =	vld.idx.msk [tilespmem:v2+s2+$0x0], $0xffff  }
0xfc: {  	v2 =	vadd.s32 v4, v1;
	_ =	sdelay $0x2  }
0xfd: {  	s31 =	sadd.s32 $0x200, s21  }
0xfe: {  	[tilespmem:s31+$0xFFFFFF00] =	vst v0  }
0xff: {  	v0 =	vld.idx.msk [tilespmem:v2+s2+$0x0], $0xffff  }
0x100: {  	v2 =	vadd.s32 v5, v1;
	_ =	sdelay $0x3  }
0x101: {  	[tilespmem:s31+$0xFFFFFF10] =	vst v0  }
0x102: {  	v0 =	vld.idx.msk [tilespmem:v2+s2+$0x0], $0xffff  }
0x103: {  	v2 =	vadd.s32 v6, v1;
	_ =	sdelay $0x3  }
0x104: {  	[tilespmem:s31+$0xFFFFFF20] =	vst v0  }
0x105: {  	v0 =	vld.idx.msk [tilespmem:v2+s2+$0x0], $0xffff  }
0x106: {  	v2 =	vadd.s32 v7, v1;
	_ =	sdelay $0x3  }
0x107: {  	[tilespmem:s31+$0xFFFFFF30] =	vst v0  }
0x108: {  	v0 =	vld.idx.msk [tilespmem:v2+s2+$0x0], $0xffff  }
0x109: {  	v2 =	vadd.s32 v10, v1;
	_ =	sdelay $0x3  }
0x10a: {  	[tilespmem:s31+$0xFFFFFF40] =	vst v0  }
0x10b: {  	v0 =	vld.idx.msk [tilespmem:v2+s2+$0x0], $0xffff  }
0x10c: {  	v2 =	vadd.s32 v9, v1;
	_ =	sdelay $0x3  }
0x10d: {  	[tilespmem:s31+$0xFFFFFF50] =	vst v0  }
0x10e: {  	v0 =	vld.idx.msk [tilespmem:v2+s2+$0x0], $0xffff  }
0x10f: {  	v2 =	vadd.s32 v12, v1;
	_ =	sdelay $0x3  }
0x110: {  	[tilespmem:s31+$0xFFFFFF60] =	vst v0  }
0x111: {  	v0 =	vld.idx.msk [tilespmem:v2+s2+$0x0], $0xffff  }
0x112: {  	v2 =	vadd.s32 v11, v1;
	_ =	sdelay $0x3  }
0x113: {  	[tilespmem:s31+$0xFFFFFF70] =	vst v0  }
0x114: {  	v0 =	vld.idx.msk [tilespmem:v2+s2+$0x0], $0xffff  }
0x115: {  	v2 =	vadd.s32 v14, v1;
	_ =	sdelay $0x3  }
0x116: {  	[tilespmem:s31+$0xFFFFFF80] =	vst v0  }
0x117: {  	v0 =	vld.idx.msk [tilespmem:v2+s2+$0x0], $0xffff  }
0x118: {  	v2 =	vadd.s32 v13, v1;
	_ =	sdelay $0x3  }
0x119: {  	[tilespmem:s31+$0xFFFFFF90] =	vst v0  }
0x11a: {  	v0 =	vld.idx.msk [tilespmem:v2+s2+$0x0], $0xffff  }
0x11b: {  	v2 =	vadd.s32 v16, v1;
	_ =	sdelay $0x3  }
0x11c: {  	[tilespmem:s31+$0xFFFFFFA0] =	vst v0  }
0x11d: {  	v0 =	vld.idx.msk [tilespmem:v2+s2+$0x0], $0xffff  }
0x11e: {  	v2 =	vadd.s32 v15, v1;
	_ =	sdelay $0x3  }
0x11f: {  	[tilespmem:s31+$0xFFFFFFB0] =	vst v0  }
0x120: {  	v0 =	vld.idx.msk [tilespmem:v2+s2+$0x0], $0xffff  }
0x121: {  	v2 =	vadd.s32 v18, v1;
	_ =	sdelay $0x3  }
0x122: {  	[tilespmem:s31+$0xFFFFFFC0] =	vst v0  }
0x123: {  	v0 =	vld.idx.msk [tilespmem:v2+s2+$0x0], $0xffff  }
0x124: {  	v2 =	vadd.s32 v17, v1;
	_ =	sdelay $0x3  }
0x125: {  	[tilespmem:s31+$0xFFFFFFD0] =	vst v0  }
0x126: {  	v0 =	vld.idx.msk [tilespmem:v2+s2+$0x0], $0xffff  }
0x127: {  	v2 =	vadd.s32 v20, v1;
	_ =	sdelay $0x3  }
0x128: {  	[tilespmem:s31+$0xFFFFFFE0] =	vst v0  }
0x129: {  	v0 =	vld.idx.msk [tilespmem:v2+s2+$0x0], $0xffff  }
0x12a: {  	v2 =	vadd.s32 v19, v1;
	_ =	sdelay $0x3  }
0x12b: {  	[tilespmem:s31+$0xFFFFFFF0] =	vst v0  }
0x12c: {  	v0 =	vld.idx.msk [tilespmem:v2+s2+$0x0], $0xffff  }
0x12d: {  	v2 =	vadd.s32 v22, v1;
	_ =	sdelay $0x3  }
0x12e: {  	[tilespmem:s31+$0x0] =	vst v0  }
0x12f: {  	v0 =	vld.idx.msk [tilespmem:v2+s2+$0x0], $0xffff  }
0x130: {  	v2 =	vadd.s32 v21, v1;
	_ =	sdelay $0x3  }
0x131: {  	[tilespmem:s31+$0x10] =	vst v0  }
0x132: {  	v0 =	vld.idx.msk [tilespmem:v2+s2+$0x0], $0xffff  }
0x133: {  	v2 =	vadd.s32 v24, v1;
	_ =	sdelay $0x3  }
0x134: {  	[tilespmem:s31+$0x20] =	vst v0  }
0x135: {  	v0 =	vld.idx.msk [tilespmem:v2+s2+$0x0], $0xffff  }
0x136: {  	v2 =	vadd.s32 v23, v1;
	_ =	sdelay $0x3  }
0x137: {  	[tilespmem:s31+$0x30] =	vst v0  }
0x138: {  	v0 =	vld.idx.msk [tilespmem:v2+s2+$0x0], $0xffff  }
0x139: {  	v2 =	vadd.s32 v26, v1;
	_ =	sdelay $0x3  }
0x13a: {  	[tilespmem:s31+$0x40] =	vst v0  }
0x13b: {  	v0 =	vld.idx.msk [tilespmem:v2+s2+$0x0], $0xffff  }
0x13c: {  	v2 =	vadd.s32 v25, v1;
	_ =	sdelay $0x3  }
0x13d: {  	[tilespmem:s31+$0x50] =	vst v0  }
0x13e: {  	v0 =	vld.idx.msk [tilespmem:v2+s2+$0x0], $0xffff  }
0x13f: {  	v2 =	vadd.s32 v29, v1;
	_ =	sdelay $0x3  }
0x140: {  	[tilespmem:s31+$0x60] =	vst v0  }
0x141: {  	v0 =	vld.idx.msk [tilespmem:v2+s2+$0x0], $0xffff  }
0x142: {  	v2 =	vadd.s32 v28, v1;
	_ =	sdelay $0x3  }
0x143: {  	[tilespmem:s31+$0x70] =	vst v0  }
0x144: {  	v0 =	vld.idx.msk [tilespmem:v2+s2+$0x0], $0xffff  }
0x145: {  	v2 =	vadd.s32 v31, v1;
	_ =	sdelay $0x3  }
0x146: {  	[tilespmem:s31+$0x80] =	vst v0  }
0x147: {  	v0 =	vld.idx.msk [tilespmem:v2+s2+$0x0], $0xffff  }
0x148: {  	v2 =	vadd.s32 v30, v1;
	_ =	sdelay $0x3  }
0x149: {  	[tilespmem:s31+$0x90] =	vst v0  }
0x14a: {  	v0 =	vld.idx.msk [tilespmem:v2+s2+$0x0], $0xffff  }
0x14b: {  	v2 =	vadd.s32 v8, v1;
	_ =	sdelay $0x3  }
0x14c: {  	[tilespmem:s31+$0xA0] =	vst v0  }
0x14d: {  	v0 =	vld.idx.msk [tilespmem:v2+s2+$0x0], $0xffff  }
0x14e: {  	v2 =	vld [tilespmem:$0x1FFA0];
	_ =	sdelay $0x4  }
0x14f: {  	v2 =	vadd.s32 v2, v1;
	_ =	sdelay $0x3  }
0x150: {  	[tilespmem:s31+$0xB0] =	vst v0  }
0x151: {  	v0 =	vld.idx.msk [tilespmem:v2+s2+$0x0], $0xffff  }
0x152: {  	v2 =	vadd.s32 v3, v1;
	_ =	sdelay $0x3  }
0x153: {  	[tilespmem:s31+$0xC0] =	vst v0  }
0x154: {  	v0 =	vld.idx.msk [tilespmem:v2+s2+$0x0], $0xffff  }
0x155: {  	v2 =	vld [tilespmem:$0x1FFB0];
	_ =	sdelay $0x4  }
0x156: {  	v2 =	vadd.s32 v2, v1;
	_ =	sdelay $0x3  }
0x157: {  	[tilespmem:s31+$0xD0] =	vst v0  }
0x158: {  	v0 =	vld.idx.msk [tilespmem:v2+s2+$0x0], $0xffff  }
0x159: {  	v1 =	vadd.s32 v32, v1;
	_ =	sdelay $0x3  }
0x15a: {  	[tilespmem:s31+$0xE0] =	vst v0  }
0x15b: {  	v0 =	vld.idx.msk [tilespmem:v1+s2+$0x0], $0xffff;
	_ =	sdelay $0x3  }
0x15c: {  	v5 =	vmov v6;
	v7 =	vmov v10;
	v9 =	vmov v12  }
0x15d: {  	s22 =	simm.s32 $0x0;
	s21 =	simm.s32 $0x0;
	v11 =	vmovc v14;
	v13 =	vmovc v16;
	v15 =	vmov v18;
	v17 =	vmov v20;
	v19 =	vmov v22;
	[tilespmem:s31+$0xF0] =	vst v0  }
0x15e: {  	v21 =	vmovc v24;
	v23 =	vmovc v26;
	v25 =	vmov v29;
	v28 =	vmov v31;
	v32 =	vmov v8;
	[tilespmem:s11], [sflag:$0x1] =	stream.indirect.gather [hbm4b:s3+s9], $0x20, s10, s9, $0xb8;
	[tilespmem:$0x1D400] =	vst v63  }
.LBB2_4:
0x15f: {  	s23 =	sshllo.u32 s22, $0x1  }
0x160: {  	s24 =	sshll.u32 s23, $0x9  }
0x161: {  	v0 =	vmov s21;
	s24 =	sand.u32 $0x3FFFFE00, s24  }
0x162: {  	v0 =	vand.u32 $0x1F, v0;
	s24 =	sadd.s32 $0x7000, s24  }
0x163: {  	v0 =	vbroadcast v0, $0x0;
	[tilespmem:s12], [sflag:$0x2] =	stream.indirect.gather [hbm4b:s3+s9], $0x20, s24, s9, $0xb8;
	[tilespmem:$0x1D400] =	vst v63  }
0x164: {  	_ =	swait.ge [sflag:s13], $0x4000  }
0x165: {  	p0 =	seq.s32 s22, $0x0;
	v1 =	vor.u32 v27, v0;
	[sflag:s13] =	ssyncset.done $0x0  }
0x166: {  	s24 =	simm.s32 @!p0 $0x3;
	[sflag:s13] =	ssyncadd.s32 $0xFFFFC000  }
0x167: {  	_ =	swait.ge @!p0 [sflag:s24], $0x4000  }
0x168: {  	[sflag:s24] =	ssyncset.done @!p0 $0x0  }
0x169: {  	[sflag:s24] =	ssyncadd.s32 @!p0 $0xFFFFC000  }
0x16a: {  	v1 =	vld.idx.msk [tilespmem:v1+s11+$0x0], $0xffff  }
0x16b: {  	v2 =	vor.u32 v33, v0;
	_ =	sdelay $0x2  }
0x16c: {  	s24 =	simm.s32 $0x15500  }
0x16d: {  	[tilespmem:s24+$0xFFFFFF00] =	vst v1  }
0x16e: {  	v1 =	vld.idx.msk [tilespmem:v2+s11+$0x0], $0xffff  }
0x16f: {  	v2 =	vor.u32 v34, v0;
	_ =	sdelay $0x3  }
0x170: {  	[tilespmem:s24+$0xFFFFFF10] =	vst v1  }
0x171: {  	v1 =	vld.idx.msk [tilespmem:v2+s11+$0x0], $0xffff  }
0x172: {  	v2 =	vor.u32 v35, v0;
	_ =	sdelay $0x3  }
0x173: {  	[tilespmem:s24+$0xFFFFFF20] =	vst v1  }
0x174: {  	v1 =	vld.idx.msk [tilespmem:v2+s11+$0x0], $0xffff  }
0x175: {  	v2 =	vor.u32 v36, v0;
	_ =	sdelay $0x3  }
0x176: {  	[tilespmem:s24+$0xFFFFFF30] =	vst v1  }
0x177: {  	v1 =	vld.idx.msk [tilespmem:v2+s11+$0x0], $0xffff  }
0x178: {  	v2 =	vor.u32 v37, v0;
	_ =	sdelay $0x3  }
0x179: {  	[tilespmem:s24+$0xFFFFFF40] =	vst v1  }
0x17a: {  	v1 =	vld.idx.msk [tilespmem:v2+s11+$0x0], $0xffff  }
0x17b: {  	v2 =	vor.u32 v38, v0;
	_ =	sdelay $0x3  }
0x17c: {  	[tilespmem:s24+$0xFFFFFF50] =	vst v1  }
0x17d: {  	v1 =	vld.idx.msk [tilespmem:v2+s11+$0x0], $0xffff  }
0x17e: {  	v2 =	vor.u32 v39, v0;
	_ =	sdelay $0x3  }
0x17f: {  	[tilespmem:s24+$0xFFFFFF60] =	vst v1  }
0x180: {  	v1 =	vld.idx.msk [tilespmem:v2+s11+$0x0], $0xffff  }
0x181: {  	v2 =	vor.u32 v40, v0;
	_ =	sdelay $0x3  }
0x182: {  	[tilespmem:s24+$0xFFFFFF70] =	vst v1  }
0x183: {  	v1 =	vld.idx.msk [tilespmem:v2+s11+$0x0], $0xffff  }
0x184: {  	v2 =	vor.u32 v41, v0;
	_ =	sdelay $0x3  }
0x185: {  	[tilespmem:s24+$0xFFFFFF80] =	vst v1  }
0x186: {  	v1 =	vld.idx.msk [tilespmem:v2+s11+$0x0], $0xffff  }
0x187: {  	v2 =	vor.u32 v42, v0;
	_ =	sdelay $0x3  }
0x188: {  	[tilespmem:s24+$0xFFFFFF90] =	vst v1  }
0x189: {  	v1 =	vld.idx.msk [tilespmem:v2+s11+$0x0], $0xffff  }
0x18a: {  	v2 =	vor.u32 v43, v0;
	_ =	sdelay $0x3  }
0x18b: {  	[tilespmem:s24+$0xFFFFFFA0] =	vst v1  }
0x18c: {  	v1 =	vld.idx.msk [tilespmem:v2+s11+$0x0], $0xffff  }
0x18d: {  	v2 =	vor.u32 v44, v0;
	_ =	sdelay $0x3  }
0x18e: {  	[tilespmem:s24+$0xFFFFFFB0] =	vst v1  }
0x18f: {  	v1 =	vld.idx.msk [tilespmem:v2+s11+$0x0], $0xffff  }
0x190: {  	v2 =	vor.u32 v45, v0;
	_ =	sdelay $0x3  }
0x191: {  	[tilespmem:s24+$0xFFFFFFC0] =	vst v1  }
0x192: {  	v1 =	vld.idx.msk [tilespmem:v2+s11+$0x0], $0xffff  }
0x193: {  	v2 =	vor.u32 v46, v0;
	_ =	sdelay $0x3  }
0x194: {  	[tilespmem:s24+$0xFFFFFFD0] =	vst v1  }
0x195: {  	v1 =	vld.idx.msk [tilespmem:v2+s11+$0x0], $0xffff  }
0x196: {  	v2 =	vor.u32 v47, v0;
	_ =	sdelay $0x3  }
0x197: {  	[tilespmem:s24+$0xFFFFFFE0] =	vst v1  }
0x198: {  	v1 =	vld.idx.msk [tilespmem:v2+s11+$0x0], $0xffff  }
0x199: {  	v2 =	vor.u32 v48, v0;
	_ =	sdelay $0x3  }
0x19a: {  	[tilespmem:s24+$0xFFFFFFF0] =	vst v1  }
0x19b: {  	v1 =	vld.idx.msk [tilespmem:v2+s11+$0x0], $0xffff  }
0x19c: {  	v2 =	vor.u32 v49, v0;
	_ =	sdelay $0x3  }
0x19d: {  	[tilespmem:s24+$0x0] =	vst v1  }
0x19e: {  	v1 =	vld.idx.msk [tilespmem:v2+s11+$0x0], $0xffff  }
0x19f: {  	v2 =	vor.u32 v50, v0;
	_ =	sdelay $0x3  }
0x1a0: {  	[tilespmem:s24+$0x10] =	vst v1  }
0x1a1: {  	v1 =	vld.idx.msk [tilespmem:v2+s11+$0x0], $0xffff  }
0x1a2: {  	v2 =	vor.u32 v51, v0;
	_ =	sdelay $0x3  }
0x1a3: {  	[tilespmem:s24+$0x20] =	vst v1  }
0x1a4: {  	v1 =	vld.idx.msk [tilespmem:v2+s11+$0x0], $0xffff  }
0x1a5: {  	v2 =	vor.u32 v52, v0;
	_ =	sdelay $0x3  }
0x1a6: {  	[tilespmem:s24+$0x30] =	vst v1  }
0x1a7: {  	v1 =	vld.idx.msk [tilespmem:v2+s11+$0x0], $0xffff  }
0x1a8: {  	v2 =	vor.u32 v53, v0;
	_ =	sdelay $0x3  }
0x1a9: {  	[tilespmem:s24+$0x40] =	vst v1  }
0x1aa: {  	v1 =	vld.idx.msk [tilespmem:v2+s11+$0x0], $0xffff  }
0x1ab: {  	v2 =	vor.u32 v54, v0;
	_ =	sdelay $0x3  }
0x1ac: {  	[tilespmem:s24+$0x50] =	vst v1  }
0x1ad: {  	v1 =	vld.idx.msk [tilespmem:v2+s11+$0x0], $0xffff  }
0x1ae: {  	v2 =	vor.u32 v55, v0;
	_ =	sdelay $0x3  }
0x1af: {  	[tilespmem:s24+$0x60] =	vst v1  }
0x1b0: {  	v1 =	vld.idx.msk [tilespmem:v2+s11+$0x0], $0xffff  }
0x1b1: {  	v2 =	vor.u32 v56, v0;
	_ =	sdelay $0x3  }
0x1b2: {  	[tilespmem:s24+$0x70] =	vst v1  }
0x1b3: {  	v1 =	vld.idx.msk [tilespmem:v2+s11+$0x0], $0xffff  }
0x1b4: {  	v2 =	vor.u32 v57, v0;
	_ =	sdelay $0x3  }
0x1b5: {  	[tilespmem:s24+$0x80] =	vst v1  }
0x1b6: {  	v1 =	vld.idx.msk [tilespmem:v2+s11+$0x0], $0xffff  }
0x1b7: {  	v2 =	vor.u32 v58, v0;
	_ =	sdelay $0x3  }
0x1b8: {  	[tilespmem:s24+$0x90] =	vst v1  }
0x1b9: {  	v1 =	vld.idx.msk [tilespmem:v2+s11+$0x0], $0xffff  }
0x1ba: {  	v2 =	vor.u32 v59, v0;
	_ =	sdelay $0x3  }
0x1bb: {  	[tilespmem:s24+$0xA0] =	vst v1  }
0x1bc: {  	v1 =	vld.idx.msk [tilespmem:v2+s11+$0x0], $0xffff  }
0x1bd: {  	v2 =	vor.u32 v60, v0;
	_ =	sdelay $0x3  }
0x1be: {  	[tilespmem:s24+$0xB0] =	vst v1  }
0x1bf: {  	v1 =	vld.idx.msk [tilespmem:v2+s11+$0x0], $0xffff  }
0x1c0: {  	v2 =	vor.u32 v61, v0;
	_ =	sdelay $0x3  }
0x1c1: {  	[tilespmem:s24+$0xC0] =	vst v1  }
0x1c2: {  	v1 =	vld.idx.msk [tilespmem:v2+s11+$0x0], $0xffff  }
0x1c3: {  	v2 =	vor.u32 v62, v0;
	_ =	sdelay $0x3  }
0x1c4: {  	[tilespmem:s24+$0xD0] =	vst v1  }
0x1c5: {  	v2 =	vld.idx.msk [tilespmem:v2+s11+$0x0], $0xffff  }
0x1c6: {  	v0 =	vor.u32 v63, v0;
	_ =	sdelay $0x1  }
0x1c7: {  	s25 =	simm.s32 $0x1  }
0x1c8: {  	v1 =	vmov s25;
	s25 =	simm.s32 $0x2  }
.LBB2_5:
0x1c9: {  	p1 =	sne.s32 s25, $0x1F;
	v1 =	vand.u32 $0x1F, v1;
	[tilespmem:s24+$0xE0] =	vst v2  }
0x1ca: {  	v1 =	vbroadcast v1, $0x0;
	v0 =	vld.idx.msk [tilespmem:v0+s11+$0x0], $0xffff;
	_ =	sdelay $0x1  }
0x1cb: {  	v2 =	vor.u32 v27, v1;
	_ =	sdelay $0x3  }
0x1cc: {  	[tilespmem:s24+$0xF0] =	vst v0  }
0x1cd: {  	v0 =	vld.idx.msk [tilespmem:v2+s11+$0x0], $0xffff;
	_ =	sdelay $0x1  }
0x1ce: {  	v2 =	vor.u32 v33, v1;
	_ =	sdelay $0x2  }
0x1cf: {  	s24 =	sadd.s32 $0x200, s24  }
0x1d0: {  	[tilespmem:s24+$0xFFFFFF00] =	vst v0  }
0x1d1: {  	v0 =	vld.idx.msk [tilespmem:v2+s11+$0x0], $0xffff;
	_ =	sdelay $0x1  }
0x1d2: {  	v2 =	vor.u32 v34, v1;
	_ =	sdelay $0x3  }
0x1d3: {  	[tilespmem:s24+$0xFFFFFF10] =	vst v0  }
0x1d4: {  	v0 =	vld.idx.msk [tilespmem:v2+s11+$0x0], $0xffff;
	_ =	sdelay $0x1  }
0x1d5: {  	v2 =	vor.u32 v35, v1;
	_ =	sdelay $0x3  }
0x1d6: {  	[tilespmem:s24+$0xFFFFFF20] =	vst v0  }
0x1d7: {  	v0 =	vld.idx.msk [tilespmem:v2+s11+$0x0], $0xffff;
	_ =	sdelay $0x1  }
0x1d8: {  	v2 =	vor.u32 v36, v1;
	_ =	sdelay $0x3  }
0x1d9: {  	[tilespmem:s24+$0xFFFFFF30] =	vst v0  }
0x1da: {  	v0 =	vld.idx.msk [tilespmem:v2+s11+$0x0], $0xffff;
	_ =	sdelay $0x1  }
0x1db: {  	v2 =	vor.u32 v37, v1;
	_ =	sdelay $0x3  }
0x1dc: {  	[tilespmem:s24+$0xFFFFFF40] =	vst v0  }
0x1dd: {  	v0 =	vld.idx.msk [tilespmem:v2+s11+$0x0], $0xffff;
	_ =	sdelay $0x1  }
0x1de: {  	v2 =	vor.u32 v38, v1;
	_ =	sdelay $0x3  }
0x1df: {  	[tilespmem:s24+$0xFFFFFF50] =	vst v0  }
0x1e0: {  	v0 =	vld.idx.msk [tilespmem:v2+s11+$0x0], $0xffff;
	_ =	sdelay $0x1  }
0x1e1: {  	v2 =	vor.u32 v39, v1;
	_ =	sdelay $0x3  }
0x1e2: {  	[tilespmem:s24+$0xFFFFFF60] =	vst v0  }
0x1e3: {  	v0 =	vld.idx.msk [tilespmem:v2+s11+$0x0], $0xffff;
	_ =	sdelay $0x1  }
0x1e4: {  	v2 =	vor.u32 v40, v1;
	_ =	sdelay $0x3  }
0x1e5: {  	[tilespmem:s24+$0xFFFFFF70] =	vst v0  }
0x1e6: {  	v0 =	vld.idx.msk [tilespmem:v2+s11+$0x0], $0xffff;
	_ =	sdelay $0x1  }
0x1e7: {  	v2 =	vor.u32 v41, v1;
	_ =	sdelay $0x3  }
0x1e8: {  	[tilespmem:s24+$0xFFFFFF80] =	vst v0  }
0x1e9: {  	v0 =	vld.idx.msk [tilespmem:v2+s11+$0x0], $0xffff;
	_ =	sdelay $0x1  }
0x1ea: {  	v2 =	vor.u32 v42, v1;
	_ =	sdelay $0x3  }
0x1eb: {  	[tilespmem:s24+$0xFFFFFF90] =	vst v0  }
0x1ec: {  	v0 =	vld.idx.msk [tilespmem:v2+s11+$0x0], $0xffff;
	_ =	sdelay $0x1  }
0x1ed: {  	v2 =	vor.u32 v43, v1;
	_ =	sdelay $0x3  }
0x1ee: {  	[tilespmem:s24+$0xFFFFFFA0] =	vst v0  }
0x1ef: {  	v0 =	vld.idx.msk [tilespmem:v2+s11+$0x0], $0xffff;
	_ =	sdelay $0x1  }
0x1f0: {  	v2 =	vor.u32 v44, v1;
	_ =	sdelay $0x3  }
0x1f1: {  	[tilespmem:s24+$0xFFFFFFB0] =	vst v0  }
0x1f2: {  	v0 =	vld.idx.msk [tilespmem:v2+s11+$0x0], $0xffff;
	_ =	sdelay $0x1  }
0x1f3: {  	v2 =	vor.u32 v45, v1;
	_ =	sdelay $0x3  }
0x1f4: {  	[tilespmem:s24+$0xFFFFFFC0] =	vst v0  }
0x1f5: {  	v0 =	vld.idx.msk [tilespmem:v2+s11+$0x0], $0xffff;
	_ =	sdelay $0x1  }
0x1f6: {  	v2 =	vor.u32 v46, v1;
	_ =	sdelay $0x3  }
0x1f7: {  	[tilespmem:s24+$0xFFFFFFD0] =	vst v0  }
0x1f8: {  	v0 =	vld.idx.msk [tilespmem:v2+s11+$0x0], $0xffff;
	_ =	sdelay $0x1  }
0x1f9: {  	v2 =	vor.u32 v47, v1;
	_ =	sdelay $0x3  }
0x1fa: {  	[tilespmem:s24+$0xFFFFFFE0] =	vst v0  }
0x1fb: {  	v0 =	vld.idx.msk [tilespmem:v2+s11+$0x0], $0xffff;
	_ =	sdelay $0x1  }
0x1fc: {  	v2 =	vor.u32 v48, v1;
	_ =	sdelay $0x3  }
0x1fd: {  	[tilespmem:s24+$0xFFFFFFF0] =	vst v0  }
0x1fe: {  	v0 =	vld.idx.msk [tilespmem:v2+s11+$0x0], $0xffff;
	_ =	sdelay $0x1  }
0x1ff: {  	v2 =	vor.u32 v49, v1;
	_ =	sdelay $0x3  }
0x200: {  	[tilespmem:s24+$0x0] =	vst v0  }
0x201: {  	v0 =	vld.idx.msk [tilespmem:v2+s11+$0x0], $0xffff;
	_ =	sdelay $0x1  }
0x202: {  	v2 =	vor.u32 v50, v1;
	_ =	sdelay $0x3  }
0x203: {  	[tilespmem:s24+$0x10] =	vst v0  }
0x204: {  	v0 =	vld.idx.msk [tilespmem:v2+s11+$0x0], $0xffff;
	_ =	sdelay $0x1  }
0x205: {  	v2 =	vor.u32 v51, v1;
	_ =	sdelay $0x3  }
0x206: {  	[tilespmem:s24+$0x20] =	vst v0  }
0x207: {  	v0 =	vld.idx.msk [tilespmem:v2+s11+$0x0], $0xffff;
	_ =	sdelay $0x1  }
0x208: {  	v2 =	vor.u32 v52, v1;
	_ =	sdelay $0x3  }
0x209: {  	[tilespmem:s24+$0x30] =	vst v0  }
0x20a: {  	v0 =	vld.idx.msk [tilespmem:v2+s11+$0x0], $0xffff;
	_ =	sdelay $0x1  }
0x20b: {  	v2 =	vor.u32 v53, v1;
	_ =	sdelay $0x3  }
0x20c: {  	[tilespmem:s24+$0x40] =	vst v0  }
0x20d: {  	v0 =	vld.idx.msk [tilespmem:v2+s11+$0x0], $0xffff;
	_ =	sdelay $0x1  }
0x20e: {  	v2 =	vor.u32 v54, v1;
	_ =	sdelay $0x3  }
0x20f: {  	[tilespmem:s24+$0x50] =	vst v0  }
0x210: {  	v0 =	vld.idx.msk [tilespmem:v2+s11+$0x0], $0xffff;
	_ =	sdelay $0x1  }
0x211: {  	v2 =	vor.u32 v55, v1;
	_ =	sdelay $0x3  }
0x212: {  	[tilespmem:s24+$0x60] =	vst v0  }
0x213: {  	v0 =	vld.idx.msk [tilespmem:v2+s11+$0x0], $0xffff;
	_ =	sdelay $0x1  }
0x214: {  	v2 =	vor.u32 v56, v1;
	_ =	sdelay $0x3  }
0x215: {  	[tilespmem:s24+$0x70] =	vst v0  }
0x216: {  	v0 =	vld.idx.msk [tilespmem:v2+s11+$0x0], $0xffff;
	_ =	sdelay $0x1  }
0x217: {  	v2 =	vor.u32 v57, v1;
	_ =	sdelay $0x3  }
0x218: {  	[tilespmem:s24+$0x80] =	vst v0  }
0x219: {  	v0 =	vld.idx.msk [tilespmem:v2+s11+$0x0], $0xffff;
	_ =	sdelay $0x1  }
0x21a: {  	v2 =	vor.u32 v58, v1;
	_ =	sdelay $0x3  }
0x21b: {  	[tilespmem:s24+$0x90] =	vst v0  }
0x21c: {  	v0 =	vld.idx.msk [tilespmem:v2+s11+$0x0], $0xffff;
	_ =	sdelay $0x1  }
0x21d: {  	v2 =	vor.u32 v59, v1;
	_ =	sdelay $0x3  }
0x21e: {  	[tilespmem:s24+$0xA0] =	vst v0  }
0x21f: {  	v0 =	vld.idx.msk [tilespmem:v2+s11+$0x0], $0xffff;
	_ =	sdelay $0x1  }
0x220: {  	v2 =	vor.u32 v60, v1;
	_ =	sdelay $0x3  }
0x221: {  	[tilespmem:s24+$0xB0] =	vst v0  }
0x222: {  	v0 =	vld.idx.msk [tilespmem:v2+s11+$0x0], $0xffff;
	_ =	sdelay $0x1  }
0x223: {  	v2 =	vor.u32 v61, v1;
	_ =	sdelay $0x3  }
0x224: {  	[tilespmem:s24+$0xC0] =	vst v0  }
0x225: {  	v0 =	vld.idx.msk [tilespmem:v2+s11+$0x0], $0xffff;
	_ =	sdelay $0x1  }
0x226: {  	v2 =	vor.u32 v62, v1;
	_ =	sdelay $0x3  }
0x227: {  	[tilespmem:s24+$0xD0] =	vst v0  }
0x228: {  	v2 =	vld.idx.msk [tilespmem:v2+s11+$0x0], $0xffff  }
.Ltmp1:
0x229: {  	(pc) =	sbr.rel @p1 .LBB2_5-.Ltmp1, $2  }
0x22a: {  	v0 =	vor.u32 v63, v1;
	_ =	sdelay $0x2  }
0x22b: {  	v1 =	vmov s25;
	s25 =	sadd.s32 $0x1, s25  }
0x22c: {  	_ =	sdelay $0x1  }
0x22d: {  	v1 =	vand.u32 $0x1F, v1  }
0x22e: {  	[tilespmem:s24+$0xE0] =	vst v2;
	v1 =	vbroadcast v1, $0x0  }
0x22f: {  	v0 =	vld.idx.msk [tilespmem:v0+s11+$0x0], $0xffff  }
0x230: {  	v2 =	vor.u32 v27, v1;
	_ =	sdelay $0x3  }
0x231: {  	[tilespmem:s24+$0xF0] =	vst v0  }
0x232: {  	v0 =	vld.idx.msk [tilespmem:v2+s11+$0x0], $0xffff  }
0x233: {  	v2 =	vor.u32 v33, v1;
	_ =	sdelay $0x2  }
0x234: {  	s30 =	sadd.s32 $0x200, s24  }
0x235: {  	[tilespmem:s30+$0xFFFFFF00] =	vst v0  }
0x236: {  	v0 =	vld.idx.msk [tilespmem:v2+s11+$0x0], $0xffff  }
0x237: {  	v2 =	vor.u32 v34, v1;
	_ =	sdelay $0x3  }
0x238: {  	[tilespmem:s30+$0xFFFFFF10] =	vst v0  }
0x239: {  	v0 =	vld.idx.msk [tilespmem:v2+s11+$0x0], $0xffff  }
0x23a: {  	v2 =	vor.u32 v35, v1;
	_ =	sdelay $0x3  }
0x23b: {  	[tilespmem:s30+$0xFFFFFF20] =	vst v0  }
0x23c: {  	v0 =	vld.idx.msk [tilespmem:v2+s11+$0x0], $0xffff  }
0x23d: {  	v2 =	vor.u32 v36, v1;
	_ =	sdelay $0x3  }
0x23e: {  	[tilespmem:s30+$0xFFFFFF30] =	vst v0  }
0x23f: {  	v0 =	vld.idx.msk [tilespmem:v2+s11+$0x0], $0xffff  }
0x240: {  	v2 =	vor.u32 v37, v1;
	_ =	sdelay $0x3  }
0x241: {  	[tilespmem:s30+$0xFFFFFF40] =	vst v0  }
0x242: {  	v0 =	vld.idx.msk [tilespmem:v2+s11+$0x0], $0xffff  }
0x243: {  	v2 =	vor.u32 v38, v1;
	_ =	sdelay $0x3  }
0x244: {  	[tilespmem:s30+$0xFFFFFF50] =	vst v0  }
0x245: {  	v0 =	vld.idx.msk [tilespmem:v2+s11+$0x0], $0xffff  }
0x246: {  	v2 =	vor.u32 v39, v1;
	_ =	sdelay $0x3  }
0x247: {  	[tilespmem:s30+$0xFFFFFF60] =	vst v0  }
0x248: {  	v0 =	vld.idx.msk [tilespmem:v2+s11+$0x0], $0xffff  }
0x249: {  	v2 =	vor.u32 v40, v1;
	_ =	sdelay $0x3  }
0x24a: {  	[tilespmem:s30+$0xFFFFFF70] =	vst v0  }
0x24b: {  	v0 =	vld.idx.msk [tilespmem:v2+s11+$0x0], $0xffff  }
0x24c: {  	v2 =	vor.u32 v41, v1;
	_ =	sdelay $0x3  }
0x24d: {  	[tilespmem:s30+$0xFFFFFF80] =	vst v0  }
0x24e: {  	v0 =	vld.idx.msk [tilespmem:v2+s11+$0x0], $0xffff  }
0x24f: {  	v2 =	vor.u32 v42, v1;
	_ =	sdelay $0x3  }
0x250: {  	[tilespmem:s30+$0xFFFFFF90] =	vst v0  }
0x251: {  	v0 =	vld.idx.msk [tilespmem:v2+s11+$0x0], $0xffff  }
0x252: {  	v2 =	vor.u32 v43, v1;
	_ =	sdelay $0x3  }
0x253: {  	[tilespmem:s30+$0xFFFFFFA0] =	vst v0  }
0x254: {  	v0 =	vld.idx.msk [tilespmem:v2+s11+$0x0], $0xffff  }
0x255: {  	v2 =	vor.u32 v44, v1;
	_ =	sdelay $0x3  }
0x256: {  	[tilespmem:s30+$0xFFFFFFB0] =	vst v0  }
0x257: {  	v0 =	vld.idx.msk [tilespmem:v2+s11+$0x0], $0xffff  }
0x258: {  	v2 =	vor.u32 v45, v1;
	_ =	sdelay $0x3  }
0x259: {  	[tilespmem:s30+$0xFFFFFFC0] =	vst v0  }
0x25a: {  	v0 =	vld.idx.msk [tilespmem:v2+s11+$0x0], $0xffff  }
0x25b: {  	v2 =	vor.u32 v46, v1;
	_ =	sdelay $0x3  }
0x25c: {  	[tilespmem:s30+$0xFFFFFFD0] =	vst v0  }
0x25d: {  	v0 =	vld.idx.msk [tilespmem:v2+s11+$0x0], $0xffff  }
0x25e: {  	v2 =	vor.u32 v47, v1;
	_ =	sdelay $0x3  }
0x25f: {  	[tilespmem:s30+$0xFFFFFFE0] =	vst v0  }
0x260: {  	v0 =	vld.idx.msk [tilespmem:v2+s11+$0x0], $0xffff  }
0x261: {  	v2 =	vor.u32 v48, v1;
	_ =	sdelay $0x3  }
0x262: {  	[tilespmem:s30+$0xFFFFFFF0] =	vst v0  }
0x263: {  	v0 =	vld.idx.msk [tilespmem:v2+s11+$0x0], $0xffff  }
0x264: {  	v2 =	vor.u32 v49, v1;
	_ =	sdelay $0x3  }
0x265: {  	[tilespmem:s30+$0x0] =	vst v0  }
0x266: {  	v0 =	vld.idx.msk [tilespmem:v2+s11+$0x0], $0xffff  }
0x267: {  	v2 =	vor.u32 v50, v1;
	_ =	sdelay $0x3  }
0x268: {  	[tilespmem:s30+$0x10] =	vst v0  }
0x269: {  	v0 =	vld.idx.msk [tilespmem:v2+s11+$0x0], $0xffff  }
0x26a: {  	v2 =	vor.u32 v51, v1;
	_ =	sdelay $0x3  }
0x26b: {  	[tilespmem:s30+$0x20] =	vst v0  }
0x26c: {  	v0 =	vld.idx.msk [tilespmem:v2+s11+$0x0], $0xffff  }
0x26d: {  	v2 =	vor.u32 v52, v1;
	_ =	sdelay $0x3  }
0x26e: {  	[tilespmem:s30+$0x30] =	vst v0  }
0x26f: {  	v0 =	vld.idx.msk [tilespmem:v2+s11+$0x0], $0xffff  }
0x270: {  	v2 =	vor.u32 v53, v1;
	_ =	sdelay $0x3  }
0x271: {  	[tilespmem:s30+$0x40] =	vst v0  }
0x272: {  	v0 =	vld.idx.msk [tilespmem:v2+s11+$0x0], $0xffff  }
0x273: {  	v2 =	vor.u32 v54, v1;
	_ =	sdelay $0x3  }
0x274: {  	[tilespmem:s30+$0x50] =	vst v0  }
0x275: {  	v0 =	vld.idx.msk [tilespmem:v2+s11+$0x0], $0xffff  }
0x276: {  	v2 =	vor.u32 v55, v1;
	_ =	sdelay $0x3  }
0x277: {  	[tilespmem:s30+$0x60] =	vst v0  }
0x278: {  	v0 =	vld.idx.msk [tilespmem:v2+s11+$0x0], $0xffff  }
0x279: {  	v2 =	vor.u32 v56, v1;
	_ =	sdelay $0x3  }
0x27a: {  	[tilespmem:s30+$0x70] =	vst v0  }
0x27b: {  	v0 =	vld.idx.msk [tilespmem:v2+s11+$0x0], $0xffff  }
0x27c: {  	v2 =	vor.u32 v57, v1;
	_ =	sdelay $0x3  }
0x27d: {  	[tilespmem:s30+$0x80] =	vst v0  }
0x27e: {  	v0 =	vld.idx.msk [tilespmem:v2+s11+$0x0], $0xffff  }
0x27f: {  	v2 =	vor.u32 v58, v1;
	_ =	sdelay $0x3  }
0x280: {  	[tilespmem:s30+$0x90] =	vst v0  }
0x281: {  	v0 =	vld.idx.msk [tilespmem:v2+s11+$0x0], $0xffff  }
0x282: {  	v2 =	vor.u32 v59, v1;
	_ =	sdelay $0x3  }
0x283: {  	[tilespmem:s30+$0xA0] =	vst v0  }
0x284: {  	v0 =	vld.idx.msk [tilespmem:v2+s11+$0x0], $0xffff  }
0x285: {  	v2 =	vor.u32 v60, v1;
	_ =	sdelay $0x3  }
0x286: {  	[tilespmem:s30+$0xB0] =	vst v0  }
0x287: {  	v0 =	vld.idx.msk [tilespmem:v2+s11+$0x0], $0xffff  }
0x288: {  	v2 =	vor.u32 v61, v1;
	_ =	sdelay $0x3  }
0x289: {  	[tilespmem:s30+$0xC0] =	vst v0  }
0x28a: {  	v0 =	vld.idx.msk [tilespmem:v2+s11+$0x0], $0xffff  }
0x28b: {  	v2 =	vor.u32 v62, v1;
	_ =	sdelay $0x3  }
0x28c: {  	[tilespmem:s30+$0xD0] =	vst v0  }
0x28d: {  	v0 =	vld.idx.msk [tilespmem:v2+s11+$0x0], $0xffff  }
0x28e: {  	v1 =	vor.u32 v63, v1;
	_ =	sdelay $0x3  }
0x28f: {  	[tilespmem:s30+$0xE0] =	vst v0  }
0x290: {  	v0 =	vld.idx.msk [tilespmem:v1+s11+$0x0], $0xffff  }
0x291: {  	p1 =	sne.s32 s22, $0x18  }
.Ltmp2:
0x292: {  	_ = 	snop;
	(pc) =	sbr.rel @p1 .LBB2_8-.Ltmp2, $4  }
0x293: {  	s25 =	sshll.u32 s22, $0x11  }
0x294: {  	s25 =	sadd.s32 s4, s25  }
0x295: {  	s31 =	sadd.s32 s6, s25;
	[tilespmem:s30+$0xF0] =	vst v0  }
0x296: {  	[hbm4b:s31+s9] =	stream.strided.scatter [tilespmem:s15], [sflag:$0x3], $0x4000, s14, s9, $0x38;
	[tilespmem:$0x1D400] =	vst v63  }
.Ltmp3:
0x297: {  	(pc) =	sbr.rel .LBB2_9-.Ltmp3, $4  }
0x298: {  	_ = 	snop  }
0x299: {  	_ =	swait.ge [sflag:s16], $0x4000  }
0x29a: {  	[sflag:s16] =	ssyncset.done $0x0  }
0x29b: {  	[sflag:s16] =	ssyncadd.s32 $0xFFFFC000  }
.LBB2_8:
0x29c: {  	s24 =	sshll.u32 s22, $0xA  }
0x29d: {  	s24 =	sand.u32 $0x3FFFFC00, s24  }
.Ltmp4:
0x29e: {  	s24 =	sadd.s32 $0x7400, s24;
	(pc) =	sbr.rel @p0 .LBB2_10-.Ltmp4, $4  }
0x29f: {  	[tilespmem:s11], [sflag:$0x1] =	stream.indirect.gather [hbm4b:s3+s9], $0x20, s24, s9, $0xb8;
	[tilespmem:$0x1D400] =	vst v63  }
0x2a0: {  	_ =	swait.ge [sflag:s16], $0x4000  }
0x2a1: {  	[sflag:s16] =	ssyncset.done $0x0  }
0x2a2: {  	[sflag:s16] =	ssyncadd.s32 $0xFFFFC000  }
.LBB2_9:
0x2a3: {  	_ =	swait.ge [sflag:s17], $0x4000  }
0x2a4: {  	[sflag:s17] =	ssyncset.done $0x0  }
0x2a5: {  	[sflag:s17] =	ssyncadd.s32 $0xFFFFC000  }
.LBB2_10:
0x2a6: {  	s24 =	simm.s32 $0x0  }
0x2a7: {  	v0 =	vmov s24  }
0x2a8: {  	v0 =	vand.u32 $0x1F, v0  }
0x2a9: {  	v0 =	vbroadcast v0, $0x0;
	_ =	sdelay $0x1  }
0x2aa: {  	v1 =	vor.u32 v27, v0;
	_ =	sdelay $0x4  }
0x2ab: {  	v1 =	vld.idx.msk [tilespmem:v1+s12+$0x0], $0xffff  }
0x2ac: {  	v2 =	vor.u32 v33, v0;
	_ =	sdelay $0x2  }
0x2ad: {  	s24 =	simm.s32 $0x0  }
0x2ae: {  	[tilespmem:s24+$0x19400] =	vst v1  }
0x2af: {  	v1 =	vld.idx.msk [tilespmem:v2+s12+$0x0], $0xffff  }
0x2b0: {  	v2 =	vor.u32 v34, v0;
	_ =	sdelay $0x3  }
0x2b1: {  	[tilespmem:s24+$0x19410] =	vst v1  }
0x2b2: {  	v1 =	vld.idx.msk [tilespmem:v2+s12+$0x0], $0xffff  }
0x2b3: {  	v2 =	vor.u32 v35, v0;
	_ =	sdelay $0x3  }
0x2b4: {  	[tilespmem:s24+$0x19420] =	vst v1  }
0x2b5: {  	v1 =	vld.idx.msk [tilespmem:v2+s12+$0x0], $0xffff  }
0x2b6: {  	v2 =	vor.u32 v36, v0;
	_ =	sdelay $0x3  }
0x2b7: {  	[tilespmem:s24+$0x19430] =	vst v1  }
0x2b8: {  	v1 =	vld.idx.msk [tilespmem:v2+s12+$0x0], $0xffff  }
0x2b9: {  	v2 =	vor.u32 v37, v0;
	_ =	sdelay $0x3  }
0x2ba: {  	[tilespmem:s24+$0x19440] =	vst v1  }
0x2bb: {  	v1 =	vld.idx.msk [tilespmem:v2+s12+$0x0], $0xffff  }
0x2bc: {  	v2 =	vor.u32 v38, v0;
	_ =	sdelay $0x3  }
0x2bd: {  	[tilespmem:s24+$0x19450] =	vst v1  }
0x2be: {  	v1 =	vld.idx.msk [tilespmem:v2+s12+$0x0], $0xffff  }
0x2bf: {  	v2 =	vor.u32 v39, v0;
	_ =	sdelay $0x3  }
0x2c0: {  	[tilespmem:s24+$0x19460] =	vst v1  }
0x2c1: {  	v1 =	vld.idx.msk [tilespmem:v2+s12+$0x0], $0xffff  }
0x2c2: {  	v2 =	vor.u32 v40, v0;
	_ =	sdelay $0x3  }
0x2c3: {  	[tilespmem:s24+$0x19470] =	vst v1  }
0x2c4: {  	v1 =	vld.idx.msk [tilespmem:v2+s12+$0x0], $0xffff  }
0x2c5: {  	v2 =	vor.u32 v41, v0;
	_ =	sdelay $0x3  }
0x2c6: {  	[tilespmem:s24+$0x19480] =	vst v1  }
0x2c7: {  	v1 =	vld.idx.msk [tilespmem:v2+s12+$0x0], $0xffff  }
0x2c8: {  	v2 =	vor.u32 v42, v0;
	_ =	sdelay $0x3  }
0x2c9: {  	[tilespmem:s24+$0x19490] =	vst v1  }
0x2ca: {  	v1 =	vld.idx.msk [tilespmem:v2+s12+$0x0], $0xffff  }
0x2cb: {  	v2 =	vor.u32 v43, v0;
	_ =	sdelay $0x3  }
0x2cc: {  	[tilespmem:s24+$0x194A0] =	vst v1  }
0x2cd: {  	v1 =	vld.idx.msk [tilespmem:v2+s12+$0x0], $0xffff  }
0x2ce: {  	v2 =	vor.u32 v44, v0;
	_ =	sdelay $0x3  }
0x2cf: {  	[tilespmem:s24+$0x194B0] =	vst v1  }
0x2d0: {  	v1 =	vld.idx.msk [tilespmem:v2+s12+$0x0], $0xffff  }
0x2d1: {  	v2 =	vor.u32 v45, v0;
	_ =	sdelay $0x3  }
0x2d2: {  	[tilespmem:s24+$0x194C0] =	vst v1  }
0x2d3: {  	v1 =	vld.idx.msk [tilespmem:v2+s12+$0x0], $0xffff  }
0x2d4: {  	v2 =	vor.u32 v46, v0;
	_ =	sdelay $0x3  }
0x2d5: {  	[tilespmem:s24+$0x194D0] =	vst v1  }
0x2d6: {  	v1 =	vld.idx.msk [tilespmem:v2+s12+$0x0], $0xffff  }
0x2d7: {  	v2 =	vor.u32 v47, v0;
	_ =	sdelay $0x3  }
0x2d8: {  	[tilespmem:s24+$0x194E0] =	vst v1  }
0x2d9: {  	v1 =	vld.idx.msk [tilespmem:v2+s12+$0x0], $0xffff  }
0x2da: {  	v2 =	vor.u32 v48, v0;
	_ =	sdelay $0x3  }
0x2db: {  	[tilespmem:s24+$0x194F0] =	vst v1  }
0x2dc: {  	v1 =	vld.idx.msk [tilespmem:v2+s12+$0x0], $0xffff  }
0x2dd: {  	v2 =	vor.u32 v49, v0;
	_ =	sdelay $0x3  }
0x2de: {  	[tilespmem:s24+$0x19500] =	vst v1  }
0x2df: {  	v1 =	vld.idx.msk [tilespmem:v2+s12+$0x0], $0xffff  }
0x2e0: {  	v2 =	vor.u32 v50, v0;
	_ =	sdelay $0x3  }
0x2e1: {  	[tilespmem:s24+$0x19510] =	vst v1  }
0x2e2: {  	v1 =	vld.idx.msk [tilespmem:v2+s12+$0x0], $0xffff  }
0x2e3: {  	v2 =	vor.u32 v51, v0;
	_ =	sdelay $0x3  }
0x2e4: {  	[tilespmem:s24+$0x19520] =	vst v1  }
0x2e5: {  	v1 =	vld.idx.msk [tilespmem:v2+s12+$0x0], $0xffff  }
0x2e6: {  	v2 =	vor.u32 v52, v0;
	_ =	sdelay $0x3  }
0x2e7: {  	[tilespmem:s24+$0x19530] =	vst v1  }
0x2e8: {  	v1 =	vld.idx.msk [tilespmem:v2+s12+$0x0], $0xffff  }
0x2e9: {  	v2 =	vor.u32 v53, v0;
	_ =	sdelay $0x3  }
0x2ea: {  	[tilespmem:s24+$0x19540] =	vst v1  }
0x2eb: {  	v1 =	vld.idx.msk [tilespmem:v2+s12+$0x0], $0xffff  }
0x2ec: {  	v2 =	vor.u32 v54, v0;
	_ =	sdelay $0x3  }
0x2ed: {  	[tilespmem:s24+$0x19550] =	vst v1  }
0x2ee: {  	v1 =	vld.idx.msk [tilespmem:v2+s12+$0x0], $0xffff  }
0x2ef: {  	v2 =	vor.u32 v55, v0;
	_ =	sdelay $0x3  }
0x2f0: {  	[tilespmem:s24+$0x19560] =	vst v1  }
0x2f1: {  	v1 =	vld.idx.msk [tilespmem:v2+s12+$0x0], $0xffff  }
0x2f2: {  	v2 =	vor.u32 v56, v0;
	_ =	sdelay $0x3  }
0x2f3: {  	[tilespmem:s24+$0x19570] =	vst v1  }
0x2f4: {  	v1 =	vld.idx.msk [tilespmem:v2+s12+$0x0], $0xffff  }
0x2f5: {  	v2 =	vor.u32 v57, v0;
	_ =	sdelay $0x3  }
0x2f6: {  	[tilespmem:s24+$0x19580] =	vst v1  }
0x2f7: {  	v1 =	vld.idx.msk [tilespmem:v2+s12+$0x0], $0xffff  }
0x2f8: {  	v2 =	vor.u32 v58, v0;
	_ =	sdelay $0x3  }
0x2f9: {  	[tilespmem:s24+$0x19590] =	vst v1  }
0x2fa: {  	v1 =	vld.idx.msk [tilespmem:v2+s12+$0x0], $0xffff  }
0x2fb: {  	v2 =	vor.u32 v59, v0;
	_ =	sdelay $0x3  }
0x2fc: {  	[tilespmem:s24+$0x195A0] =	vst v1  }
0x2fd: {  	v1 =	vld.idx.msk [tilespmem:v2+s12+$0x0], $0xffff  }
0x2fe: {  	v2 =	vor.u32 v60, v0;
	_ =	sdelay $0x3  }
0x2ff: {  	[tilespmem:s24+$0x195B0] =	vst v1  }
0x300: {  	v1 =	vld.idx.msk [tilespmem:v2+s12+$0x0], $0xffff  }
0x301: {  	v2 =	vor.u32 v61, v0;
	_ =	sdelay $0x3  }
0x302: {  	[tilespmem:s24+$0x195C0] =	vst v1  }
0x303: {  	v1 =	vld.idx.msk [tilespmem:v2+s12+$0x0], $0xffff  }
0x304: {  	v2 =	vor.u32 v62, v0;
	_ =	sdelay $0x3  }
0x305: {  	[tilespmem:s24+$0x195D0] =	vst v1  }
0x306: {  	v2 =	vld.idx.msk [tilespmem:v2+s12+$0x0], $0xffff  }
0x307: {  	v0 =	vor.u32 v63, v0;
	_ =	sdelay $0x1  }
0x308: {  	s26 =	simm.s32 $0x1  }
0x309: {  	s22 =	sadd.s32 $0x1, s22;
	s25 =	simm.s32 $0x800;
	s28 =	simm.s32 $0x1000;
	v1 =	vmov s26  }
.LBB2_11:
0x30a: {  	p0 =	sne.s32 s28, $0xF800;
	v1 =	vand.u32 $0x1F, v1;
	[tilespmem:s24+$0x195E0] =	vst v2  }
0x30b: {  	v1 =	vbroadcast v1, $0x0;
	v0 =	vld.idx.msk [tilespmem:v0+s12+$0x0], $0xffff;
	_ =	sdelay $0x1  }
0x30c: {  	v2 =	vor.u32 v27, v1;
	_ =	sdelay $0x3  }
0x30d: {  	[tilespmem:s24+$0x195F0] =	vst v0  }
0x30e: {  	v0 =	vld.idx.msk [tilespmem:v2+s12+$0x0], $0xffff;
	_ =	sdelay $0x1  }
0x30f: {  	v2 =	vor.u32 v33, v1;
	_ =	sdelay $0x2  }
0x310: {  	s24 =	sshra.s32 s25, $0x2;
	s25 =	smov.u32 s28  }
0x311: {  	[tilespmem:s24+$0x19400] =	vst v0  }
0x312: {  	v0 =	vld.idx.msk [tilespmem:v2+s12+$0x0], $0xffff;
	_ =	sdelay $0x1  }
0x313: {  	v2 =	vor.u32 v34, v1;
	_ =	sdelay $0x3  }
0x314: {  	[tilespmem:s24+$0x19410] =	vst v0  }
0x315: {  	v0 =	vld.idx.msk [tilespmem:v2+s12+$0x0], $0xffff;
	_ =	sdelay $0x1  }
0x316: {  	v2 =	vor.u32 v35, v1;
	_ =	sdelay $0x3  }
0x317: {  	[tilespmem:s24+$0x19420] =	vst v0  }
0x318: {  	v0 =	vld.idx.msk [tilespmem:v2+s12+$0x0], $0xffff;
	_ =	sdelay $0x1  }
0x319: {  	v2 =	vor.u32 v36, v1;
	_ =	sdelay $0x3  }
0x31a: {  	[tilespmem:s24+$0x19430] =	vst v0  }
0x31b: {  	v0 =	vld.idx.msk [tilespmem:v2+s12+$0x0], $0xffff;
	_ =	sdelay $0x1  }
0x31c: {  	v2 =	vor.u32 v37, v1;
	_ =	sdelay $0x3  }
0x31d: {  	[tilespmem:s24+$0x19440] =	vst v0  }
0x31e: {  	v0 =	vld.idx.msk [tilespmem:v2+s12+$0x0], $0xffff;
	_ =	sdelay $0x1  }
0x31f: {  	v2 =	vor.u32 v38, v1;
	_ =	sdelay $0x3  }
0x320: {  	[tilespmem:s24+$0x19450] =	vst v0  }
0x321: {  	v0 =	vld.idx.msk [tilespmem:v2+s12+$0x0], $0xffff;
	_ =	sdelay $0x1  }
0x322: {  	v2 =	vor.u32 v39, v1;
	_ =	sdelay $0x3  }
0x323: {  	[tilespmem:s24+$0x19460] =	vst v0  }
0x324: {  	v0 =	vld.idx.msk [tilespmem:v2+s12+$0x0], $0xffff;
	_ =	sdelay $0x1  }
0x325: {  	v2 =	vor.u32 v40, v1;
	_ =	sdelay $0x3  }
0x326: {  	[tilespmem:s24+$0x19470] =	vst v0  }
0x327: {  	v0 =	vld.idx.msk [tilespmem:v2+s12+$0x0], $0xffff;
	_ =	sdelay $0x1  }
0x328: {  	v2 =	vor.u32 v41, v1;
	_ =	sdelay $0x3  }
0x329: {  	[tilespmem:s24+$0x19480] =	vst v0  }
0x32a: {  	v0 =	vld.idx.msk [tilespmem:v2+s12+$0x0], $0xffff;
	_ =	sdelay $0x1  }
0x32b: {  	v2 =	vor.u32 v42, v1;
	_ =	sdelay $0x3  }
0x32c: {  	[tilespmem:s24+$0x19490] =	vst v0  }
0x32d: {  	v0 =	vld.idx.msk [tilespmem:v2+s12+$0x0], $0xffff;
	_ =	sdelay $0x1  }
0x32e: {  	v2 =	vor.u32 v43, v1;
	_ =	sdelay $0x3  }
0x32f: {  	[tilespmem:s24+$0x194A0] =	vst v0  }
0x330: {  	v0 =	vld.idx.msk [tilespmem:v2+s12+$0x0], $0xffff;
	_ =	sdelay $0x1  }
0x331: {  	v2 =	vor.u32 v44, v1;
	_ =	sdelay $0x3  }
0x332: {  	[tilespmem:s24+$0x194B0] =	vst v0  }
0x333: {  	v0 =	vld.idx.msk [tilespmem:v2+s12+$0x0], $0xffff;
	_ =	sdelay $0x1  }
0x334: {  	v2 =	vor.u32 v45, v1;
	_ =	sdelay $0x3  }
0x335: {  	[tilespmem:s24+$0x194C0] =	vst v0  }
0x336: {  	v0 =	vld.idx.msk [tilespmem:v2+s12+$0x0], $0xffff;
	_ =	sdelay $0x1  }
0x337: {  	v2 =	vor.u32 v46, v1;
	_ =	sdelay $0x3  }
0x338: {  	[tilespmem:s24+$0x194D0] =	vst v0  }
0x339: {  	v0 =	vld.idx.msk [tilespmem:v2+s12+$0x0], $0xffff;
	_ =	sdelay $0x1  }
0x33a: {  	v2 =	vor.u32 v47, v1;
	_ =	sdelay $0x3  }
0x33b: {  	[tilespmem:s24+$0x194E0] =	vst v0  }
0x33c: {  	v0 =	vld.idx.msk [tilespmem:v2+s12+$0x0], $0xffff;
	_ =	sdelay $0x1  }
0x33d: {  	v2 =	vor.u32 v48, v1;
	_ =	sdelay $0x3  }
0x33e: {  	[tilespmem:s24+$0x194F0] =	vst v0  }
0x33f: {  	v0 =	vld.idx.msk [tilespmem:v2+s12+$0x0], $0xffff;
	_ =	sdelay $0x1  }
0x340: {  	v2 =	vor.u32 v49, v1;
	_ =	sdelay $0x3  }
0x341: {  	[tilespmem:s24+$0x19500] =	vst v0  }
0x342: {  	v0 =	vld.idx.msk [tilespmem:v2+s12+$0x0], $0xffff;
	_ =	sdelay $0x1  }
0x343: {  	v2 =	vor.u32 v50, v1;
	_ =	sdelay $0x3  }
0x344: {  	[tilespmem:s24+$0x19510] =	vst v0  }
0x345: {  	v0 =	vld.idx.msk [tilespmem:v2+s12+$0x0], $0xffff;
	_ =	sdelay $0x1  }
0x346: {  	v2 =	vor.u32 v51, v1;
	_ =	sdelay $0x3  }
0x347: {  	[tilespmem:s24+$0x19520] =	vst v0  }
0x348: {  	v0 =	vld.idx.msk [tilespmem:v2+s12+$0x0], $0xffff;
	_ =	sdelay $0x1  }
0x349: {  	v2 =	vor.u32 v52, v1;
	_ =	sdelay $0x3  }
0x34a: {  	[tilespmem:s24+$0x19530] =	vst v0  }
0x34b: {  	v0 =	vld.idx.msk [tilespmem:v2+s12+$0x0], $0xffff;
	_ =	sdelay $0x1  }
0x34c: {  	v2 =	vor.u32 v53, v1;
	_ =	sdelay $0x3  }
0x34d: {  	[tilespmem:s24+$0x19540] =	vst v0  }
0x34e: {  	v0 =	vld.idx.msk [tilespmem:v2+s12+$0x0], $0xffff;
	_ =	sdelay $0x1  }
0x34f: {  	v2 =	vor.u32 v54, v1;
	_ =	sdelay $0x3  }
0x350: {  	[tilespmem:s24+$0x19550] =	vst v0  }
0x351: {  	v0 =	vld.idx.msk [tilespmem:v2+s12+$0x0], $0xffff;
	_ =	sdelay $0x1  }
0x352: {  	v2 =	vor.u32 v55, v1;
	_ =	sdelay $0x3  }
0x353: {  	[tilespmem:s24+$0x19560] =	vst v0  }
0x354: {  	v0 =	vld.idx.msk [tilespmem:v2+s12+$0x0], $0xffff;
	_ =	sdelay $0x1  }
0x355: {  	v2 =	vor.u32 v56, v1;
	_ =	sdelay $0x3  }
0x356: {  	[tilespmem:s24+$0x19570] =	vst v0  }
0x357: {  	v0 =	vld.idx.msk [tilespmem:v2+s12+$0x0], $0xffff;
	_ =	sdelay $0x1  }
0x358: {  	v2 =	vor.u32 v57, v1;
	_ =	sdelay $0x3  }
0x359: {  	[tilespmem:s24+$0x19580] =	vst v0  }
0x35a: {  	v0 =	vld.idx.msk [tilespmem:v2+s12+$0x0], $0xffff;
	_ =	sdelay $0x1  }
0x35b: {  	v2 =	vor.u32 v58, v1;
	_ =	sdelay $0x3  }
0x35c: {  	[tilespmem:s24+$0x19590] =	vst v0  }
0x35d: {  	v0 =	vld.idx.msk [tilespmem:v2+s12+$0x0], $0xffff;
	_ =	sdelay $0x1  }
0x35e: {  	v2 =	vor.u32 v59, v1;
	_ =	sdelay $0x3  }
0x35f: {  	[tilespmem:s24+$0x195A0] =	vst v0  }
0x360: {  	v0 =	vld.idx.msk [tilespmem:v2+s12+$0x0], $0xffff;
	_ =	sdelay $0x1  }
0x361: {  	v2 =	vor.u32 v60, v1;
	_ =	sdelay $0x3  }
0x362: {  	[tilespmem:s24+$0x195B0] =	vst v0  }
0x363: {  	v0 =	vld.idx.msk [tilespmem:v2+s12+$0x0], $0xffff;
	_ =	sdelay $0x1  }
0x364: {  	v2 =	vor.u32 v61, v1;
	_ =	sdelay $0x3  }
0x365: {  	[tilespmem:s24+$0x195C0] =	vst v0  }
0x366: {  	v0 =	vld.idx.msk [tilespmem:v2+s12+$0x0], $0xffff;
	_ =	sdelay $0x1  }
0x367: {  	v2 =	vor.u32 v62, v1;
	_ =	sdelay $0x3  }
0x368: {  	[tilespmem:s24+$0x195D0] =	vst v0  }
0x369: {  	v2 =	vld.idx.msk [tilespmem:v2+s12+$0x0], $0xffff  }
.Ltmp5:
0x36a: {  	(pc) =	sbr.rel @p0 .LBB2_11-.Ltmp5, $3  }
0x36b: {  	v0 =	vor.u32 v63, v1;
	_ =	sdelay $0x1  }
0x36c: {  	s26 =	sadd.s32 $0x1, s26  }
0x36d: {  	s28 =	sadd.s32 $0x800, s28;
	v1 =	vmov s26  }
0x36e: {  	_ =	sdelay $0x1  }
0x36f: {  	v1 =	vand.u32 $0x1F, v1  }
0x370: {  	[tilespmem:s24+$0x195E0] =	vst v2;
	v1 =	vbroadcast v1, $0x0  }
0x371: {  	v0 =	vld.idx.msk [tilespmem:v0+s12+$0x0], $0xffff  }
0x372: {  	v2 =	vor.u32 v27, v1;
	_ =	sdelay $0x3  }
0x373: {  	[tilespmem:s24+$0x195F0] =	vst v0  }
0x374: {  	v0 =	vld.idx.msk [tilespmem:v2+s12+$0x0], $0xffff  }
0x375: {  	v2 =	vor.u32 v33, v1;
	_ =	sdelay $0x2  }
0x376: {  	s31 =	sshra.s32 s25, $0x2  }
0x377: {  	[tilespmem:s31+$0x19400] =	vst v0  }
0x378: {  	v0 =	vld.idx.msk [tilespmem:v2+s12+$0x0], $0xffff  }
0x379: {  	v2 =	vor.u32 v34, v1;
	_ =	sdelay $0x3  }
0x37a: {  	[tilespmem:s31+$0x19410] =	vst v0  }
0x37b: {  	v0 =	vld.idx.msk [tilespmem:v2+s12+$0x0], $0xffff  }
0x37c: {  	v2 =	vor.u32 v35, v1;
	_ =	sdelay $0x3  }
0x37d: {  	[tilespmem:s31+$0x19420] =	vst v0  }
0x37e: {  	v0 =	vld.idx.msk [tilespmem:v2+s12+$0x0], $0xffff  }
0x37f: {  	v2 =	vor.u32 v36, v1;
	_ =	sdelay $0x3  }
0x380: {  	[tilespmem:s31+$0x19430] =	vst v0  }
0x381: {  	v0 =	vld.idx.msk [tilespmem:v2+s12+$0x0], $0xffff  }
0x382: {  	v2 =	vor.u32 v37, v1;
	_ =	sdelay $0x3  }
0x383: {  	[tilespmem:s31+$0x19440] =	vst v0  }
0x384: {  	v0 =	vld.idx.msk [tilespmem:v2+s12+$0x0], $0xffff  }
0x385: {  	v2 =	vor.u32 v38, v1;
	_ =	sdelay $0x3  }
0x386: {  	[tilespmem:s31+$0x19450] =	vst v0  }
0x387: {  	v0 =	vld.idx.msk [tilespmem:v2+s12+$0x0], $0xffff  }
0x388: {  	v2 =	vor.u32 v39, v1;
	_ =	sdelay $0x3  }
0x389: {  	[tilespmem:s31+$0x19460] =	vst v0  }
0x38a: {  	v0 =	vld.idx.msk [tilespmem:v2+s12+$0x0], $0xffff  }
0x38b: {  	v2 =	vor.u32 v40, v1;
	_ =	sdelay $0x3  }
0x38c: {  	[tilespmem:s31+$0x19470] =	vst v0  }
0x38d: {  	v0 =	vld.idx.msk [tilespmem:v2+s12+$0x0], $0xffff  }
0x38e: {  	v2 =	vor.u32 v41, v1;
	_ =	sdelay $0x3  }
0x38f: {  	[tilespmem:s31+$0x19480] =	vst v0  }
0x390: {  	v0 =	vld.idx.msk [tilespmem:v2+s12+$0x0], $0xffff  }
0x391: {  	v2 =	vor.u32 v42, v1;
	_ =	sdelay $0x3  }
0x392: {  	[tilespmem:s31+$0x19490] =	vst v0  }
0x393: {  	v0 =	vld.idx.msk [tilespmem:v2+s12+$0x0], $0xffff  }
0x394: {  	v2 =	vor.u32 v43, v1;
	_ =	sdelay $0x3  }
0x395: {  	[tilespmem:s31+$0x194A0] =	vst v0  }
0x396: {  	v0 =	vld.idx.msk [tilespmem:v2+s12+$0x0], $0xffff  }
0x397: {  	v2 =	vor.u32 v44, v1;
	_ =	sdelay $0x3  }
0x398: {  	[tilespmem:s31+$0x194B0] =	vst v0  }
0x399: {  	v0 =	vld.idx.msk [tilespmem:v2+s12+$0x0], $0xffff  }
0x39a: {  	v2 =	vor.u32 v45, v1;
	_ =	sdelay $0x3  }
0x39b: {  	[tilespmem:s31+$0x194C0] =	vst v0  }
0x39c: {  	v0 =	vld.idx.msk [tilespmem:v2+s12+$0x0], $0xffff  }
0x39d: {  	v2 =	vor.u32 v46, v1;
	_ =	sdelay $0x3  }
0x39e: {  	[tilespmem:s31+$0x194D0] =	vst v0  }
0x39f: {  	v0 =	vld.idx.msk [tilespmem:v2+s12+$0x0], $0xffff  }
0x3a0: {  	v2 =	vor.u32 v47, v1;
	_ =	sdelay $0x3  }
0x3a1: {  	[tilespmem:s31+$0x194E0] =	vst v0  }
0x3a2: {  	v0 =	vld.idx.msk [tilespmem:v2+s12+$0x0], $0xffff  }
0x3a3: {  	v2 =	vor.u32 v48, v1;
	_ =	sdelay $0x3  }
0x3a4: {  	[tilespmem:s31+$0x194F0] =	vst v0  }
0x3a5: {  	v0 =	vld.idx.msk [tilespmem:v2+s12+$0x0], $0xffff  }
0x3a6: {  	v2 =	vor.u32 v49, v1;
	_ =	sdelay $0x3  }
0x3a7: {  	[tilespmem:s31+$0x19500] =	vst v0  }
0x3a8: {  	v0 =	vld.idx.msk [tilespmem:v2+s12+$0x0], $0xffff  }
0x3a9: {  	v2 =	vor.u32 v50, v1;
	_ =	sdelay $0x3  }
0x3aa: {  	[tilespmem:s31+$0x19510] =	vst v0  }
0x3ab: {  	v0 =	vld.idx.msk [tilespmem:v2+s12+$0x0], $0xffff  }
0x3ac: {  	v2 =	vor.u32 v51, v1;
	_ =	sdelay $0x3  }
0x3ad: {  	[tilespmem:s31+$0x19520] =	vst v0  }
0x3ae: {  	v0 =	vld.idx.msk [tilespmem:v2+s12+$0x0], $0xffff  }
0x3af: {  	v2 =	vor.u32 v52, v1;
	_ =	sdelay $0x3  }
0x3b0: {  	[tilespmem:s31+$0x19530] =	vst v0  }
0x3b1: {  	v0 =	vld.idx.msk [tilespmem:v2+s12+$0x0], $0xffff  }
0x3b2: {  	v2 =	vor.u32 v53, v1;
	_ =	sdelay $0x3  }
0x3b3: {  	[tilespmem:s31+$0x19540] =	vst v0  }
0x3b4: {  	v0 =	vld.idx.msk [tilespmem:v2+s12+$0x0], $0xffff  }
0x3b5: {  	v2 =	vor.u32 v54, v1;
	_ =	sdelay $0x3  }
0x3b6: {  	[tilespmem:s31+$0x19550] =	vst v0  }
0x3b7: {  	v0 =	vld.idx.msk [tilespmem:v2+s12+$0x0], $0xffff  }
0x3b8: {  	v2 =	vor.u32 v55, v1;
	_ =	sdelay $0x3  }
0x3b9: {  	[tilespmem:s31+$0x19560] =	vst v0  }
0x3ba: {  	v0 =	vld.idx.msk [tilespmem:v2+s12+$0x0], $0xffff  }
0x3bb: {  	v2 =	vor.u32 v56, v1;
	_ =	sdelay $0x3  }
0x3bc: {  	[tilespmem:s31+$0x19570] =	vst v0  }
0x3bd: {  	v0 =	vld.idx.msk [tilespmem:v2+s12+$0x0], $0xffff  }
0x3be: {  	v2 =	vor.u32 v57, v1;
	_ =	sdelay $0x3  }
0x3bf: {  	[tilespmem:s31+$0x19580] =	vst v0  }
0x3c0: {  	v0 =	vld.idx.msk [tilespmem:v2+s12+$0x0], $0xffff  }
0x3c1: {  	v2 =	vor.u32 v58, v1;
	_ =	sdelay $0x3  }
0x3c2: {  	[tilespmem:s31+$0x19590] =	vst v0  }
0x3c3: {  	v0 =	vld.idx.msk [tilespmem:v2+s12+$0x0], $0xffff  }
0x3c4: {  	v2 =	vor.u32 v59, v1;
	_ =	sdelay $0x3  }
0x3c5: {  	[tilespmem:s31+$0x195A0] =	vst v0  }
0x3c6: {  	v0 =	vld.idx.msk [tilespmem:v2+s12+$0x0], $0xffff  }
0x3c7: {  	v2 =	vor.u32 v60, v1;
	_ =	sdelay $0x3  }
0x3c8: {  	[tilespmem:s31+$0x195B0] =	vst v0  }
0x3c9: {  	v0 =	vld.idx.msk [tilespmem:v2+s12+$0x0], $0xffff  }
0x3ca: {  	v2 =	vor.u32 v61, v1;
	_ =	sdelay $0x3  }
0x3cb: {  	[tilespmem:s31+$0x195C0] =	vst v0  }
0x3cc: {  	v0 =	vld.idx.msk [tilespmem:v2+s12+$0x0], $0xffff  }
0x3cd: {  	v2 =	vor.u32 v62, v1;
	_ =	sdelay $0x3  }
0x3ce: {  	[tilespmem:s31+$0x195D0] =	vst v0  }
0x3cf: {  	v0 =	vld.idx.msk [tilespmem:v2+s12+$0x0], $0xffff  }
0x3d0: {  	v1 =	vor.u32 v63, v1;
	_ =	sdelay $0x3  }
0x3d1: {  	[tilespmem:s31+$0x195E0] =	vst v0  }
0x3d2: {  	v0 =	vld.idx.msk [tilespmem:v1+s12+$0x0], $0xffff  }
0x3d3: {  	p0 =	sne.s32 s22, $0x19  }
.Ltmp6:
0x3d4: {  	_ = 	snop;
	(pc) =	sbr.rel @p0 .LBB2_4-.Ltmp6, $4  }
0x3d5: {  	s23 =	sshll.u32 s23, $0x10  }
0x3d6: {  	s23 =	sadd.s32 s4, s23  }
0x3d7: {  	s23 =	sadd.s32 s6, s23;
	[tilespmem:s31+$0x195F0] =	vst v0  }
0x3d8: {  	[hbm4b:s23+s9] =	stream.strided.scatter [tilespmem:s18], [sflag:$0x4], $0x4000, s14, s9, $0x38;
	[tilespmem:$0x1D400] =	vst v63  }
0x3d9: {  	_ =	swait.ge [sflag:s19], $0x4000;
	s20 =	sadd.s32 $0x1, s20  }
0x3da: {  	[sflag:s19] =	ssyncset.done $0x0;
	p0 =	sne.s32 s20, s7  }
.Ltmp7:
0x3db: {  	[sflag:s19] =	ssyncadd.s32 $0xFFFFC000;
	(pc) =	sbr.rel @p0 .LBB2_1-.Ltmp7, $4  }
0x3dc: {  	_ =	swait.ge [sflag:s17], $0x4000  }
0x3dd: {  	v3 =	vld [tilespmem:$0x1FFC0]  }
0x3de: {  	[sflag:s17] =	ssyncset.done $0x0  }
0x3df: {  	v4 =	vld [tilespmem:$0x1FFD0];
	[sflag:s17] =	ssyncadd.s32 $0xFFFFC000  }
0x3e0: {  	_ =	sfence.sel $0x180000  }
0x3e1: {  	[bflag:$0x0] =	sbarrier.arrive $0xFFFF  }
0x3e2: {  	p0 =	sne.s32 s1, $0x0;
	_ =	strace $0x90000047  }
0x3e3: {  	s0 =	sadd.s32 @!p0 $0x100000, s0;
	[bflag:$0x2] =	sbarrier.arrive $0xFFFF  }
0x3e4: {  	[sflag:s0] =	ssyncadd.tile.s32 @!p0 $0x1;
	_ =	shalt  }
.Lfunc_end2:
_tile_overlayer_lowered:
.L_overlay_start_2:
0x3e5: {  	(tag) =	ssettag $0x2  }
0x3e6: {  	s0 =	rddreg [dreg:$0x0];
	s2 =	stileid.u32  }
0x3e7: {  	s1 =	rddreg [dreg:$0x1];
	p0 =	sne.s32 s2, $0x0  }
0x3e8: {  	s3 =	rddreg [dreg:$0x2];
	[bflag:$0x3] =	sbarrier.arrive $0xFFFF;
	s2 =	simm.s32 @!p0 $0x1C05  }
0x3e9: {  	[timem:s3], [sflag:s2] =	dma.local @!p0 [hbm:s0], s1  }
0x3ea: {  	s0 =	simm.s32 @!p0 $0x5  }
0x3eb: {  	_ =	swait.ge @!p0 [sflag:s0], s1  }
0x3ec: {  	s1 =	ssub.s32 @!p0 $0x0, s1;
	[sflag:s0] =	ssyncset.done @!p0 $0x0  }
0x3ed: {  	[sflag:s0] =	ssyncadd.s32 @!p0 s1  }
0x3ee: {  	[bflag:$0x3] =	sbarrier.arrive $0xFFFF  }
0x3ef: {  	_ =	shalt  }

</sc_bundles>
